<compile_context>
chip_gen: v7x
topology: tpu7x:2x2x1
jax: 0.10.2.dev20260603
libtpu: 0.0.44.dev20260713+nightly
codegen_flags: <defaults>
</compile_context>

<pallas_src>
import functools

import jax
import jax.numpy as jnp
from jax import lax
from jax.experimental import pallas as pl
from jax.experimental.pallas import tpu as pltpu
from jax.experimental.pallas import tpu_sc as plsc

B = 16384
NF = 26
ND = 13
VOCAB = 1000000
NW = 32
RPW = B // NW
CPW = RPW // 16
GATH = RPW * NF


def _sc_call(table, ids_t, dense_t, w):
    mesh = plsc.VectorSubcoreMesh(core_axis_name="c", subcore_axis_name="s")

    @functools.partial(
        pl.kernel,
        mesh=mesh,
        out_type=jax.ShapeDtypeStruct((B,), jnp.float32),
        compiler_params=pltpu.CompilerParams(needs_layout_passes=False),
        scratch_types=[
            pltpu.VMEM((NF, RPW), jnp.int32),
            pltpu.VMEM((GATH,), jnp.int32),
            pltpu.VMEM((GATH,), jnp.float32),
            pltpu.VMEM((ND, RPW), jnp.float32),
            pltpu.VMEM((48,), jnp.float32),
            pltpu.VMEM((RPW,), jnp.float32),
            pltpu.SemaphoreType.DMA,
            pltpu.SemaphoreType.DMA,
        ],
    )
    def k(table_h, ids_h, dense_h, w_h, out_h,
          ids2_v, idx_v, vals_v, dv2, w_v, out_v, sema, semb):
        wid = lax.axis_index("s") * 2 + lax.axis_index("c")
        base = wid * RPW
        pltpu.sync_copy(ids_h.at[:, pl.ds(base, RPW)], ids2_v)
        pltpu.sync_copy(dense_h.at[:, pl.ds(base, RPW)], dv2)
        pltpu.sync_copy(w_h, w_v)

        G = ((0, 7), (7, 14), (14, 20), (20, 26))

        def build_group(f0, f1):
            def b(c, _):
                for f in range(f0, f1):
                    g = ids2_v[f, pl.ds(c * 16, 16)]
                    idx_v[pl.ds(f * RPW + c * 16, 16)] = g + f * VOCAB
                return 0
            lax.fori_loop(0, CPW, b, 0)

        def fire(f0, f1, sem):
            n = (f1 - f0) * RPW
            return pltpu.async_copy(
                table_h.at[0].at[idx_v.at[pl.ds(f0 * RPW, n)]],
                vals_v.at[pl.ds(f0 * RPW, n)], sem)

        def rne(x):
            u = plsc.bitcast(x, jnp.uint32)
            r = u + jnp.uint32(0x7FFF) + ((u >> 16) & jnp.uint32(1))
            return plsc.bitcast(r & jnp.uint32(0xFFFF0000), jnp.float32)

        build_group(*G[0])
        c0 = fire(*G[0], sema)
        build_group(*G[1])
        c1 = fire(*G[1], semb)
        build_group(*G[2])
        build_group(*G[3])

        wb = plsc.load_gather(w_v, [jnp.full((16,), 39, jnp.int32)])
        wsp = [rne(plsc.load_gather(w_v, [jnp.full((16,), f, jnp.int32)]))
               for f in range(NF)]
        wdn = [rne(plsc.load_gather(w_v,
                                    [jnp.full((16,), NF + d, jnp.int32)]))
               for d in range(ND)]

        def dense_pass(c, _):
            acc = wb
            for d in range(ND):
                dv = rne(dv2[d, pl.ds(c * 16, 16)])
                acc = acc + dv * wdn[d]
            out_v[pl.ds(c * 16, 16)] = acc
            return 0

        lax.fori_loop(0, CPW, dense_pass, 0)

        def reduce_group(f0, f1):
            def r(c, _):
                acc = out_v[pl.ds(c * 16, 16)]
                for f in range(f0, f1):
                    v = rne(vals_v[pl.ds(f * RPW + c * 16, 16)])
                    acc = acc + v * wsp[f]
                out_v[pl.ds(c * 16, 16)] = acc
                return 0
            lax.fori_loop(0, CPW, r, 0)

        c0.wait()
        reduce_group(*G[0])
        c2 = fire(*G[2], sema)
        c1.wait()
        reduce_group(*G[1])
        c3 = fire(*G[3], semb)
        c2.wait()
        reduce_group(*G[2])
        c3.wait()
        reduce_group(*G[3])

        pltpu.sync_copy(out_v, out_h.at[pl.ds(base, RPW)])

    return k(table, ids_t, dense_t, w)


def kernel(sparse_ids, dense, emb_table, fc_w, fc_b):
    w = jnp.concatenate([fc_w.reshape(-1), fc_b.reshape(-1),
                         jnp.zeros((8,), jnp.float32)])
    out = _sc_call(emb_table.T, sparse_ids.T, dense.T, w)
    return out.reshape(B, 1)

# --- scband reference (transcript-rebuilt; emitter-appended) ---
"""Pipeline reference for scband-lr-layer-38955353374813 (READ-ONLY COPY).

The authoritative reference and input builder live on the scoring server;
editing this copy changes nothing except your own understanding.
"""

import jax, jax.numpy as jnp
import numpy as np

B = 16384
N_SPARSE = 26
VOCAB = 1000000
N_DENSE = 13

def setup_inputs(seed: int = 0) -> dict:
    key = jax.random.key(seed)
    k1, k2, k3, k4 = jax.random.split(key, 4)
    sparse_ids = jax.random.randint(k1, (B, N_SPARSE), 0, VOCAB, dtype=jnp.int64 if jax.config.jax_enable_x64 else jnp.int32).astype(jnp.int32)
    dense = jax.random.normal(k2, (B, N_DENSE), dtype=jnp.float32)
    emb_table = jax.random.normal(k3, (N_SPARSE * VOCAB, 1), dtype=jnp.float32) * 0.01
    fc_w = jax.random.normal(k4, (1, N_SPARSE + N_DENSE), dtype=jnp.float32) * 0.05
    fc_b = jnp.zeros((1,), dtype=jnp.float32)
    return {"sparse_ids": sparse_ids, "dense": dense, "emb_table": emb_table, "fc_w": fc_w, "fc_b": fc_b}

def reference(sparse_ids, dense, emb_table, fc_w, fc_b):
    # per-field offset into the fused embedding table (one table per sparse field, embedding_dim=1)
    offsets = (jnp.arange(N_SPARSE, dtype=sparse_ids.dtype) * VOCAB)[None, :]
    idx = sparse_ids + offsets  # [B, 26]
    sparse_emb = jnp.take(emb_table, idx, axis=0).squeeze(-1)  # [B, 26, 1] -> [B, 26]
    dnn_input = jnp.concatenate((sparse_emb, dense), axis=1)  # [B, 39]
    out = dnn_input @ fc_w.T + fc_b  # [B, 1]
    return out

if __name__ == "__main__":
    import jax
    _d = setup_inputs()
    print(jax.jit(kernel)(*tuple(_d.values())))

</pallas_src>

<mosaic_0001>
#map = affine_map<(d0, d1) -> (0, 0)>
#map1 = affine_map<(d0, d1) -> (0)>
module attributes {stable_mosaic.version = 14 : i64} {
  func.func @k(%arg0: i32, %arg1: i32, %arg2: memref<1x26000000xf32, #tpu.memory_space<hbm>>, %arg3: memref<26x16384xi32, #tpu.memory_space<hbm>>, %arg4: memref<13x16384xf32, #tpu.memory_space<hbm>>, %arg5: memref<48xf32, #tpu.memory_space<hbm>>, %arg6: memref<16384xf32, #tpu.memory_space<hbm>>, %arg7: memref<26x512xi32, #tpu.memory_space<vmem>>, %arg8: memref<13312xi32, #tpu.memory_space<vmem>>, %arg9: memref<13312xf32, #tpu.memory_space<vmem>>, %arg10: memref<13x512xf32, #tpu.memory_space<vmem>>, %arg11: memref<48xf32, #tpu.memory_space<vmem>>, %arg12: memref<512xf32, #tpu.memory_space<vmem>>, %arg13: memref<!tpu.dma_semaphore, #tpu.memory_space<semaphore_mem>>, %arg14: memref<!tpu.dma_semaphore, #tpu.memory_space<semaphore_mem>>) attributes {dimension_semantics = [#tpu.dimension_semantics<core_parallel>, #tpu.dimension_semantics<subcore_parallel>], iteration_bounds = array<i64: 2, 16>, scalar_prefetch = 0 : i64, scratch_operands = 8 : i64, tpu.core_type = #tpu.core_type<sc_vector_subcore>, window_params = [{transform_indices = #map}, {transform_indices = #map}, {transform_indices = #map}, {transform_indices = #map1}, {transform_indices = #map1}]} {
    %mul3A = arith.constant 2 : i32
    %mul3A_0 = arith.muli %arg1, %mul3A : i32
    %add3A = arith.addi %mul3A_0, %arg0 : i32
    %mul3A_1 = arith.constant 512 : i32
    %mul3A_2 = arith.muli %add3A, %mul3A_1 : i32
    "tpu.region"() ({
      %run_scoped3A = tpu.sem_alloc : memref<!tpu.dma_semaphore, #tpu.memory_space<semaphore_mem>>
      %dma_start3A_843 = arith.constant 0 : i32
      %dma_start3A_844 = tpu.memref_slice %arg3[%dma_start3A_843, %mul3A_2] : memref<26x16384xi32, #tpu.memory_space<hbm>> -> memref<26x512xi32, #tpu.memory_space<hbm>>
      %dma_start3A_845 = arith.constant 0 : i32
      %dma_start3A_846 = tpu.memref_slice %arg3[%dma_start3A_845, %mul3A_2] : memref<26x16384xi32, #tpu.memory_space<hbm>> -> memref<26x512xi32, #tpu.memory_space<hbm>>
      tpu.enqueue_dma source(%dma_start3A_846 : memref<26x512xi32, #tpu.memory_space<hbm>>) target(%arg7 : memref<26x512xi32, #tpu.memory_space<vmem>>) target_semaphore(%run_scoped3A : memref<!tpu.dma_semaphore, #tpu.memory_space<semaphore_mem>>)
      %dma_wait3A_847 = arith.constant 0 : i32
      %dma_wait3A_848 = tpu.memref_slice %arg3[%dma_wait3A_847, %mul3A_2] : memref<26x16384xi32, #tpu.memory_space<hbm>> -> memref<26x512xi32, #tpu.memory_space<hbm>>
      %dma_wait3A_849 = arith.constant 0 : i32
      %dma_wait3A_850 = tpu.memref_slice %arg3[%dma_wait3A_849, %mul3A_2] : memref<26x16384xi32, #tpu.memory_space<hbm>> -> memref<26x512xi32, #tpu.memory_space<hbm>>
      tpu.wait_dma2 semaphore(%run_scoped3A : memref<!tpu.dma_semaphore, #tpu.memory_space<semaphore_mem>>) src(%dma_wait3A_850 : memref<26x512xi32, #tpu.memory_space<hbm>>) dst(%arg7 : memref<26x512xi32, #tpu.memory_space<vmem>>)
      tpu.yield
    }) : () -> ()
    "tpu.region"() ({
      %run_scoped3A = tpu.sem_alloc : memref<!tpu.dma_semaphore, #tpu.memory_space<semaphore_mem>>
      %dma_start3A_843 = arith.constant 0 : i32
      %dma_start3A_844 = tpu.memref_slice %arg4[%dma_start3A_843, %mul3A_2] : memref<13x16384xf32, #tpu.memory_space<hbm>> -> memref<13x512xf32, #tpu.memory_space<hbm>>
      %dma_start3A_845 = arith.constant 0 : i32
      %dma_start3A_846 = tpu.memref_slice %arg4[%dma_start3A_845, %mul3A_2] : memref<13x16384xf32, #tpu.memory_space<hbm>> -> memref<13x512xf32, #tpu.memory_space<hbm>>
      tpu.enqueue_dma source(%dma_start3A_846 : memref<13x512xf32, #tpu.memory_space<hbm>>) target(%arg10 : memref<13x512xf32, #tpu.memory_space<vmem>>) target_semaphore(%run_scoped3A : memref<!tpu.dma_semaphore, #tpu.memory_space<semaphore_mem>>)
      %dma_wait3A_847 = arith.constant 0 : i32
      %dma_wait3A_848 = tpu.memref_slice %arg4[%dma_wait3A_847, %mul3A_2] : memref<13x16384xf32, #tpu.memory_space<hbm>> -> memref<13x512xf32, #tpu.memory_space<hbm>>
      %dma_wait3A_849 = arith.constant 0 : i32
      %dma_wait3A_850 = tpu.memref_slice %arg4[%dma_wait3A_849, %mul3A_2] : memref<13x16384xf32, #tpu.memory_space<hbm>> -> memref<13x512xf32, #tpu.memory_space<hbm>>
      tpu.wait_dma2 semaphore(%run_scoped3A : memref<!tpu.dma_semaphore, #tpu.memory_space<semaphore_mem>>) src(%dma_wait3A_850 : memref<13x512xf32, #tpu.memory_space<hbm>>) dst(%arg10 : memref<13x512xf32, #tpu.memory_space<vmem>>)
      tpu.yield
    }) : () -> ()
    "tpu.region"() ({
      %run_scoped3A = tpu.sem_alloc : memref<!tpu.dma_semaphore, #tpu.memory_space<semaphore_mem>>
      tpu.enqueue_dma source(%arg5 : memref<48xf32, #tpu.memory_space<hbm>>) target(%arg11 : memref<48xf32, #tpu.memory_space<vmem>>) target_semaphore(%run_scoped3A : memref<!tpu.dma_semaphore, #tpu.memory_space<semaphore_mem>>)
      tpu.wait_dma2 semaphore(%run_scoped3A : memref<!tpu.dma_semaphore, #tpu.memory_space<semaphore_mem>>) src(%arg5 : memref<48xf32, #tpu.memory_space<hbm>>) dst(%arg11 : memref<48xf32, #tpu.memory_space<vmem>>)
      tpu.yield
    }) : () -> ()
    %scan3A = arith.constant 0 : i32
    %scan3A_3 = arith.constant 0 : i32
    %scan3A_4 = arith.constant 32 : i32
    %scan3A_5 = arith.addi %scan3A_3, %scan3A_4 : i32
    %scan3A_6 = arith.constant 1 : i32
    %scan3A_7 = scf.for %scan3A_843 = %scan3A_3 to %scan3A_5 step %scan3A_6 iter_args(%scan3A_844 = %scan3A) -> (i32)  : i32 {
      %mul3A_845 = arith.constant 16 : i32
      %mul3A_846 = arith.muli %scan3A_843, %mul3A_845 : i32
      %get3A = arith.constant 0 : i32
      %get3A_847 = arith.index_cast %get3A : i32 to index
      %get3A_848 = arith.index_cast %mul3A_846 : i32 to index
      %get3A_849 = tpu.vector_load %arg7[%get3A_847, %get3A_848] {strides = array<i32>} : memref<26x512xi32, #tpu.memory_space<vmem>>, vector<16xi32>,
      %add3A_850 = arith.constant 0 : i32
      %add3A_851 = vector.broadcast %add3A_850 : i32 to vector<16xi32>
      %add3A_852 = arith.addi %get3A_849, %add3A_851 : vector<16xi32>
      %mul3A_853 = arith.constant 16 : i32
      %mul3A_854 = arith.muli %scan3A_843, %mul3A_853 : i32
      %add3A_855 = arith.constant 0 : i32
      %add3A_856 = arith.addi %add3A_855, %mul3A_854 : i32
      %swap3A = arith.index_cast %add3A_856 : i32 to index
      %swap3A_857 = tpu.vector_load %arg8[%swap3A] {strides = array<i32>} : memref<13312xi32, #tpu.memory_space<vmem>>, vector<16xi32>,
      tpu.vector_store %arg8[%swap3A], %add3A_852 {strides = array<i32>} : memref<13312xi32, #tpu.memory_space<vmem>>, vector<16xi32>,
      %mul3A_858 = arith.constant 16 : i32
      %mul3A_859 = arith.muli %scan3A_843, %mul3A_858 : i32
      %get3A_860 = arith.constant 1 : i32
      %get3A_861 = arith.index_cast %get3A_860 : i32 to index
      %get3A_862 = arith.index_cast %mul3A_859 : i32 to index
      %get3A_863 = tpu.vector_load %arg7[%get3A_861, %get3A_862] {strides = array<i32>} : memref<26x512xi32, #tpu.memory_space<vmem>>, vector<16xi32>,
      %add3A_864 = arith.constant 1000000 : i32
      %add3A_865 = vector.broadcast %add3A_864 : i32 to vector<16xi32>
      %add3A_866 = arith.addi %get3A_863, %add3A_865 : vector<16xi32>
      %mul3A_867 = arith.constant 16 : i32
      %mul3A_868 = arith.muli %scan3A_843, %mul3A_867 : i32
      %add3A_869 = arith.constant 512 : i32
      %add3A_870 = arith.addi %add3A_869, %mul3A_868 : i32
      %swap3A_871 = arith.index_cast %add3A_870 : i32 to index
      %swap3A_872 = tpu.vector_load %arg8[%swap3A_871] {strides = array<i32>} : memref<13312xi32, #tpu.memory_space<vmem>>, vector<16xi32>,
      tpu.vector_store %arg8[%swap3A_871], %add3A_866 {strides = array<i32>} : memref<13312xi32, #tpu.memory_space<vmem>>, vector<16xi32>,
      %mul3A_873 = arith.constant 16 : i32
      %mul3A_874 = arith.muli %scan3A_843, %mul3A_873 : i32
      %get3A_875 = arith.constant 2 : i32
      %get3A_876 = arith.index_cast %get3A_875 : i32 to index
      %get3A_877 = arith.index_cast %mul3A_874 : i32 to index
      %get3A_878 = tpu.vector_load %arg7[%get3A_876, %get3A_877] {strides = array<i32>} : memref<26x512xi32, #tpu.memory_space<vmem>>, vector<16xi32>,
      %add3A_879 = arith.constant 2000000 : i32
      %add3A_880 = vector.broadcast %add3A_879 : i32 to vector<16xi32>
      %add3A_881 = arith.addi %get3A_878, %add3A_880 : vector<16xi32>
      %mul3A_882 = arith.constant 16 : i32
      %mul3A_883 = arith.muli %scan3A_843, %mul3A_882 : i32
      %add3A_884 = arith.constant 1024 : i32
      %add3A_885 = arith.addi %add3A_884, %mul3A_883 : i32
      %swap3A_886 = arith.index_cast %add3A_885 : i32 to index
      %swap3A_887 = tpu.vector_load %arg8[%swap3A_886] {strides = array<i32>} : memref<13312xi32, #tpu.memory_space<vmem>>, vector<16xi32>,
      tpu.vector_store %arg8[%swap3A_886], %add3A_881 {strides = array<i32>} : memref<13312xi32, #tpu.memory_space<vmem>>, vector<16xi32>,
      %mul3A_888 = arith.constant 16 : i32
      %mul3A_889 = arith.muli %scan3A_843, %mul3A_888 : i32
      %get3A_890 = arith.constant 3 : i32
      %get3A_891 = arith.index_cast %get3A_890 : i32 to index
      %get3A_892 = arith.index_cast %mul3A_889 : i32 to index
      %get3A_893 = tpu.vector_load %arg7[%get3A_891, %get3A_892] {strides = array<i32>} : memref<26x512xi32, #tpu.memory_space<vmem>>, vector<16xi32>,
      %add3A_894 = arith.constant 3000000 : i32
      %add3A_895 = vector.broadcast %add3A_894 : i32 to vector<16xi32>
      %add3A_896 = arith.addi %get3A_893, %add3A_895 : vector<16xi32>
      %mul3A_897 = arith.constant 16 : i32
      %mul3A_898 = arith.muli %scan3A_843, %mul3A_897 : i32
      %add3A_899 = arith.constant 1536 : i32
      %add3A_900 = arith.addi %add3A_899, %mul3A_898 : i32
      %swap3A_901 = arith.index_cast %add3A_900 : i32 to index
      %swap3A_902 = tpu.vector_load %arg8[%swap3A_901] {strides = array<i32>} : memref<13312xi32, #tpu.memory_space<vmem>>, vector<16xi32>,
      tpu.vector_store %arg8[%swap3A_901], %add3A_896 {strides = array<i32>} : memref<13312xi32, #tpu.memory_space<vmem>>, vector<16xi32>,
      %mul3A_903 = arith.constant 16 : i32
      %mul3A_904 = arith.muli %scan3A_843, %mul3A_903 : i32
      %get3A_905 = arith.constant 4 : i32
      %get3A_906 = arith.index_cast %get3A_905 : i32 to index
      %get3A_907 = arith.index_cast %mul3A_904 : i32 to index
      %get3A_908 = tpu.vector_load %arg7[%get3A_906, %get3A_907] {strides = array<i32>} : memref<26x512xi32, #tpu.memory_space<vmem>>, vector<16xi32>,
      %add3A_909 = arith.constant 4000000 : i32
      %add3A_910 = vector.broadcast %add3A_909 : i32 to vector<16xi32>
      %add3A_911 = arith.addi %get3A_908, %add3A_910 : vector<16xi32>
      %mul3A_912 = arith.constant 16 : i32
      %mul3A_913 = arith.muli %scan3A_843, %mul3A_912 : i32
      %add3A_914 = arith.constant 2048 : i32
      %add3A_915 = arith.addi %add3A_914, %mul3A_913 : i32
      %swap3A_916 = arith.index_cast %add3A_915 : i32 to index
      %swap3A_917 = tpu.vector_load %arg8[%swap3A_916] {strides = array<i32>} : memref<13312xi32, #tpu.memory_space<vmem>>, vector<16xi32>,
      tpu.vector_store %arg8[%swap3A_916], %add3A_911 {strides = array<i32>} : memref<13312xi32, #tpu.memory_space<vmem>>, vector<16xi32>,
      %mul3A_918 = arith.constant 16 : i32
      %mul3A_919 = arith.muli %scan3A_843, %mul3A_918 : i32
      %get3A_920 = arith.constant 5 : i32
      %get3A_921 = arith.index_cast %get3A_920 : i32 to index
      %get3A_922 = arith.index_cast %mul3A_919 : i32 to index
      %get3A_923 = tpu.vector_load %arg7[%get3A_921, %get3A_922] {strides = array<i32>} : memref<26x512xi32, #tpu.memory_space<vmem>>, vector<16xi32>,
      %add3A_924 = arith.constant 5000000 : i32
      %add3A_925 = vector.broadcast %add3A_924 : i32 to vector<16xi32>
      %add3A_926 = arith.addi %get3A_923, %add3A_925 : vector<16xi32>
      %mul3A_927 = arith.constant 16 : i32
      %mul3A_928 = arith.muli %scan3A_843, %mul3A_927 : i32
      %add3A_929 = arith.constant 2560 : i32
      %add3A_930 = arith.addi %add3A_929, %mul3A_928 : i32
      %swap3A_931 = arith.index_cast %add3A_930 : i32 to index
      %swap3A_932 = tpu.vector_load %arg8[%swap3A_931] {strides = array<i32>} : memref<13312xi32, #tpu.memory_space<vmem>>, vector<16xi32>,
      tpu.vector_store %arg8[%swap3A_931], %add3A_926 {strides = array<i32>} : memref<13312xi32, #tpu.memory_space<vmem>>, vector<16xi32>,
      %mul3A_933 = arith.constant 16 : i32
      %mul3A_934 = arith.muli %scan3A_843, %mul3A_933 : i32
      %get3A_935 = arith.constant 6 : i32
      %get3A_936 = arith.index_cast %get3A_935 : i32 to index
      %get3A_937 = arith.index_cast %mul3A_934 : i32 to index
      %get3A_938 = tpu.vector_load %arg7[%get3A_936, %get3A_937] {strides = array<i32>} : memref<26x512xi32, #tpu.memory_space<vmem>>, vector<16xi32>,
      %add3A_939 = arith.constant 6000000 : i32
      %add3A_940 = vector.broadcast %add3A_939 : i32 to vector<16xi32>
      %add3A_941 = arith.addi %get3A_938, %add3A_940 : vector<16xi32>
      %mul3A_942 = arith.constant 16 : i32
      %mul3A_943 = arith.muli %scan3A_843, %mul3A_942 : i32
      %add3A_944 = arith.constant 3072 : i32
      %add3A_945 = arith.addi %add3A_944, %mul3A_943 : i32
      %swap3A_946 = arith.index_cast %add3A_945 : i32 to index
      %swap3A_947 = tpu.vector_load %arg8[%swap3A_946] {strides = array<i32>} : memref<13312xi32, #tpu.memory_space<vmem>>, vector<16xi32>,
      tpu.vector_store %arg8[%swap3A_946], %add3A_941 {strides = array<i32>} : memref<13312xi32, #tpu.memory_space<vmem>>, vector<16xi32>,
      %scan3A_948 = arith.constant 0 : i32
      scf.yield %scan3A_948 : i32
    }
    %scan3A_8 = arith.constant 32 : i32
    %dma_start3A = arith.constant 0 : i32
    %dma_start3A_9 = arith.constant 0 : i32
    %dma_start3A_10 = tpu.memref_slice %arg9[%dma_start3A_9] : memref<13312xf32, #tpu.memory_space<vmem>> -> memref<3584xf32, #tpu.memory_space<vmem>>
    %dma_start3A_11 = arith.constant 0 : i32
    %dma_start3A_12 = tpu.memref_slice %arg8[%dma_start3A_11] : memref<13312xi32, #tpu.memory_space<vmem>> -> memref<3584xi32, #tpu.memory_space<vmem>>
    %dma_start3A_13 = arith.constant 0 : i32
    %dma_start3A_14 = tpu.memref_slice %arg2[%dma_start3A, %dma_start3A_13] : memref<1x26000000xf32, #tpu.memory_space<hbm>> -> memref<1x26000000xf32, #tpu.memory_space<hbm>>
    %dma_start3A_15 = tpu.memref_squeeze %dma_start3A_14 : memref<1x26000000xf32, #tpu.memory_space<hbm>> -> memref<26000000xf32, #tpu.memory_space<hbm>>
    %dma_start3A_16 = arith.constant 0 : i32
    %dma_start3A_17 = tpu.memref_slice %dma_start3A_15[%dma_start3A_16] : memref<26000000xf32, #tpu.memory_space<hbm>> -> memref<26000000xf32, #tpu.memory_space<hbm>>
    tpu.enqueue_indirect_dma source(%dma_start3A_17 : memref<26000000xf32, #tpu.memory_space<hbm>>) target(%dma_start3A_10 : memref<3584xf32, #tpu.memory_space<vmem>>) offsets(%dma_start3A_12 : memref<3584xi32, #tpu.memory_space<vmem>>) semaphore(%arg13 : memref<!tpu.dma_semaphore, #tpu.memory_space<semaphore_mem>>)
    %scan3A_18 = arith.constant 0 : i32
    %scan3A_19 = arith.constant 0 : i32
    %scan3A_20 = arith.constant 32 : i32
    %scan3A_21 = arith.addi %scan3A_19, %scan3A_20 : i32
    %scan3A_22 = arith.constant 1 : i32
    %scan3A_23 = scf.for %scan3A_843 = %scan3A_19 to %scan3A_21 step %scan3A_22 iter_args(%scan3A_844 = %scan3A_18) -> (i32)  : i32 {
      %mul3A_845 = arith.constant 16 : i32
      %mul3A_846 = arith.muli %scan3A_843, %mul3A_845 : i32
      %get3A = arith.constant 7 : i32
      %get3A_847 = arith.index_cast %get3A : i32 to index
      %get3A_848 = arith.index_cast %mul3A_846 : i32 to index
      %get3A_849 = tpu.vector_load %arg7[%get3A_847, %get3A_848] {strides = array<i32>} : memref<26x512xi32, #tpu.memory_space<vmem>>, vector<16xi32>,
      %add3A_850 = arith.constant 7000000 : i32
      %add3A_851 = vector.broadcast %add3A_850 : i32 to vector<16xi32>
      %add3A_852 = arith.addi %get3A_849, %add3A_851 : vector<16xi32>
      %mul3A_853 = arith.constant 16 : i32
      %mul3A_854 = arith.muli %scan3A_843, %mul3A_853 : i32
      %add3A_855 = arith.constant 3584 : i32
      %add3A_856 = arith.addi %add3A_855, %mul3A_854 : i32
      %swap3A = arith.index_cast %add3A_856 : i32 to index
      %swap3A_857 = tpu.vector_load %arg8[%swap3A] {strides = array<i32>} : memref<13312xi32, #tpu.memory_space<vmem>>, vector<16xi32>,
      tpu.vector_store %arg8[%swap3A], %add3A_852 {strides = array<i32>} : memref<13312xi32, #tpu.memory_space<vmem>>, vector<16xi32>,
      %mul3A_858 = arith.constant 16 : i32
      %mul3A_859 = arith.muli %scan3A_843, %mul3A_858 : i32
      %get3A_860 = arith.constant 8 : i32
      %get3A_861 = arith.index_cast %get3A_860 : i32 to index
      %get3A_862 = arith.index_cast %mul3A_859 : i32 to index
      %get3A_863 = tpu.vector_load %arg7[%get3A_861, %get3A_862] {strides = array<i32>} : memref<26x512xi32, #tpu.memory_space<vmem>>, vector<16xi32>,
      %add3A_864 = arith.constant 8000000 : i32
      %add3A_865 = vector.broadcast %add3A_864 : i32 to vector<16xi32>
      %add3A_866 = arith.addi %get3A_863, %add3A_865 : vector<16xi32>
      %mul3A_867 = arith.constant 16 : i32
      %mul3A_868 = arith.muli %scan3A_843, %mul3A_867 : i32
      %add3A_869 = arith.constant 4096 : i32
      %add3A_870 = arith.addi %add3A_869, %mul3A_868 : i32
      %swap3A_871 = arith.index_cast %add3A_870 : i32 to index
      %swap3A_872 = tpu.vector_load %arg8[%swap3A_871] {strides = array<i32>} : memref<13312xi32, #tpu.memory_space<vmem>>, vector<16xi32>,
      tpu.vector_store %arg8[%swap3A_871], %add3A_866 {strides = array<i32>} : memref<13312xi32, #tpu.memory_space<vmem>>, vector<16xi32>,
      %mul3A_873 = arith.constant 16 : i32
      %mul3A_874 = arith.muli %scan3A_843, %mul3A_873 : i32
      %get3A_875 = arith.constant 9 : i32
      %get3A_876 = arith.index_cast %get3A_875 : i32 to index
      %get3A_877 = arith.index_cast %mul3A_874 : i32 to index
      %get3A_878 = tpu.vector_load %arg7[%get3A_876, %get3A_877] {strides = array<i32>} : memref<26x512xi32, #tpu.memory_space<vmem>>, vector<16xi32>,
      %add3A_879 = arith.constant 9000000 : i32
      %add3A_880 = vector.broadcast %add3A_879 : i32 to vector<16xi32>
      %add3A_881 = arith.addi %get3A_878, %add3A_880 : vector<16xi32>
      %mul3A_882 = arith.constant 16 : i32
      %mul3A_883 = arith.muli %scan3A_843, %mul3A_882 : i32
      %add3A_884 = arith.constant 4608 : i32
      %add3A_885 = arith.addi %add3A_884, %mul3A_883 : i32
      %swap3A_886 = arith.index_cast %add3A_885 : i32 to index
      %swap3A_887 = tpu.vector_load %arg8[%swap3A_886] {strides = array<i32>} : memref<13312xi32, #tpu.memory_space<vmem>>, vector<16xi32>,
      tpu.vector_store %arg8[%swap3A_886], %add3A_881 {strides = array<i32>} : memref<13312xi32, #tpu.memory_space<vmem>>, vector<16xi32>,
      %mul3A_888 = arith.constant 16 : i32
      %mul3A_889 = arith.muli %scan3A_843, %mul3A_888 : i32
      %get3A_890 = arith.constant 10 : i32
      %get3A_891 = arith.index_cast %get3A_890 : i32 to index
      %get3A_892 = arith.index_cast %mul3A_889 : i32 to index
      %get3A_893 = tpu.vector_load %arg7[%get3A_891, %get3A_892] {strides = array<i32>} : memref<26x512xi32, #tpu.memory_space<vmem>>, vector<16xi32>,
      %add3A_894 = arith.constant 10000000 : i32
      %add3A_895 = vector.broadcast %add3A_894 : i32 to vector<16xi32>
      %add3A_896 = arith.addi %get3A_893, %add3A_895 : vector<16xi32>
      %mul3A_897 = arith.constant 16 : i32
      %mul3A_898 = arith.muli %scan3A_843, %mul3A_897 : i32
      %add3A_899 = arith.constant 5120 : i32
      %add3A_900 = arith.addi %add3A_899, %mul3A_898 : i32
      %swap3A_901 = arith.index_cast %add3A_900 : i32 to index
      %swap3A_902 = tpu.vector_load %arg8[%swap3A_901] {strides = array<i32>} : memref<13312xi32, #tpu.memory_space<vmem>>, vector<16xi32>,
      tpu.vector_store %arg8[%swap3A_901], %add3A_896 {strides = array<i32>} : memref<13312xi32, #tpu.memory_space<vmem>>, vector<16xi32>,
      %mul3A_903 = arith.constant 16 : i32
      %mul3A_904 = arith.muli %scan3A_843, %mul3A_903 : i32
      %get3A_905 = arith.constant 11 : i32
      %get3A_906 = arith.index_cast %get3A_905 : i32 to index
      %get3A_907 = arith.index_cast %mul3A_904 : i32 to index
      %get3A_908 = tpu.vector_load %arg7[%get3A_906, %get3A_907] {strides = array<i32>} : memref<26x512xi32, #tpu.memory_space<vmem>>, vector<16xi32>,
      %add3A_909 = arith.constant 11000000 : i32
      %add3A_910 = vector.broadcast %add3A_909 : i32 to vector<16xi32>
      %add3A_911 = arith.addi %get3A_908, %add3A_910 : vector<16xi32>
      %mul3A_912 = arith.constant 16 : i32
      %mul3A_913 = arith.muli %scan3A_843, %mul3A_912 : i32
      %add3A_914 = arith.constant 5632 : i32
      %add3A_915 = arith.addi %add3A_914, %mul3A_913 : i32
      %swap3A_916 = arith.index_cast %add3A_915 : i32 to index
      %swap3A_917 = tpu.vector_load %arg8[%swap3A_916] {strides = array<i32>} : memref<13312xi32, #tpu.memory_space<vmem>>, vector<16xi32>,
      tpu.vector_store %arg8[%swap3A_916], %add3A_911 {strides = array<i32>} : memref<13312xi32, #tpu.memory_space<vmem>>, vector<16xi32>,
      %mul3A_918 = arith.constant 16 : i32
      %mul3A_919 = arith.muli %scan3A_843, %mul3A_918 : i32
      %get3A_920 = arith.constant 12 : i32
      %get3A_921 = arith.index_cast %get3A_920 : i32 to index
      %get3A_922 = arith.index_cast %mul3A_919 : i32 to index
      %get3A_923 = tpu.vector_load %arg7[%get3A_921, %get3A_922] {strides = array<i32>} : memref<26x512xi32, #tpu.memory_space<vmem>>, vector<16xi32>,
      %add3A_924 = arith.constant 12000000 : i32
      %add3A_925 = vector.broadcast %add3A_924 : i32 to vector<16xi32>
      %add3A_926 = arith.addi %get3A_923, %add3A_925 : vector<16xi32>
      %mul3A_927 = arith.constant 16 : i32
      %mul3A_928 = arith.muli %scan3A_843, %mul3A_927 : i32
      %add3A_929 = arith.constant 6144 : i32
      %add3A_930 = arith.addi %add3A_929, %mul3A_928 : i32
      %swap3A_931 = arith.index_cast %add3A_930 : i32 to index
      %swap3A_932 = tpu.vector_load %arg8[%swap3A_931] {strides = array<i32>} : memref<13312xi32, #tpu.memory_space<vmem>>, vector<16xi32>,
      tpu.vector_store %arg8[%swap3A_931], %add3A_926 {strides = array<i32>} : memref<13312xi32, #tpu.memory_space<vmem>>, vector<16xi32>,
      %mul3A_933 = arith.constant 16 : i32
      %mul3A_934 = arith.muli %scan3A_843, %mul3A_933 : i32
      %get3A_935 = arith.constant 13 : i32
      %get3A_936 = arith.index_cast %get3A_935 : i32 to index
      %get3A_937 = arith.index_cast %mul3A_934 : i32 to index
      %get3A_938 = tpu.vector_load %arg7[%get3A_936, %get3A_937] {strides = array<i32>} : memref<26x512xi32, #tpu.memory_space<vmem>>, vector<16xi32>,
      %add3A_939 = arith.constant 13000000 : i32
      %add3A_940 = vector.broadcast %add3A_939 : i32 to vector<16xi32>
      %add3A_941 = arith.addi %get3A_938, %add3A_940 : vector<16xi32>
      %mul3A_942 = arith.constant 16 : i32
      %mul3A_943 = arith.muli %scan3A_843, %mul3A_942 : i32
      %add3A_944 = arith.constant 6656 : i32
      %add3A_945 = arith.addi %add3A_944, %mul3A_943 : i32
      %swap3A_946 = arith.index_cast %add3A_945 : i32 to index
      %swap3A_947 = tpu.vector_load %arg8[%swap3A_946] {strides = array<i32>} : memref<13312xi32, #tpu.memory_space<vmem>>, vector<16xi32>,
      tpu.vector_store %arg8[%swap3A_946], %add3A_941 {strides = array<i32>} : memref<13312xi32, #tpu.memory_space<vmem>>, vector<16xi32>,
      %scan3A_948 = arith.constant 0 : i32
      scf.yield %scan3A_948 : i32
    }
    %scan3A_24 = arith.constant 32 : i32
    %dma_start3A_25 = arith.constant 0 : i32
    %dma_start3A_26 = arith.constant 3584 : i32
    %dma_start3A_27 = tpu.memref_slice %arg9[%dma_start3A_26] : memref<13312xf32, #tpu.memory_space<vmem>> -> memref<3584xf32, #tpu.memory_space<vmem>>
    %dma_start3A_28 = arith.constant 3584 : i32
    %dma_start3A_29 = tpu.memref_slice %arg8[%dma_start3A_28] : memref<13312xi32, #tpu.memory_space<vmem>> -> memref<3584xi32, #tpu.memory_space<vmem>>
    %dma_start3A_30 = arith.constant 0 : i32
    %dma_start3A_31 = tpu.memref_slice %arg2[%dma_start3A_25, %dma_start3A_30] : memref<1x26000000xf32, #tpu.memory_space<hbm>> -> memref<1x26000000xf32, #tpu.memory_space<hbm>>
    %dma_start3A_32 = tpu.memref_squeeze %dma_start3A_31 : memref<1x26000000xf32, #tpu.memory_space<hbm>> -> memref<26000000xf32, #tpu.memory_space<hbm>>
    %dma_start3A_33 = arith.constant 0 : i32
    %dma_start3A_34 = tpu.memref_slice %dma_start3A_32[%dma_start3A_33] : memref<26000000xf32, #tpu.memory_space<hbm>> -> memref<26000000xf32, #tpu.memory_space<hbm>>
    tpu.enqueue_indirect_dma source(%dma_start3A_34 : memref<26000000xf32, #tpu.memory_space<hbm>>) target(%dma_start3A_27 : memref<3584xf32, #tpu.memory_space<vmem>>) offsets(%dma_start3A_29 : memref<3584xi32, #tpu.memory_space<vmem>>) semaphore(%arg14 : memref<!tpu.dma_semaphore, #tpu.memory_space<semaphore_mem>>)
    %scan3A_35 = arith.constant 0 : i32
    %scan3A_36 = arith.constant 0 : i32
    %scan3A_37 = arith.constant 32 : i32
    %scan3A_38 = arith.addi %scan3A_36, %scan3A_37 : i32
    %scan3A_39 = arith.constant 1 : i32
    %scan3A_40 = scf.for %scan3A_843 = %scan3A_36 to %scan3A_38 step %scan3A_39 iter_args(%scan3A_844 = %scan3A_35) -> (i32)  : i32 {
      %mul3A_845 = arith.constant 16 : i32
      %mul3A_846 = arith.muli %scan3A_843, %mul3A_845 : i32
      %get3A = arith.constant 14 : i32
      %get3A_847 = arith.index_cast %get3A : i32 to index
      %get3A_848 = arith.index_cast %mul3A_846 : i32 to index
      %get3A_849 = tpu.vector_load %arg7[%get3A_847, %get3A_848] {strides = array<i32>} : memref<26x512xi32, #tpu.memory_space<vmem>>, vector<16xi32>,
      %add3A_850 = arith.constant 14000000 : i32
      %add3A_851 = vector.broadcast %add3A_850 : i32 to vector<16xi32>
      %add3A_852 = arith.addi %get3A_849, %add3A_851 : vector<16xi32>
      %mul3A_853 = arith.constant 16 : i32
      %mul3A_854 = arith.muli %scan3A_843, %mul3A_853 : i32
      %add3A_855 = arith.constant 7168 : i32
      %add3A_856 = arith.addi %add3A_855, %mul3A_854 : i32
      %swap3A = arith.index_cast %add3A_856 : i32 to index
      %swap3A_857 = tpu.vector_load %arg8[%swap3A] {strides = array<i32>} : memref<13312xi32, #tpu.memory_space<vmem>>, vector<16xi32>,
      tpu.vector_store %arg8[%swap3A], %add3A_852 {strides = array<i32>} : memref<13312xi32, #tpu.memory_space<vmem>>, vector<16xi32>,
      %mul3A_858 = arith.constant 16 : i32
      %mul3A_859 = arith.muli %scan3A_843, %mul3A_858 : i32
      %get3A_860 = arith.constant 15 : i32
      %get3A_861 = arith.index_cast %get3A_860 : i32 to index
      %get3A_862 = arith.index_cast %mul3A_859 : i32 to index
      %get3A_863 = tpu.vector_load %arg7[%get3A_861, %get3A_862] {strides = array<i32>} : memref<26x512xi32, #tpu.memory_space<vmem>>, vector<16xi32>,
      %add3A_864 = arith.constant 15000000 : i32
      %add3A_865 = vector.broadcast %add3A_864 : i32 to vector<16xi32>
      %add3A_866 = arith.addi %get3A_863, %add3A_865 : vector<16xi32>
      %mul3A_867 = arith.constant 16 : i32
      %mul3A_868 = arith.muli %scan3A_843, %mul3A_867 : i32
      %add3A_869 = arith.constant 7680 : i32
      %add3A_870 = arith.addi %add3A_869, %mul3A_868 : i32
      %swap3A_871 = arith.index_cast %add3A_870 : i32 to index
      %swap3A_872 = tpu.vector_load %arg8[%swap3A_871] {strides = array<i32>} : memref<13312xi32, #tpu.memory_space<vmem>>, vector<16xi32>,
      tpu.vector_store %arg8[%swap3A_871], %add3A_866 {strides = array<i32>} : memref<13312xi32, #tpu.memory_space<vmem>>, vector<16xi32>,
      %mul3A_873 = arith.constant 16 : i32
      %mul3A_874 = arith.muli %scan3A_843, %mul3A_873 : i32
      %get3A_875 = arith.constant 16 : i32
      %get3A_876 = arith.index_cast %get3A_875 : i32 to index
      %get3A_877 = arith.index_cast %mul3A_874 : i32 to index
      %get3A_878 = tpu.vector_load %arg7[%get3A_876, %get3A_877] {strides = array<i32>} : memref<26x512xi32, #tpu.memory_space<vmem>>, vector<16xi32>,
      %add3A_879 = arith.constant 16000000 : i32
      %add3A_880 = vector.broadcast %add3A_879 : i32 to vector<16xi32>
      %add3A_881 = arith.addi %get3A_878, %add3A_880 : vector<16xi32>
      %mul3A_882 = arith.constant 16 : i32
      %mul3A_883 = arith.muli %scan3A_843, %mul3A_882 : i32
      %add3A_884 = arith.constant 8192 : i32
      %add3A_885 = arith.addi %add3A_884, %mul3A_883 : i32
      %swap3A_886 = arith.index_cast %add3A_885 : i32 to index
      %swap3A_887 = tpu.vector_load %arg8[%swap3A_886] {strides = array<i32>} : memref<13312xi32, #tpu.memory_space<vmem>>, vector<16xi32>,
      tpu.vector_store %arg8[%swap3A_886], %add3A_881 {strides = array<i32>} : memref<13312xi32, #tpu.memory_space<vmem>>, vector<16xi32>,
      %mul3A_888 = arith.constant 16 : i32
      %mul3A_889 = arith.muli %scan3A_843, %mul3A_888 : i32
      %get3A_890 = arith.constant 17 : i32
      %get3A_891 = arith.index_cast %get3A_890 : i32 to index
      %get3A_892 = arith.index_cast %mul3A_889 : i32 to index
      %get3A_893 = tpu.vector_load %arg7[%get3A_891, %get3A_892] {strides = array<i32>} : memref<26x512xi32, #tpu.memory_space<vmem>>, vector<16xi32>,
      %add3A_894 = arith.constant 17000000 : i32
      %add3A_895 = vector.broadcast %add3A_894 : i32 to vector<16xi32>
      %add3A_896 = arith.addi %get3A_893, %add3A_895 : vector<16xi32>
      %mul3A_897 = arith.constant 16 : i32
      %mul3A_898 = arith.muli %scan3A_843, %mul3A_897 : i32
      %add3A_899 = arith.constant 8704 : i32
      %add3A_900 = arith.addi %add3A_899, %mul3A_898 : i32
      %swap3A_901 = arith.index_cast %add3A_900 : i32 to index
      %swap3A_902 = tpu.vector_load %arg8[%swap3A_901] {strides = array<i32>} : memref<13312xi32, #tpu.memory_space<vmem>>, vector<16xi32>,
      tpu.vector_store %arg8[%swap3A_901], %add3A_896 {strides = array<i32>} : memref<13312xi32, #tpu.memory_space<vmem>>, vector<16xi32>,
      %mul3A_903 = arith.constant 16 : i32
      %mul3A_904 = arith.muli %scan3A_843, %mul3A_903 : i32
      %get3A_905 = arith.constant 18 : i32
      %get3A_906 = arith.index_cast %get3A_905 : i32 to index
      %get3A_907 = arith.index_cast %mul3A_904 : i32 to index
      %get3A_908 = tpu.vector_load %arg7[%get3A_906, %get3A_907] {strides = array<i32>} : memref<26x512xi32, #tpu.memory_space<vmem>>, vector<16xi32>,
      %add3A_909 = arith.constant 18000000 : i32
      %add3A_910 = vector.broadcast %add3A_909 : i32 to vector<16xi32>
      %add3A_911 = arith.addi %get3A_908, %add3A_910 : vector<16xi32>
      %mul3A_912 = arith.constant 16 : i32
      %mul3A_913 = arith.muli %scan3A_843, %mul3A_912 : i32
      %add3A_914 = arith.constant 9216 : i32
      %add3A_915 = arith.addi %add3A_914, %mul3A_913 : i32
      %swap3A_916 = arith.index_cast %add3A_915 : i32 to index
      %swap3A_917 = tpu.vector_load %arg8[%swap3A_916] {strides = array<i32>} : memref<13312xi32, #tpu.memory_space<vmem>>, vector<16xi32>,
      tpu.vector_store %arg8[%swap3A_916], %add3A_911 {strides = array<i32>} : memref<13312xi32, #tpu.memory_space<vmem>>, vector<16xi32>,
      %mul3A_918 = arith.constant 16 : i32
      %mul3A_919 = arith.muli %scan3A_843, %mul3A_918 : i32
      %get3A_920 = arith.constant 19 : i32
      %get3A_921 = arith.index_cast %get3A_920 : i32 to index
      %get3A_922 = arith.index_cast %mul3A_919 : i32 to index
      %get3A_923 = tpu.vector_load %arg7[%get3A_921, %get3A_922] {strides = array<i32>} : memref<26x512xi32, #tpu.memory_space<vmem>>, vector<16xi32>,
      %add3A_924 = arith.constant 19000000 : i32
      %add3A_925 = vector.broadcast %add3A_924 : i32 to vector<16xi32>
      %add3A_926 = arith.addi %get3A_923, %add3A_925 : vector<16xi32>
      %mul3A_927 = arith.constant 16 : i32
      %mul3A_928 = arith.muli %scan3A_843, %mul3A_927 : i32
      %add3A_929 = arith.constant 9728 : i32
      %add3A_930 = arith.addi %add3A_929, %mul3A_928 : i32
      %swap3A_931 = arith.index_cast %add3A_930 : i32 to index
      %swap3A_932 = tpu.vector_load %arg8[%swap3A_931] {strides = array<i32>} : memref<13312xi32, #tpu.memory_space<vmem>>, vector<16xi32>,
      tpu.vector_store %arg8[%swap3A_931], %add3A_926 {strides = array<i32>} : memref<13312xi32, #tpu.memory_space<vmem>>, vector<16xi32>,
      %scan3A_933 = arith.constant 0 : i32
      scf.yield %scan3A_933 : i32
    }
    %scan3A_41 = arith.constant 32 : i32
    %scan3A_42 = arith.constant 0 : i32
    %scan3A_43 = arith.constant 0 : i32
    %scan3A_44 = arith.constant 32 : i32
    %scan3A_45 = arith.addi %scan3A_43, %scan3A_44 : i32
    %scan3A_46 = arith.constant 1 : i32
    %scan3A_47 = scf.for %scan3A_843 = %scan3A_43 to %scan3A_45 step %scan3A_46 iter_args(%scan3A_844 = %scan3A_42) -> (i32)  : i32 {
      %mul3A_845 = arith.constant 16 : i32
      %mul3A_846 = arith.muli %scan3A_843, %mul3A_845 : i32
      %get3A = arith.constant 20 : i32
      %get3A_847 = arith.index_cast %get3A : i32 to index
      %get3A_848 = arith.index_cast %mul3A_846 : i32 to index
      %get3A_849 = tpu.vector_load %arg7[%get3A_847, %get3A_848] {strides = array<i32>} : memref<26x512xi32, #tpu.memory_space<vmem>>, vector<16xi32>,
      %add3A_850 = arith.constant 20000000 : i32
      %add3A_851 = vector.broadcast %add3A_850 : i32 to vector<16xi32>
      %add3A_852 = arith.addi %get3A_849, %add3A_851 : vector<16xi32>
      %mul3A_853 = arith.constant 16 : i32
      %mul3A_854 = arith.muli %scan3A_843, %mul3A_853 : i32
      %add3A_855 = arith.constant 10240 : i32
      %add3A_856 = arith.addi %add3A_855, %mul3A_854 : i32
      %swap3A = arith.index_cast %add3A_856 : i32 to index
      %swap3A_857 = tpu.vector_load %arg8[%swap3A] {strides = array<i32>} : memref<13312xi32, #tpu.memory_space<vmem>>, vector<16xi32>,
      tpu.vector_store %arg8[%swap3A], %add3A_852 {strides = array<i32>} : memref<13312xi32, #tpu.memory_space<vmem>>, vector<16xi32>,
      %mul3A_858 = arith.constant 16 : i32
      %mul3A_859 = arith.muli %scan3A_843, %mul3A_858 : i32
      %get3A_860 = arith.constant 21 : i32
      %get3A_861 = arith.index_cast %get3A_860 : i32 to index
      %get3A_862 = arith.index_cast %mul3A_859 : i32 to index
      %get3A_863 = tpu.vector_load %arg7[%get3A_861, %get3A_862] {strides = array<i32>} : memref<26x512xi32, #tpu.memory_space<vmem>>, vector<16xi32>,
      %add3A_864 = arith.constant 21000000 : i32
      %add3A_865 = vector.broadcast %add3A_864 : i32 to vector<16xi32>
      %add3A_866 = arith.addi %get3A_863, %add3A_865 : vector<16xi32>
      %mul3A_867 = arith.constant 16 : i32
      %mul3A_868 = arith.muli %scan3A_843, %mul3A_867 : i32
      %add3A_869 = arith.constant 10752 : i32
      %add3A_870 = arith.addi %add3A_869, %mul3A_868 : i32
      %swap3A_871 = arith.index_cast %add3A_870 : i32 to index
      %swap3A_872 = tpu.vector_load %arg8[%swap3A_871] {strides = array<i32>} : memref<13312xi32, #tpu.memory_space<vmem>>, vector<16xi32>,
      tpu.vector_store %arg8[%swap3A_871], %add3A_866 {strides = array<i32>} : memref<13312xi32, #tpu.memory_space<vmem>>, vector<16xi32>,
      %mul3A_873 = arith.constant 16 : i32
      %mul3A_874 = arith.muli %scan3A_843, %mul3A_873 : i32
      %get3A_875 = arith.constant 22 : i32
      %get3A_876 = arith.index_cast %get3A_875 : i32 to index
      %get3A_877 = arith.index_cast %mul3A_874 : i32 to index
      %get3A_878 = tpu.vector_load %arg7[%get3A_876, %get3A_877] {strides = array<i32>} : memref<26x512xi32, #tpu.memory_space<vmem>>, vector<16xi32>,
      %add3A_879 = arith.constant 22000000 : i32
      %add3A_880 = vector.broadcast %add3A_879 : i32 to vector<16xi32>
      %add3A_881 = arith.addi %get3A_878, %add3A_880 : vector<16xi32>
      %mul3A_882 = arith.constant 16 : i32
      %mul3A_883 = arith.muli %scan3A_843, %mul3A_882 : i32
      %add3A_884 = arith.constant 11264 : i32
      %add3A_885 = arith.addi %add3A_884, %mul3A_883 : i32
      %swap3A_886 = arith.index_cast %add3A_885 : i32 to index
      %swap3A_887 = tpu.vector_load %arg8[%swap3A_886] {strides = array<i32>} : memref<13312xi32, #tpu.memory_space<vmem>>, vector<16xi32>,
      tpu.vector_store %arg8[%swap3A_886], %add3A_881 {strides = array<i32>} : memref<13312xi32, #tpu.memory_space<vmem>>, vector<16xi32>,
      %mul3A_888 = arith.constant 16 : i32
      %mul3A_889 = arith.muli %scan3A_843, %mul3A_888 : i32
      %get3A_890 = arith.constant 23 : i32
      %get3A_891 = arith.index_cast %get3A_890 : i32 to index
      %get3A_892 = arith.index_cast %mul3A_889 : i32 to index
      %get3A_893 = tpu.vector_load %arg7[%get3A_891, %get3A_892] {strides = array<i32>} : memref<26x512xi32, #tpu.memory_space<vmem>>, vector<16xi32>,
      %add3A_894 = arith.constant 23000000 : i32
      %add3A_895 = vector.broadcast %add3A_894 : i32 to vector<16xi32>
      %add3A_896 = arith.addi %get3A_893, %add3A_895 : vector<16xi32>
      %mul3A_897 = arith.constant 16 : i32
      %mul3A_898 = arith.muli %scan3A_843, %mul3A_897 : i32
      %add3A_899 = arith.constant 11776 : i32
      %add3A_900 = arith.addi %add3A_899, %mul3A_898 : i32
      %swap3A_901 = arith.index_cast %add3A_900 : i32 to index
      %swap3A_902 = tpu.vector_load %arg8[%swap3A_901] {strides = array<i32>} : memref<13312xi32, #tpu.memory_space<vmem>>, vector<16xi32>,
      tpu.vector_store %arg8[%swap3A_901], %add3A_896 {strides = array<i32>} : memref<13312xi32, #tpu.memory_space<vmem>>, vector<16xi32>,
      %mul3A_903 = arith.constant 16 : i32
      %mul3A_904 = arith.muli %scan3A_843, %mul3A_903 : i32
      %get3A_905 = arith.constant 24 : i32
      %get3A_906 = arith.index_cast %get3A_905 : i32 to index
      %get3A_907 = arith.index_cast %mul3A_904 : i32 to index
      %get3A_908 = tpu.vector_load %arg7[%get3A_906, %get3A_907] {strides = array<i32>} : memref<26x512xi32, #tpu.memory_space<vmem>>, vector<16xi32>,
      %add3A_909 = arith.constant 24000000 : i32
      %add3A_910 = vector.broadcast %add3A_909 : i32 to vector<16xi32>
      %add3A_911 = arith.addi %get3A_908, %add3A_910 : vector<16xi32>
      %mul3A_912 = arith.constant 16 : i32
      %mul3A_913 = arith.muli %scan3A_843, %mul3A_912 : i32
      %add3A_914 = arith.constant 12288 : i32
      %add3A_915 = arith.addi %add3A_914, %mul3A_913 : i32
      %swap3A_916 = arith.index_cast %add3A_915 : i32 to index
      %swap3A_917 = tpu.vector_load %arg8[%swap3A_916] {strides = array<i32>} : memref<13312xi32, #tpu.memory_space<vmem>>, vector<16xi32>,
      tpu.vector_store %arg8[%swap3A_916], %add3A_911 {strides = array<i32>} : memref<13312xi32, #tpu.memory_space<vmem>>, vector<16xi32>,
      %mul3A_918 = arith.constant 16 : i32
      %mul3A_919 = arith.muli %scan3A_843, %mul3A_918 : i32
      %get3A_920 = arith.constant 25 : i32
      %get3A_921 = arith.index_cast %get3A_920 : i32 to index
      %get3A_922 = arith.index_cast %mul3A_919 : i32 to index
      %get3A_923 = tpu.vector_load %arg7[%get3A_921, %get3A_922] {strides = array<i32>} : memref<26x512xi32, #tpu.memory_space<vmem>>, vector<16xi32>,
      %add3A_924 = arith.constant 25000000 : i32
      %add3A_925 = vector.broadcast %add3A_924 : i32 to vector<16xi32>
      %add3A_926 = arith.addi %get3A_923, %add3A_925 : vector<16xi32>
      %mul3A_927 = arith.constant 16 : i32
      %mul3A_928 = arith.muli %scan3A_843, %mul3A_927 : i32
      %add3A_929 = arith.constant 12800 : i32
      %add3A_930 = arith.addi %add3A_929, %mul3A_928 : i32
      %swap3A_931 = arith.index_cast %add3A_930 : i32 to index
      %swap3A_932 = tpu.vector_load %arg8[%swap3A_931] {strides = array<i32>} : memref<13312xi32, #tpu.memory_space<vmem>>, vector<16xi32>,
      tpu.vector_store %arg8[%swap3A_931], %add3A_926 {strides = array<i32>} : memref<13312xi32, #tpu.memory_space<vmem>>, vector<16xi32>,
      %scan3A_933 = arith.constant 0 : i32
      scf.yield %scan3A_933 : i32
    }
    %scan3A_48 = arith.constant 32 : i32
    %broadcast_in_dim3A = arith.constant 39 : i32
    %broadcast_in_dim3A_49 = vector.broadcast %broadcast_in_dim3A : i32 to vector<16xi32>
    %gather3A = tpu.vector_load_idx %arg11[%broadcast_in_dim3A_49] : memref<48xf32, #tpu.memory_space<vmem>>[vector<16xi32>], vector<16xf32>,
    %broadcast_in_dim3A_50 = arith.constant 0 : i32
    %broadcast_in_dim3A_51 = vector.broadcast %broadcast_in_dim3A_50 : i32 to vector<16xi32>
    %gather3A_52 = tpu.vector_load_idx %arg11[%broadcast_in_dim3A_51] : memref<48xf32, #tpu.memory_space<vmem>>[vector<16xi32>], vector<16xf32>,
    %bitcast3A = vector.bitcast %gather3A_52 : vector<16xf32> to vector<16xi32>
    %add3A_53 = arith.constant 32767 : i32
    %add3A_54 = vector.broadcast %add3A_53 : i32 to vector<16xi32>
    %add3A_55 = arith.addi %bitcast3A, %add3A_54 : vector<16xi32>
    %shift_right_logical3A = arith.constant 16 : i32
    %shift_right_logical3A_56 = vector.broadcast %shift_right_logical3A : i32 to vector<16xi32>
    %shift_right_logical3A_57 = arith.shrui %bitcast3A, %shift_right_logical3A_56 : vector<16xi32>
    %and3A = arith.constant 1 : i32
    %and3A_58 = vector.broadcast %and3A : i32 to vector<16xi32>
    %and3A_59 = arith.andi %shift_right_logical3A_57, %and3A_58 : vector<16xi32>
    %add3A_60 = arith.addi %add3A_55, %and3A_59 : vector<16xi32>
    %and3A_61 = arith.constant -65536 : i32
    %and3A_62 = vector.broadcast %and3A_61 : i32 to vector<16xi32>
    %and3A_63 = arith.andi %add3A_60, %and3A_62 : vector<16xi32>
    %bitcast3A_64 = vector.bitcast %and3A_63 : vector<16xi32> to vector<16xf32>
    %broadcast_in_dim3A_65 = arith.constant 1 : i32
    %broadcast_in_dim3A_66 = vector.broadcast %broadcast_in_dim3A_65 : i32 to vector<16xi32>
    %gather3A_67 = tpu.vector_load_idx %arg11[%broadcast_in_dim3A_66] : memref<48xf32, #tpu.memory_space<vmem>>[vector<16xi32>], vector<16xf32>,
    %bitcast3A_68 = vector.bitcast %gather3A_67 : vector<16xf32> to vector<16xi32>
    %add3A_69 = arith.constant 32767 : i32
    %add3A_70 = vector.broadcast %add3A_69 : i32 to vector<16xi32>
    %add3A_71 = arith.addi %bitcast3A_68, %add3A_70 : vector<16xi32>
    %shift_right_logical3A_72 = arith.constant 16 : i32
    %shift_right_logical3A_73 = vector.broadcast %shift_right_logical3A_72 : i32 to vector<16xi32>
    %shift_right_logical3A_74 = arith.shrui %bitcast3A_68, %shift_right_logical3A_73 : vector<16xi32>
    %and3A_75 = arith.constant 1 : i32
    %and3A_76 = vector.broadcast %and3A_75 : i32 to vector<16xi32>
    %and3A_77 = arith.andi %shift_right_logical3A_74, %and3A_76 : vector<16xi32>
    %add3A_78 = arith.addi %add3A_71, %and3A_77 : vector<16xi32>
    %and3A_79 = arith.constant -65536 : i32
    %and3A_80 = vector.broadcast %and3A_79 : i32 to vector<16xi32>
    %and3A_81 = arith.andi %add3A_78, %and3A_80 : vector<16xi32>
    %bitcast3A_82 = vector.bitcast %and3A_81 : vector<16xi32> to vector<16xf32>
    %broadcast_in_dim3A_83 = arith.constant 2 : i32
    %broadcast_in_dim3A_84 = vector.broadcast %broadcast_in_dim3A_83 : i32 to vector<16xi32>
    %gather3A_85 = tpu.vector_load_idx %arg11[%broadcast_in_dim3A_84] : memref<48xf32, #tpu.memory_space<vmem>>[vector<16xi32>], vector<16xf32>,
    %bitcast3A_86 = vector.bitcast %gather3A_85 : vector<16xf32> to vector<16xi32>
    %add3A_87 = arith.constant 32767 : i32
    %add3A_88 = vector.broadcast %add3A_87 : i32 to vector<16xi32>
    %add3A_89 = arith.addi %bitcast3A_86, %add3A_88 : vector<16xi32>
    %shift_right_logical3A_90 = arith.constant 16 : i32
    %shift_right_logical3A_91 = vector.broadcast %shift_right_logical3A_90 : i32 to vector<16xi32>
    %shift_right_logical3A_92 = arith.shrui %bitcast3A_86, %shift_right_logical3A_91 : vector<16xi32>
    %and3A_93 = arith.constant 1 : i32
    %and3A_94 = vector.broadcast %and3A_93 : i32 to vector<16xi32>
    %and3A_95 = arith.andi %shift_right_logical3A_92, %and3A_94 : vector<16xi32>
    %add3A_96 = arith.addi %add3A_89, %and3A_95 : vector<16xi32>
    %and3A_97 = arith.constant -65536 : i32
    %and3A_98 = vector.broadcast %and3A_97 : i32 to vector<16xi32>
    %and3A_99 = arith.andi %add3A_96, %and3A_98 : vector<16xi32>
    %bitcast3A_100 = vector.bitcast %and3A_99 : vector<16xi32> to vector<16xf32>
    %broadcast_in_dim3A_101 = arith.constant 3 : i32
    %broadcast_in_dim3A_102 = vector.broadcast %broadcast_in_dim3A_101 : i32 to vector<16xi32>
    %gather3A_103 = tpu.vector_load_idx %arg11[%broadcast_in_dim3A_102] : memref<48xf32, #tpu.memory_space<vmem>>[vector<16xi32>], vector<16xf32>,
    %bitcast3A_104 = vector.bitcast %gather3A_103 : vector<16xf32> to vector<16xi32>
    %add3A_105 = arith.constant 32767 : i32
    %add3A_106 = vector.broadcast %add3A_105 : i32 to vector<16xi32>
    %add3A_107 = arith.addi %bitcast3A_104, %add3A_106 : vector<16xi32>
    %shift_right_logical3A_108 = arith.constant 16 : i32
    %shift_right_logical3A_109 = vector.broadcast %shift_right_logical3A_108 : i32 to vector<16xi32>
    %shift_right_logical3A_110 = arith.shrui %bitcast3A_104, %shift_right_logical3A_109 : vector<16xi32>
    %and3A_111 = arith.constant 1 : i32
    %and3A_112 = vector.broadcast %and3A_111 : i32 to vector<16xi32>
    %and3A_113 = arith.andi %shift_right_logical3A_110, %and3A_112 : vector<16xi32>
    %add3A_114 = arith.addi %add3A_107, %and3A_113 : vector<16xi32>
    %and3A_115 = arith.constant -65536 : i32
    %and3A_116 = vector.broadcast %and3A_115 : i32 to vector<16xi32>
    %and3A_117 = arith.andi %add3A_114, %and3A_116 : vector<16xi32>
    %bitcast3A_118 = vector.bitcast %and3A_117 : vector<16xi32> to vector<16xf32>
    %broadcast_in_dim3A_119 = arith.constant 4 : i32
    %broadcast_in_dim3A_120 = vector.broadcast %broadcast_in_dim3A_119 : i32 to vector<16xi32>
    %gather3A_121 = tpu.vector_load_idx %arg11[%broadcast_in_dim3A_120] : memref<48xf32, #tpu.memory_space<vmem>>[vector<16xi32>], vector<16xf32>,
    %bitcast3A_122 = vector.bitcast %gather3A_121 : vector<16xf32> to vector<16xi32>
    %add3A_123 = arith.constant 32767 : i32
    %add3A_124 = vector.broadcast %add3A_123 : i32 to vector<16xi32>
    %add3A_125 = arith.addi %bitcast3A_122, %add3A_124 : vector<16xi32>
    %shift_right_logical3A_126 = arith.constant 16 : i32
    %shift_right_logical3A_127 = vector.broadcast %shift_right_logical3A_126 : i32 to vector<16xi32>
    %shift_right_logical3A_128 = arith.shrui %bitcast3A_122, %shift_right_logical3A_127 : vector<16xi32>
    %and3A_129 = arith.constant 1 : i32
    %and3A_130 = vector.broadcast %and3A_129 : i32 to vector<16xi32>
    %and3A_131 = arith.andi %shift_right_logical3A_128, %and3A_130 : vector<16xi32>
    %add3A_132 = arith.addi %add3A_125, %and3A_131 : vector<16xi32>
    %and3A_133 = arith.constant -65536 : i32
    %and3A_134 = vector.broadcast %and3A_133 : i32 to vector<16xi32>
    %and3A_135 = arith.andi %add3A_132, %and3A_134 : vector<16xi32>
    %bitcast3A_136 = vector.bitcast %and3A_135 : vector<16xi32> to vector<16xf32>
    %broadcast_in_dim3A_137 = arith.constant 5 : i32
    %broadcast_in_dim3A_138 = vector.broadcast %broadcast_in_dim3A_137 : i32 to vector<16xi32>
    %gather3A_139 = tpu.vector_load_idx %arg11[%broadcast_in_dim3A_138] : memref<48xf32, #tpu.memory_space<vmem>>[vector<16xi32>], vector<16xf32>,
    %bitcast3A_140 = vector.bitcast %gather3A_139 : vector<16xf32> to vector<16xi32>
    %add3A_141 = arith.constant 32767 : i32
    %add3A_142 = vector.broadcast %add3A_141 : i32 to vector<16xi32>
    %add3A_143 = arith.addi %bitcast3A_140, %add3A_142 : vector<16xi32>
    %shift_right_logical3A_144 = arith.constant 16 : i32
    %shift_right_logical3A_145 = vector.broadcast %shift_right_logical3A_144 : i32 to vector<16xi32>
    %shift_right_logical3A_146 = arith.shrui %bitcast3A_140, %shift_right_logical3A_145 : vector<16xi32>
    %and3A_147 = arith.constant 1 : i32
    %and3A_148 = vector.broadcast %and3A_147 : i32 to vector<16xi32>
    %and3A_149 = arith.andi %shift_right_logical3A_146, %and3A_148 : vector<16xi32>
    %add3A_150 = arith.addi %add3A_143, %and3A_149 : vector<16xi32>
    %and3A_151 = arith.constant -65536 : i32
    %and3A_152 = vector.broadcast %and3A_151 : i32 to vector<16xi32>
    %and3A_153 = arith.andi %add3A_150, %and3A_152 : vector<16xi32>
    %bitcast3A_154 = vector.bitcast %and3A_153 : vector<16xi32> to vector<16xf32>
    %broadcast_in_dim3A_155 = arith.constant 6 : i32
    %broadcast_in_dim3A_156 = vector.broadcast %broadcast_in_dim3A_155 : i32 to vector<16xi32>
    %gather3A_157 = tpu.vector_load_idx %arg11[%broadcast_in_dim3A_156] : memref<48xf32, #tpu.memory_space<vmem>>[vector<16xi32>], vector<16xf32>,
    %bitcast3A_158 = vector.bitcast %gather3A_157 : vector<16xf32> to vector<16xi32>
    %add3A_159 = arith.constant 32767 : i32
    %add3A_160 = vector.broadcast %add3A_159 : i32 to vector<16xi32>
    %add3A_161 = arith.addi %bitcast3A_158, %add3A_160 : vector<16xi32>
    %shift_right_logical3A_162 = arith.constant 16 : i32
    %shift_right_logical3A_163 = vector.broadcast %shift_right_logical3A_162 : i32 to vector<16xi32>
    %shift_right_logical3A_164 = arith.shrui %bitcast3A_158, %shift_right_logical3A_163 : vector<16xi32>
    %and3A_165 = arith.constant 1 : i32
    %and3A_166 = vector.broadcast %and3A_165 : i32 to vector<16xi32>
    %and3A_167 = arith.andi %shift_right_logical3A_164, %and3A_166 : vector<16xi32>
    %add3A_168 = arith.addi %add3A_161, %and3A_167 : vector<16xi32>
    %and3A_169 = arith.constant -65536 : i32
    %and3A_170 = vector.broadcast %and3A_169 : i32 to vector<16xi32>
    %and3A_171 = arith.andi %add3A_168, %and3A_170 : vector<16xi32>
    %bitcast3A_172 = vector.bitcast %and3A_171 : vector<16xi32> to vector<16xf32>
    %broadcast_in_dim3A_173 = arith.constant 7 : i32
    %broadcast_in_dim3A_174 = vector.broadcast %broadcast_in_dim3A_173 : i32 to vector<16xi32>
    %gather3A_175 = tpu.vector_load_idx %arg11[%broadcast_in_dim3A_174] : memref<48xf32, #tpu.memory_space<vmem>>[vector<16xi32>], vector<16xf32>,
    %bitcast3A_176 = vector.bitcast %gather3A_175 : vector<16xf32> to vector<16xi32>
    %add3A_177 = arith.constant 32767 : i32
    %add3A_178 = vector.broadcast %add3A_177 : i32 to vector<16xi32>
    %add3A_179 = arith.addi %bitcast3A_176, %add3A_178 : vector<16xi32>
    %shift_right_logical3A_180 = arith.constant 16 : i32
    %shift_right_logical3A_181 = vector.broadcast %shift_right_logical3A_180 : i32 to vector<16xi32>
    %shift_right_logical3A_182 = arith.shrui %bitcast3A_176, %shift_right_logical3A_181 : vector<16xi32>
    %and3A_183 = arith.constant 1 : i32
    %and3A_184 = vector.broadcast %and3A_183 : i32 to vector<16xi32>
    %and3A_185 = arith.andi %shift_right_logical3A_182, %and3A_184 : vector<16xi32>
    %add3A_186 = arith.addi %add3A_179, %and3A_185 : vector<16xi32>
    %and3A_187 = arith.constant -65536 : i32
    %and3A_188 = vector.broadcast %and3A_187 : i32 to vector<16xi32>
    %and3A_189 = arith.andi %add3A_186, %and3A_188 : vector<16xi32>
    %bitcast3A_190 = vector.bitcast %and3A_189 : vector<16xi32> to vector<16xf32>
    %broadcast_in_dim3A_191 = arith.constant 8 : i32
    %broadcast_in_dim3A_192 = vector.broadcast %broadcast_in_dim3A_191 : i32 to vector<16xi32>
    %gather3A_193 = tpu.vector_load_idx %arg11[%broadcast_in_dim3A_192] : memref<48xf32, #tpu.memory_space<vmem>>[vector<16xi32>], vector<16xf32>,
    %bitcast3A_194 = vector.bitcast %gather3A_193 : vector<16xf32> to vector<16xi32>
    %add3A_195 = arith.constant 32767 : i32
    %add3A_196 = vector.broadcast %add3A_195 : i32 to vector<16xi32>
    %add3A_197 = arith.addi %bitcast3A_194, %add3A_196 : vector<16xi32>
    %shift_right_logical3A_198 = arith.constant 16 : i32
    %shift_right_logical3A_199 = vector.broadcast %shift_right_logical3A_198 : i32 to vector<16xi32>
    %shift_right_logical3A_200 = arith.shrui %bitcast3A_194, %shift_right_logical3A_199 : vector<16xi32>
    %and3A_201 = arith.constant 1 : i32
    %and3A_202 = vector.broadcast %and3A_201 : i32 to vector<16xi32>
    %and3A_203 = arith.andi %shift_right_logical3A_200, %and3A_202 : vector<16xi32>
    %add3A_204 = arith.addi %add3A_197, %and3A_203 : vector<16xi32>
    %and3A_205 = arith.constant -65536 : i32
    %and3A_206 = vector.broadcast %and3A_205 : i32 to vector<16xi32>
    %and3A_207 = arith.andi %add3A_204, %and3A_206 : vector<16xi32>
    %bitcast3A_208 = vector.bitcast %and3A_207 : vector<16xi32> to vector<16xf32>
    %broadcast_in_dim3A_209 = arith.constant 9 : i32
    %broadcast_in_dim3A_210 = vector.broadcast %broadcast_in_dim3A_209 : i32 to vector<16xi32>
    %gather3A_211 = tpu.vector_load_idx %arg11[%broadcast_in_dim3A_210] : memref<48xf32, #tpu.memory_space<vmem>>[vector<16xi32>], vector<16xf32>,
    %bitcast3A_212 = vector.bitcast %gather3A_211 : vector<16xf32> to vector<16xi32>
    %add3A_213 = arith.constant 32767 : i32
    %add3A_214 = vector.broadcast %add3A_213 : i32 to vector<16xi32>
    %add3A_215 = arith.addi %bitcast3A_212, %add3A_214 : vector<16xi32>
    %shift_right_logical3A_216 = arith.constant 16 : i32
    %shift_right_logical3A_217 = vector.broadcast %shift_right_logical3A_216 : i32 to vector<16xi32>
    %shift_right_logical3A_218 = arith.shrui %bitcast3A_212, %shift_right_logical3A_217 : vector<16xi32>
    %and3A_219 = arith.constant 1 : i32
    %and3A_220 = vector.broadcast %and3A_219 : i32 to vector<16xi32>
    %and3A_221 = arith.andi %shift_right_logical3A_218, %and3A_220 : vector<16xi32>
    %add3A_222 = arith.addi %add3A_215, %and3A_221 : vector<16xi32>
    %and3A_223 = arith.constant -65536 : i32
    %and3A_224 = vector.broadcast %and3A_223 : i32 to vector<16xi32>
    %and3A_225 = arith.andi %add3A_222, %and3A_224 : vector<16xi32>
    %bitcast3A_226 = vector.bitcast %and3A_225 : vector<16xi32> to vector<16xf32>
    %broadcast_in_dim3A_227 = arith.constant 10 : i32
    %broadcast_in_dim3A_228 = vector.broadcast %broadcast_in_dim3A_227 : i32 to vector<16xi32>
    %gather3A_229 = tpu.vector_load_idx %arg11[%broadcast_in_dim3A_228] : memref<48xf32, #tpu.memory_space<vmem>>[vector<16xi32>], vector<16xf32>,
    %bitcast3A_230 = vector.bitcast %gather3A_229 : vector<16xf32> to vector<16xi32>
    %add3A_231 = arith.constant 32767 : i32
    %add3A_232 = vector.broadcast %add3A_231 : i32 to vector<16xi32>
    %add3A_233 = arith.addi %bitcast3A_230, %add3A_232 : vector<16xi32>
    %shift_right_logical3A_234 = arith.constant 16 : i32
    %shift_right_logical3A_235 = vector.broadcast %shift_right_logical3A_234 : i32 to vector<16xi32>
    %shift_right_logical3A_236 = arith.shrui %bitcast3A_230, %shift_right_logical3A_235 : vector<16xi32>
    %and3A_237 = arith.constant 1 : i32
    %and3A_238 = vector.broadcast %and3A_237 : i32 to vector<16xi32>
    %and3A_239 = arith.andi %shift_right_logical3A_236, %and3A_238 : vector<16xi32>
    %add3A_240 = arith.addi %add3A_233, %and3A_239 : vector<16xi32>
    %and3A_241 = arith.constant -65536 : i32
    %and3A_242 = vector.broadcast %and3A_241 : i32 to vector<16xi32>
    %and3A_243 = arith.andi %add3A_240, %and3A_242 : vector<16xi32>
    %bitcast3A_244 = vector.bitcast %and3A_243 : vector<16xi32> to vector<16xf32>
    %broadcast_in_dim3A_245 = arith.constant 11 : i32
    %broadcast_in_dim3A_246 = vector.broadcast %broadcast_in_dim3A_245 : i32 to vector<16xi32>
    %gather3A_247 = tpu.vector_load_idx %arg11[%broadcast_in_dim3A_246] : memref<48xf32, #tpu.memory_space<vmem>>[vector<16xi32>], vector<16xf32>,
    %bitcast3A_248 = vector.bitcast %gather3A_247 : vector<16xf32> to vector<16xi32>
    %add3A_249 = arith.constant 32767 : i32
    %add3A_250 = vector.broadcast %add3A_249 : i32 to vector<16xi32>
    %add3A_251 = arith.addi %bitcast3A_248, %add3A_250 : vector<16xi32>
    %shift_right_logical3A_252 = arith.constant 16 : i32
    %shift_right_logical3A_253 = vector.broadcast %shift_right_logical3A_252 : i32 to vector<16xi32>
    %shift_right_logical3A_254 = arith.shrui %bitcast3A_248, %shift_right_logical3A_253 : vector<16xi32>
    %and3A_255 = arith.constant 1 : i32
    %and3A_256 = vector.broadcast %and3A_255 : i32 to vector<16xi32>
    %and3A_257 = arith.andi %shift_right_logical3A_254, %and3A_256 : vector<16xi32>
    %add3A_258 = arith.addi %add3A_251, %and3A_257 : vector<16xi32>
    %and3A_259 = arith.constant -65536 : i32
    %and3A_260 = vector.broadcast %and3A_259 : i32 to vector<16xi32>
    %and3A_261 = arith.andi %add3A_258, %and3A_260 : vector<16xi32>
    %bitcast3A_262 = vector.bitcast %and3A_261 : vector<16xi32> to vector<16xf32>
    %broadcast_in_dim3A_263 = arith.constant 12 : i32
    %broadcast_in_dim3A_264 = vector.broadcast %broadcast_in_dim3A_263 : i32 to vector<16xi32>
    %gather3A_265 = tpu.vector_load_idx %arg11[%broadcast_in_dim3A_264] : memref<48xf32, #tpu.memory_space<vmem>>[vector<16xi32>], vector<16xf32>,
    %bitcast3A_266 = vector.bitcast %gather3A_265 : vector<16xf32> to vector<16xi32>
    %add3A_267 = arith.constant 32767 : i32
    %add3A_268 = vector.broadcast %add3A_267 : i32 to vector<16xi32>
    %add3A_269 = arith.addi %bitcast3A_266, %add3A_268 : vector<16xi32>
    %shift_right_logical3A_270 = arith.constant 16 : i32
    %shift_right_logical3A_271 = vector.broadcast %shift_right_logical3A_270 : i32 to vector<16xi32>
    %shift_right_logical3A_272 = arith.shrui %bitcast3A_266, %shift_right_logical3A_271 : vector<16xi32>
    %and3A_273 = arith.constant 1 : i32
    %and3A_274 = vector.broadcast %and3A_273 : i32 to vector<16xi32>
    %and3A_275 = arith.andi %shift_right_logical3A_272, %and3A_274 : vector<16xi32>
    %add3A_276 = arith.addi %add3A_269, %and3A_275 : vector<16xi32>
    %and3A_277 = arith.constant -65536 : i32
    %and3A_278 = vector.broadcast %and3A_277 : i32 to vector<16xi32>
    %and3A_279 = arith.andi %add3A_276, %and3A_278 : vector<16xi32>
    %bitcast3A_280 = vector.bitcast %and3A_279 : vector<16xi32> to vector<16xf32>
    %broadcast_in_dim3A_281 = arith.constant 13 : i32
    %broadcast_in_dim3A_282 = vector.broadcast %broadcast_in_dim3A_281 : i32 to vector<16xi32>
    %gather3A_283 = tpu.vector_load_idx %arg11[%broadcast_in_dim3A_282] : memref<48xf32, #tpu.memory_space<vmem>>[vector<16xi32>], vector<16xf32>,
    %bitcast3A_284 = vector.bitcast %gather3A_283 : vector<16xf32> to vector<16xi32>
    %add3A_285 = arith.constant 32767 : i32
    %add3A_286 = vector.broadcast %add3A_285 : i32 to vector<16xi32>
    %add3A_287 = arith.addi %bitcast3A_284, %add3A_286 : vector<16xi32>
    %shift_right_logical3A_288 = arith.constant 16 : i32
    %shift_right_logical3A_289 = vector.broadcast %shift_right_logical3A_288 : i32 to vector<16xi32>
    %shift_right_logical3A_290 = arith.shrui %bitcast3A_284, %shift_right_logical3A_289 : vector<16xi32>
    %and3A_291 = arith.constant 1 : i32
    %and3A_292 = vector.broadcast %and3A_291 : i32 to vector<16xi32>
    %and3A_293 = arith.andi %shift_right_logical3A_290, %and3A_292 : vector<16xi32>
    %add3A_294 = arith.addi %add3A_287, %and3A_293 : vector<16xi32>
    %and3A_295 = arith.constant -65536 : i32
    %and3A_296 = vector.broadcast %and3A_295 : i32 to vector<16xi32>
    %and3A_297 = arith.andi %add3A_294, %and3A_296 : vector<16xi32>
    %bitcast3A_298 = vector.bitcast %and3A_297 : vector<16xi32> to vector<16xf32>
    %broadcast_in_dim3A_299 = arith.constant 14 : i32
    %broadcast_in_dim3A_300 = vector.broadcast %broadcast_in_dim3A_299 : i32 to vector<16xi32>
    %gather3A_301 = tpu.vector_load_idx %arg11[%broadcast_in_dim3A_300] : memref<48xf32, #tpu.memory_space<vmem>>[vector<16xi32>], vector<16xf32>,
    %bitcast3A_302 = vector.bitcast %gather3A_301 : vector<16xf32> to vector<16xi32>
    %add3A_303 = arith.constant 32767 : i32
    %add3A_304 = vector.broadcast %add3A_303 : i32 to vector<16xi32>
    %add3A_305 = arith.addi %bitcast3A_302, %add3A_304 : vector<16xi32>
    %shift_right_logical3A_306 = arith.constant 16 : i32
    %shift_right_logical3A_307 = vector.broadcast %shift_right_logical3A_306 : i32 to vector<16xi32>
    %shift_right_logical3A_308 = arith.shrui %bitcast3A_302, %shift_right_logical3A_307 : vector<16xi32>
    %and3A_309 = arith.constant 1 : i32
    %and3A_310 = vector.broadcast %and3A_309 : i32 to vector<16xi32>
    %and3A_311 = arith.andi %shift_right_logical3A_308, %and3A_310 : vector<16xi32>
    %add3A_312 = arith.addi %add3A_305, %and3A_311 : vector<16xi32>
    %and3A_313 = arith.constant -65536 : i32
    %and3A_314 = vector.broadcast %and3A_313 : i32 to vector<16xi32>
    %and3A_315 = arith.andi %add3A_312, %and3A_314 : vector<16xi32>
    %bitcast3A_316 = vector.bitcast %and3A_315 : vector<16xi32> to vector<16xf32>
    %broadcast_in_dim3A_317 = arith.constant 15 : i32
    %broadcast_in_dim3A_318 = vector.broadcast %broadcast_in_dim3A_317 : i32 to vector<16xi32>
    %gather3A_319 = tpu.vector_load_idx %arg11[%broadcast_in_dim3A_318] : memref<48xf32, #tpu.memory_space<vmem>>[vector<16xi32>], vector<16xf32>,
    %bitcast3A_320 = vector.bitcast %gather3A_319 : vector<16xf32> to vector<16xi32>
    %add3A_321 = arith.constant 32767 : i32
    %add3A_322 = vector.broadcast %add3A_321 : i32 to vector<16xi32>
    %add3A_323 = arith.addi %bitcast3A_320, %add3A_322 : vector<16xi32>
    %shift_right_logical3A_324 = arith.constant 16 : i32
    %shift_right_logical3A_325 = vector.broadcast %shift_right_logical3A_324 : i32 to vector<16xi32>
    %shift_right_logical3A_326 = arith.shrui %bitcast3A_320, %shift_right_logical3A_325 : vector<16xi32>
    %and3A_327 = arith.constant 1 : i32
    %and3A_328 = vector.broadcast %and3A_327 : i32 to vector<16xi32>
    %and3A_329 = arith.andi %shift_right_logical3A_326, %and3A_328 : vector<16xi32>
    %add3A_330 = arith.addi %add3A_323, %and3A_329 : vector<16xi32>
    %and3A_331 = arith.constant -65536 : i32
    %and3A_332 = vector.broadcast %and3A_331 : i32 to vector<16xi32>
    %and3A_333 = arith.andi %add3A_330, %and3A_332 : vector<16xi32>
    %bitcast3A_334 = vector.bitcast %and3A_333 : vector<16xi32> to vector<16xf32>
    %broadcast_in_dim3A_335 = arith.constant 16 : i32
    %broadcast_in_dim3A_336 = vector.broadcast %broadcast_in_dim3A_335 : i32 to vector<16xi32>
    %gather3A_337 = tpu.vector_load_idx %arg11[%broadcast_in_dim3A_336] : memref<48xf32, #tpu.memory_space<vmem>>[vector<16xi32>], vector<16xf32>,
    %bitcast3A_338 = vector.bitcast %gather3A_337 : vector<16xf32> to vector<16xi32>
    %add3A_339 = arith.constant 32767 : i32
    %add3A_340 = vector.broadcast %add3A_339 : i32 to vector<16xi32>
    %add3A_341 = arith.addi %bitcast3A_338, %add3A_340 : vector<16xi32>
    %shift_right_logical3A_342 = arith.constant 16 : i32
    %shift_right_logical3A_343 = vector.broadcast %shift_right_logical3A_342 : i32 to vector<16xi32>
    %shift_right_logical3A_344 = arith.shrui %bitcast3A_338, %shift_right_logical3A_343 : vector<16xi32>
    %and3A_345 = arith.constant 1 : i32
    %and3A_346 = vector.broadcast %and3A_345 : i32 to vector<16xi32>
    %and3A_347 = arith.andi %shift_right_logical3A_344, %and3A_346 : vector<16xi32>
    %add3A_348 = arith.addi %add3A_341, %and3A_347 : vector<16xi32>
    %and3A_349 = arith.constant -65536 : i32
    %and3A_350 = vector.broadcast %and3A_349 : i32 to vector<16xi32>
    %and3A_351 = arith.andi %add3A_348, %and3A_350 : vector<16xi32>
    %bitcast3A_352 = vector.bitcast %and3A_351 : vector<16xi32> to vector<16xf32>
    %broadcast_in_dim3A_353 = arith.constant 17 : i32
    %broadcast_in_dim3A_354 = vector.broadcast %broadcast_in_dim3A_353 : i32 to vector<16xi32>
    %gather3A_355 = tpu.vector_load_idx %arg11[%broadcast_in_dim3A_354] : memref<48xf32, #tpu.memory_space<vmem>>[vector<16xi32>], vector<16xf32>,
    %bitcast3A_356 = vector.bitcast %gather3A_355 : vector<16xf32> to vector<16xi32>
    %add3A_357 = arith.constant 32767 : i32
    %add3A_358 = vector.broadcast %add3A_357 : i32 to vector<16xi32>
    %add3A_359 = arith.addi %bitcast3A_356, %add3A_358 : vector<16xi32>
    %shift_right_logical3A_360 = arith.constant 16 : i32
    %shift_right_logical3A_361 = vector.broadcast %shift_right_logical3A_360 : i32 to vector<16xi32>
    %shift_right_logical3A_362 = arith.shrui %bitcast3A_356, %shift_right_logical3A_361 : vector<16xi32>
    %and3A_363 = arith.constant 1 : i32
    %and3A_364 = vector.broadcast %and3A_363 : i32 to vector<16xi32>
    %and3A_365 = arith.andi %shift_right_logical3A_362, %and3A_364 : vector<16xi32>
    %add3A_366 = arith.addi %add3A_359, %and3A_365 : vector<16xi32>
    %and3A_367 = arith.constant -65536 : i32
    %and3A_368 = vector.broadcast %and3A_367 : i32 to vector<16xi32>
    %and3A_369 = arith.andi %add3A_366, %and3A_368 : vector<16xi32>
    %bitcast3A_370 = vector.bitcast %and3A_369 : vector<16xi32> to vector<16xf32>
    %broadcast_in_dim3A_371 = arith.constant 18 : i32
    %broadcast_in_dim3A_372 = vector.broadcast %broadcast_in_dim3A_371 : i32 to vector<16xi32>
    %gather3A_373 = tpu.vector_load_idx %arg11[%broadcast_in_dim3A_372] : memref<48xf32, #tpu.memory_space<vmem>>[vector<16xi32>], vector<16xf32>,
    %bitcast3A_374 = vector.bitcast %gather3A_373 : vector<16xf32> to vector<16xi32>
    %add3A_375 = arith.constant 32767 : i32
    %add3A_376 = vector.broadcast %add3A_375 : i32 to vector<16xi32>
    %add3A_377 = arith.addi %bitcast3A_374, %add3A_376 : vector<16xi32>
    %shift_right_logical3A_378 = arith.constant 16 : i32
    %shift_right_logical3A_379 = vector.broadcast %shift_right_logical3A_378 : i32 to vector<16xi32>
    %shift_right_logical3A_380 = arith.shrui %bitcast3A_374, %shift_right_logical3A_379 : vector<16xi32>
    %and3A_381 = arith.constant 1 : i32
    %and3A_382 = vector.broadcast %and3A_381 : i32 to vector<16xi32>
    %and3A_383 = arith.andi %shift_right_logical3A_380, %and3A_382 : vector<16xi32>
    %add3A_384 = arith.addi %add3A_377, %and3A_383 : vector<16xi32>
    %and3A_385 = arith.constant -65536 : i32
    %and3A_386 = vector.broadcast %and3A_385 : i32 to vector<16xi32>
    %and3A_387 = arith.andi %add3A_384, %and3A_386 : vector<16xi32>
    %bitcast3A_388 = vector.bitcast %and3A_387 : vector<16xi32> to vector<16xf32>
    %broadcast_in_dim3A_389 = arith.constant 19 : i32
    %broadcast_in_dim3A_390 = vector.broadcast %broadcast_in_dim3A_389 : i32 to vector<16xi32>
    %gather3A_391 = tpu.vector_load_idx %arg11[%broadcast_in_dim3A_390] : memref<48xf32, #tpu.memory_space<vmem>>[vector<16xi32>], vector<16xf32>,
    %bitcast3A_392 = vector.bitcast %gather3A_391 : vector<16xf32> to vector<16xi32>
    %add3A_393 = arith.constant 32767 : i32
    %add3A_394 = vector.broadcast %add3A_393 : i32 to vector<16xi32>
    %add3A_395 = arith.addi %bitcast3A_392, %add3A_394 : vector<16xi32>
    %shift_right_logical3A_396 = arith.constant 16 : i32
    %shift_right_logical3A_397 = vector.broadcast %shift_right_logical3A_396 : i32 to vector<16xi32>
    %shift_right_logical3A_398 = arith.shrui %bitcast3A_392, %shift_right_logical3A_397 : vector<16xi32>
    %and3A_399 = arith.constant 1 : i32
    %and3A_400 = vector.broadcast %and3A_399 : i32 to vector<16xi32>
    %and3A_401 = arith.andi %shift_right_logical3A_398, %and3A_400 : vector<16xi32>
    %add3A_402 = arith.addi %add3A_395, %and3A_401 : vector<16xi32>
    %and3A_403 = arith.constant -65536 : i32
    %and3A_404 = vector.broadcast %and3A_403 : i32 to vector<16xi32>
    %and3A_405 = arith.andi %add3A_402, %and3A_404 : vector<16xi32>
    %bitcast3A_406 = vector.bitcast %and3A_405 : vector<16xi32> to vector<16xf32>
    %broadcast_in_dim3A_407 = arith.constant 20 : i32
    %broadcast_in_dim3A_408 = vector.broadcast %broadcast_in_dim3A_407 : i32 to vector<16xi32>
    %gather3A_409 = tpu.vector_load_idx %arg11[%broadcast_in_dim3A_408] : memref<48xf32, #tpu.memory_space<vmem>>[vector<16xi32>], vector<16xf32>,
    %bitcast3A_410 = vector.bitcast %gather3A_409 : vector<16xf32> to vector<16xi32>
    %add3A_411 = arith.constant 32767 : i32
    %add3A_412 = vector.broadcast %add3A_411 : i32 to vector<16xi32>
    %add3A_413 = arith.addi %bitcast3A_410, %add3A_412 : vector<16xi32>
    %shift_right_logical3A_414 = arith.constant 16 : i32
    %shift_right_logical3A_415 = vector.broadcast %shift_right_logical3A_414 : i32 to vector<16xi32>
    %shift_right_logical3A_416 = arith.shrui %bitcast3A_410, %shift_right_logical3A_415 : vector<16xi32>
    %and3A_417 = arith.constant 1 : i32
    %and3A_418 = vector.broadcast %and3A_417 : i32 to vector<16xi32>
    %and3A_419 = arith.andi %shift_right_logical3A_416, %and3A_418 : vector<16xi32>
    %add3A_420 = arith.addi %add3A_413, %and3A_419 : vector<16xi32>
    %and3A_421 = arith.constant -65536 : i32
    %and3A_422 = vector.broadcast %and3A_421 : i32 to vector<16xi32>
    %and3A_423 = arith.andi %add3A_420, %and3A_422 : vector<16xi32>
    %bitcast3A_424 = vector.bitcast %and3A_423 : vector<16xi32> to vector<16xf32>
    %broadcast_in_dim3A_425 = arith.constant 21 : i32
    %broadcast_in_dim3A_426 = vector.broadcast %broadcast_in_dim3A_425 : i32 to vector<16xi32>
    %gather3A_427 = tpu.vector_load_idx %arg11[%broadcast_in_dim3A_426] : memref<48xf32, #tpu.memory_space<vmem>>[vector<16xi32>], vector<16xf32>,
    %bitcast3A_428 = vector.bitcast %gather3A_427 : vector<16xf32> to vector<16xi32>
    %add3A_429 = arith.constant 32767 : i32
    %add3A_430 = vector.broadcast %add3A_429 : i32 to vector<16xi32>
    %add3A_431 = arith.addi %bitcast3A_428, %add3A_430 : vector<16xi32>
    %shift_right_logical3A_432 = arith.constant 16 : i32
    %shift_right_logical3A_433 = vector.broadcast %shift_right_logical3A_432 : i32 to vector<16xi32>
    %shift_right_logical3A_434 = arith.shrui %bitcast3A_428, %shift_right_logical3A_433 : vector<16xi32>
    %and3A_435 = arith.constant 1 : i32
    %and3A_436 = vector.broadcast %and3A_435 : i32 to vector<16xi32>
    %and3A_437 = arith.andi %shift_right_logical3A_434, %and3A_436 : vector<16xi32>
    %add3A_438 = arith.addi %add3A_431, %and3A_437 : vector<16xi32>
    %and3A_439 = arith.constant -65536 : i32
    %and3A_440 = vector.broadcast %and3A_439 : i32 to vector<16xi32>
    %and3A_441 = arith.andi %add3A_438, %and3A_440 : vector<16xi32>
    %bitcast3A_442 = vector.bitcast %and3A_441 : vector<16xi32> to vector<16xf32>
    %broadcast_in_dim3A_443 = arith.constant 22 : i32
    %broadcast_in_dim3A_444 = vector.broadcast %broadcast_in_dim3A_443 : i32 to vector<16xi32>
    %gather3A_445 = tpu.vector_load_idx %arg11[%broadcast_in_dim3A_444] : memref<48xf32, #tpu.memory_space<vmem>>[vector<16xi32>], vector<16xf32>,
    %bitcast3A_446 = vector.bitcast %gather3A_445 : vector<16xf32> to vector<16xi32>
    %add3A_447 = arith.constant 32767 : i32
    %add3A_448 = vector.broadcast %add3A_447 : i32 to vector<16xi32>
    %add3A_449 = arith.addi %bitcast3A_446, %add3A_448 : vector<16xi32>
    %shift_right_logical3A_450 = arith.constant 16 : i32
    %shift_right_logical3A_451 = vector.broadcast %shift_right_logical3A_450 : i32 to vector<16xi32>
    %shift_right_logical3A_452 = arith.shrui %bitcast3A_446, %shift_right_logical3A_451 : vector<16xi32>
    %and3A_453 = arith.constant 1 : i32
    %and3A_454 = vector.broadcast %and3A_453 : i32 to vector<16xi32>
    %and3A_455 = arith.andi %shift_right_logical3A_452, %and3A_454 : vector<16xi32>
    %add3A_456 = arith.addi %add3A_449, %and3A_455 : vector<16xi32>
    %and3A_457 = arith.constant -65536 : i32
    %and3A_458 = vector.broadcast %and3A_457 : i32 to vector<16xi32>
    %and3A_459 = arith.andi %add3A_456, %and3A_458 : vector<16xi32>
    %bitcast3A_460 = vector.bitcast %and3A_459 : vector<16xi32> to vector<16xf32>
    %broadcast_in_dim3A_461 = arith.constant 23 : i32
    %broadcast_in_dim3A_462 = vector.broadcast %broadcast_in_dim3A_461 : i32 to vector<16xi32>
    %gather3A_463 = tpu.vector_load_idx %arg11[%broadcast_in_dim3A_462] : memref<48xf32, #tpu.memory_space<vmem>>[vector<16xi32>], vector<16xf32>,
    %bitcast3A_464 = vector.bitcast %gather3A_463 : vector<16xf32> to vector<16xi32>
    %add3A_465 = arith.constant 32767 : i32
    %add3A_466 = vector.broadcast %add3A_465 : i32 to vector<16xi32>
    %add3A_467 = arith.addi %bitcast3A_464, %add3A_466 : vector<16xi32>
    %shift_right_logical3A_468 = arith.constant 16 : i32
    %shift_right_logical3A_469 = vector.broadcast %shift_right_logical3A_468 : i32 to vector<16xi32>
    %shift_right_logical3A_470 = arith.shrui %bitcast3A_464, %shift_right_logical3A_469 : vector<16xi32>
    %and3A_471 = arith.constant 1 : i32
    %and3A_472 = vector.broadcast %and3A_471 : i32 to vector<16xi32>
    %and3A_473 = arith.andi %shift_right_logical3A_470, %and3A_472 : vector<16xi32>
    %add3A_474 = arith.addi %add3A_467, %and3A_473 : vector<16xi32>
    %and3A_475 = arith.constant -65536 : i32
    %and3A_476 = vector.broadcast %and3A_475 : i32 to vector<16xi32>
    %and3A_477 = arith.andi %add3A_474, %and3A_476 : vector<16xi32>
    %bitcast3A_478 = vector.bitcast %and3A_477 : vector<16xi32> to vector<16xf32>
    %broadcast_in_dim3A_479 = arith.constant 24 : i32
    %broadcast_in_dim3A_480 = vector.broadcast %broadcast_in_dim3A_479 : i32 to vector<16xi32>
    %gather3A_481 = tpu.vector_load_idx %arg11[%broadcast_in_dim3A_480] : memref<48xf32, #tpu.memory_space<vmem>>[vector<16xi32>], vector<16xf32>,
    %bitcast3A_482 = vector.bitcast %gather3A_481 : vector<16xf32> to vector<16xi32>
    %add3A_483 = arith.constant 32767 : i32
    %add3A_484 = vector.broadcast %add3A_483 : i32 to vector<16xi32>
    %add3A_485 = arith.addi %bitcast3A_482, %add3A_484 : vector<16xi32>
    %shift_right_logical3A_486 = arith.constant 16 : i32
    %shift_right_logical3A_487 = vector.broadcast %shift_right_logical3A_486 : i32 to vector<16xi32>
    %shift_right_logical3A_488 = arith.shrui %bitcast3A_482, %shift_right_logical3A_487 : vector<16xi32>
    %and3A_489 = arith.constant 1 : i32
    %and3A_490 = vector.broadcast %and3A_489 : i32 to vector<16xi32>
    %and3A_491 = arith.andi %shift_right_logical3A_488, %and3A_490 : vector<16xi32>
    %add3A_492 = arith.addi %add3A_485, %and3A_491 : vector<16xi32>
    %and3A_493 = arith.constant -65536 : i32
    %and3A_494 = vector.broadcast %and3A_493 : i32 to vector<16xi32>
    %and3A_495 = arith.andi %add3A_492, %and3A_494 : vector<16xi32>
    %bitcast3A_496 = vector.bitcast %and3A_495 : vector<16xi32> to vector<16xf32>
    %broadcast_in_dim3A_497 = arith.constant 25 : i32
    %broadcast_in_dim3A_498 = vector.broadcast %broadcast_in_dim3A_497 : i32 to vector<16xi32>
    %gather3A_499 = tpu.vector_load_idx %arg11[%broadcast_in_dim3A_498] : memref<48xf32, #tpu.memory_space<vmem>>[vector<16xi32>], vector<16xf32>,
    %bitcast3A_500 = vector.bitcast %gather3A_499 : vector<16xf32> to vector<16xi32>
    %add3A_501 = arith.constant 32767 : i32
    %add3A_502 = vector.broadcast %add3A_501 : i32 to vector<16xi32>
    %add3A_503 = arith.addi %bitcast3A_500, %add3A_502 : vector<16xi32>
    %shift_right_logical3A_504 = arith.constant 16 : i32
    %shift_right_logical3A_505 = vector.broadcast %shift_right_logical3A_504 : i32 to vector<16xi32>
    %shift_right_logical3A_506 = arith.shrui %bitcast3A_500, %shift_right_logical3A_505 : vector<16xi32>
    %and3A_507 = arith.constant 1 : i32
    %and3A_508 = vector.broadcast %and3A_507 : i32 to vector<16xi32>
    %and3A_509 = arith.andi %shift_right_logical3A_506, %and3A_508 : vector<16xi32>
    %add3A_510 = arith.addi %add3A_503, %and3A_509 : vector<16xi32>
    %and3A_511 = arith.constant -65536 : i32
    %and3A_512 = vector.broadcast %and3A_511 : i32 to vector<16xi32>
    %and3A_513 = arith.andi %add3A_510, %and3A_512 : vector<16xi32>
    %bitcast3A_514 = vector.bitcast %and3A_513 : vector<16xi32> to vector<16xf32>
    %broadcast_in_dim3A_515 = arith.constant 26 : i32
    %broadcast_in_dim3A_516 = vector.broadcast %broadcast_in_dim3A_515 : i32 to vector<16xi32>
    %gather3A_517 = tpu.vector_load_idx %arg11[%broadcast_in_dim3A_516] : memref<48xf32, #tpu.memory_space<vmem>>[vector<16xi32>], vector<16xf32>,
    %bitcast3A_518 = vector.bitcast %gather3A_517 : vector<16xf32> to vector<16xi32>
    %add3A_519 = arith.constant 32767 : i32
    %add3A_520 = vector.broadcast %add3A_519 : i32 to vector<16xi32>
    %add3A_521 = arith.addi %bitcast3A_518, %add3A_520 : vector<16xi32>
    %shift_right_logical3A_522 = arith.constant 16 : i32
    %shift_right_logical3A_523 = vector.broadcast %shift_right_logical3A_522 : i32 to vector<16xi32>
    %shift_right_logical3A_524 = arith.shrui %bitcast3A_518, %shift_right_logical3A_523 : vector<16xi32>
    %and3A_525 = arith.constant 1 : i32
    %and3A_526 = vector.broadcast %and3A_525 : i32 to vector<16xi32>
    %and3A_527 = arith.andi %shift_right_logical3A_524, %and3A_526 : vector<16xi32>
    %add3A_528 = arith.addi %add3A_521, %and3A_527 : vector<16xi32>
    %and3A_529 = arith.constant -65536 : i32
    %and3A_530 = vector.broadcast %and3A_529 : i32 to vector<16xi32>
    %and3A_531 = arith.andi %add3A_528, %and3A_530 : vector<16xi32>
    %bitcast3A_532 = vector.bitcast %and3A_531 : vector<16xi32> to vector<16xf32>
    %broadcast_in_dim3A_533 = arith.constant 27 : i32
    %broadcast_in_dim3A_534 = vector.broadcast %broadcast_in_dim3A_533 : i32 to vector<16xi32>
    %gather3A_535 = tpu.vector_load_idx %arg11[%broadcast_in_dim3A_534] : memref<48xf32, #tpu.memory_space<vmem>>[vector<16xi32>], vector<16xf32>,
    %bitcast3A_536 = vector.bitcast %gather3A_535 : vector<16xf32> to vector<16xi32>
    %add3A_537 = arith.constant 32767 : i32
    %add3A_538 = vector.broadcast %add3A_537 : i32 to vector<16xi32>
    %add3A_539 = arith.addi %bitcast3A_536, %add3A_538 : vector<16xi32>
    %shift_right_logical3A_540 = arith.constant 16 : i32
    %shift_right_logical3A_541 = vector.broadcast %shift_right_logical3A_540 : i32 to vector<16xi32>
    %shift_right_logical3A_542 = arith.shrui %bitcast3A_536, %shift_right_logical3A_541 : vector<16xi32>
    %and3A_543 = arith.constant 1 : i32
    %and3A_544 = vector.broadcast %and3A_543 : i32 to vector<16xi32>
    %and3A_545 = arith.andi %shift_right_logical3A_542, %and3A_544 : vector<16xi32>
    %add3A_546 = arith.addi %add3A_539, %and3A_545 : vector<16xi32>
    %and3A_547 = arith.constant -65536 : i32
    %and3A_548 = vector.broadcast %and3A_547 : i32 to vector<16xi32>
    %and3A_549 = arith.andi %add3A_546, %and3A_548 : vector<16xi32>
    %bitcast3A_550 = vector.bitcast %and3A_549 : vector<16xi32> to vector<16xf32>
    %broadcast_in_dim3A_551 = arith.constant 28 : i32
    %broadcast_in_dim3A_552 = vector.broadcast %broadcast_in_dim3A_551 : i32 to vector<16xi32>
    %gather3A_553 = tpu.vector_load_idx %arg11[%broadcast_in_dim3A_552] : memref<48xf32, #tpu.memory_space<vmem>>[vector<16xi32>], vector<16xf32>,
    %bitcast3A_554 = vector.bitcast %gather3A_553 : vector<16xf32> to vector<16xi32>
    %add3A_555 = arith.constant 32767 : i32
    %add3A_556 = vector.broadcast %add3A_555 : i32 to vector<16xi32>
    %add3A_557 = arith.addi %bitcast3A_554, %add3A_556 : vector<16xi32>
    %shift_right_logical3A_558 = arith.constant 16 : i32
    %shift_right_logical3A_559 = vector.broadcast %shift_right_logical3A_558 : i32 to vector<16xi32>
    %shift_right_logical3A_560 = arith.shrui %bitcast3A_554, %shift_right_logical3A_559 : vector<16xi32>
    %and3A_561 = arith.constant 1 : i32
    %and3A_562 = vector.broadcast %and3A_561 : i32 to vector<16xi32>
    %and3A_563 = arith.andi %shift_right_logical3A_560, %and3A_562 : vector<16xi32>
    %add3A_564 = arith.addi %add3A_557, %and3A_563 : vector<16xi32>
    %and3A_565 = arith.constant -65536 : i32
    %and3A_566 = vector.broadcast %and3A_565 : i32 to vector<16xi32>
    %and3A_567 = arith.andi %add3A_564, %and3A_566 : vector<16xi32>
    %bitcast3A_568 = vector.bitcast %and3A_567 : vector<16xi32> to vector<16xf32>
    %broadcast_in_dim3A_569 = arith.constant 29 : i32
    %broadcast_in_dim3A_570 = vector.broadcast %broadcast_in_dim3A_569 : i32 to vector<16xi32>
    %gather3A_571 = tpu.vector_load_idx %arg11[%broadcast_in_dim3A_570] : memref<48xf32, #tpu.memory_space<vmem>>[vector<16xi32>], vector<16xf32>,
    %bitcast3A_572 = vector.bitcast %gather3A_571 : vector<16xf32> to vector<16xi32>
    %add3A_573 = arith.constant 32767 : i32
    %add3A_574 = vector.broadcast %add3A_573 : i32 to vector<16xi32>
    %add3A_575 = arith.addi %bitcast3A_572, %add3A_574 : vector<16xi32>
    %shift_right_logical3A_576 = arith.constant 16 : i32
    %shift_right_logical3A_577 = vector.broadcast %shift_right_logical3A_576 : i32 to vector<16xi32>
    %shift_right_logical3A_578 = arith.shrui %bitcast3A_572, %shift_right_logical3A_577 : vector<16xi32>
    %and3A_579 = arith.constant 1 : i32
    %and3A_580 = vector.broadcast %and3A_579 : i32 to vector<16xi32>
    %and3A_581 = arith.andi %shift_right_logical3A_578, %and3A_580 : vector<16xi32>
    %add3A_582 = arith.addi %add3A_575, %and3A_581 : vector<16xi32>
    %and3A_583 = arith.constant -65536 : i32
    %and3A_584 = vector.broadcast %and3A_583 : i32 to vector<16xi32>
    %and3A_585 = arith.andi %add3A_582, %and3A_584 : vector<16xi32>
    %bitcast3A_586 = vector.bitcast %and3A_585 : vector<16xi32> to vector<16xf32>
    %broadcast_in_dim3A_587 = arith.constant 30 : i32
    %broadcast_in_dim3A_588 = vector.broadcast %broadcast_in_dim3A_587 : i32 to vector<16xi32>
    %gather3A_589 = tpu.vector_load_idx %arg11[%broadcast_in_dim3A_588] : memref<48xf32, #tpu.memory_space<vmem>>[vector<16xi32>], vector<16xf32>,
    %bitcast3A_590 = vector.bitcast %gather3A_589 : vector<16xf32> to vector<16xi32>
    %add3A_591 = arith.constant 32767 : i32
    %add3A_592 = vector.broadcast %add3A_591 : i32 to vector<16xi32>
    %add3A_593 = arith.addi %bitcast3A_590, %add3A_592 : vector<16xi32>
    %shift_right_logical3A_594 = arith.constant 16 : i32
    %shift_right_logical3A_595 = vector.broadcast %shift_right_logical3A_594 : i32 to vector<16xi32>
    %shift_right_logical3A_596 = arith.shrui %bitcast3A_590, %shift_right_logical3A_595 : vector<16xi32>
    %and3A_597 = arith.constant 1 : i32
    %and3A_598 = vector.broadcast %and3A_597 : i32 to vector<16xi32>
    %and3A_599 = arith.andi %shift_right_logical3A_596, %and3A_598 : vector<16xi32>
    %add3A_600 = arith.addi %add3A_593, %and3A_599 : vector<16xi32>
    %and3A_601 = arith.constant -65536 : i32
    %and3A_602 = vector.broadcast %and3A_601 : i32 to vector<16xi32>
    %and3A_603 = arith.andi %add3A_600, %and3A_602 : vector<16xi32>
    %bitcast3A_604 = vector.bitcast %and3A_603 : vector<16xi32> to vector<16xf32>
    %broadcast_in_dim3A_605 = arith.constant 31 : i32
    %broadcast_in_dim3A_606 = vector.broadcast %broadcast_in_dim3A_605 : i32 to vector<16xi32>
    %gather3A_607 = tpu.vector_load_idx %arg11[%broadcast_in_dim3A_606] : memref<48xf32, #tpu.memory_space<vmem>>[vector<16xi32>], vector<16xf32>,
    %bitcast3A_608 = vector.bitcast %gather3A_607 : vector<16xf32> to vector<16xi32>
    %add3A_609 = arith.constant 32767 : i32
    %add3A_610 = vector.broadcast %add3A_609 : i32 to vector<16xi32>
    %add3A_611 = arith.addi %bitcast3A_608, %add3A_610 : vector<16xi32>
    %shift_right_logical3A_612 = arith.constant 16 : i32
    %shift_right_logical3A_613 = vector.broadcast %shift_right_logical3A_612 : i32 to vector<16xi32>
    %shift_right_logical3A_614 = arith.shrui %bitcast3A_608, %shift_right_logical3A_613 : vector<16xi32>
    %and3A_615 = arith.constant 1 : i32
    %and3A_616 = vector.broadcast %and3A_615 : i32 to vector<16xi32>
    %and3A_617 = arith.andi %shift_right_logical3A_614, %and3A_616 : vector<16xi32>
    %add3A_618 = arith.addi %add3A_611, %and3A_617 : vector<16xi32>
    %and3A_619 = arith.constant -65536 : i32
    %and3A_620 = vector.broadcast %and3A_619 : i32 to vector<16xi32>
    %and3A_621 = arith.andi %add3A_618, %and3A_620 : vector<16xi32>
    %bitcast3A_622 = vector.bitcast %and3A_621 : vector<16xi32> to vector<16xf32>
    %broadcast_in_dim3A_623 = arith.constant 32 : i32
    %broadcast_in_dim3A_624 = vector.broadcast %broadcast_in_dim3A_623 : i32 to vector<16xi32>
    %gather3A_625 = tpu.vector_load_idx %arg11[%broadcast_in_dim3A_624] : memref<48xf32, #tpu.memory_space<vmem>>[vector<16xi32>], vector<16xf32>,
    %bitcast3A_626 = vector.bitcast %gather3A_625 : vector<16xf32> to vector<16xi32>
    %add3A_627 = arith.constant 32767 : i32
    %add3A_628 = vector.broadcast %add3A_627 : i32 to vector<16xi32>
    %add3A_629 = arith.addi %bitcast3A_626, %add3A_628 : vector<16xi32>
    %shift_right_logical3A_630 = arith.constant 16 : i32
    %shift_right_logical3A_631 = vector.broadcast %shift_right_logical3A_630 : i32 to vector<16xi32>
    %shift_right_logical3A_632 = arith.shrui %bitcast3A_626, %shift_right_logical3A_631 : vector<16xi32>
    %and3A_633 = arith.constant 1 : i32
    %and3A_634 = vector.broadcast %and3A_633 : i32 to vector<16xi32>
    %and3A_635 = arith.andi %shift_right_logical3A_632, %and3A_634 : vector<16xi32>
    %add3A_636 = arith.addi %add3A_629, %and3A_635 : vector<16xi32>
    %and3A_637 = arith.constant -65536 : i32
    %and3A_638 = vector.broadcast %and3A_637 : i32 to vector<16xi32>
    %and3A_639 = arith.andi %add3A_636, %and3A_638 : vector<16xi32>
    %bitcast3A_640 = vector.bitcast %and3A_639 : vector<16xi32> to vector<16xf32>
    %broadcast_in_dim3A_641 = arith.constant 33 : i32
    %broadcast_in_dim3A_642 = vector.broadcast %broadcast_in_dim3A_641 : i32 to vector<16xi32>
    %gather3A_643 = tpu.vector_load_idx %arg11[%broadcast_in_dim3A_642] : memref<48xf32, #tpu.memory_space<vmem>>[vector<16xi32>], vector<16xf32>,
    %bitcast3A_644 = vector.bitcast %gather3A_643 : vector<16xf32> to vector<16xi32>
    %add3A_645 = arith.constant 32767 : i32
    %add3A_646 = vector.broadcast %add3A_645 : i32 to vector<16xi32>
    %add3A_647 = arith.addi %bitcast3A_644, %add3A_646 : vector<16xi32>
    %shift_right_logical3A_648 = arith.constant 16 : i32
    %shift_right_logical3A_649 = vector.broadcast %shift_right_logical3A_648 : i32 to vector<16xi32>
    %shift_right_logical3A_650 = arith.shrui %bitcast3A_644, %shift_right_logical3A_649 : vector<16xi32>
    %and3A_651 = arith.constant 1 : i32
    %and3A_652 = vector.broadcast %and3A_651 : i32 to vector<16xi32>
    %and3A_653 = arith.andi %shift_right_logical3A_650, %and3A_652 : vector<16xi32>
    %add3A_654 = arith.addi %add3A_647, %and3A_653 : vector<16xi32>
    %and3A_655 = arith.constant -65536 : i32
    %and3A_656 = vector.broadcast %and3A_655 : i32 to vector<16xi32>
    %and3A_657 = arith.andi %add3A_654, %and3A_656 : vector<16xi32>
    %bitcast3A_658 = vector.bitcast %and3A_657 : vector<16xi32> to vector<16xf32>
    %broadcast_in_dim3A_659 = arith.constant 34 : i32
    %broadcast_in_dim3A_660 = vector.broadcast %broadcast_in_dim3A_659 : i32 to vector<16xi32>
    %gather3A_661 = tpu.vector_load_idx %arg11[%broadcast_in_dim3A_660] : memref<48xf32, #tpu.memory_space<vmem>>[vector<16xi32>], vector<16xf32>,
    %bitcast3A_662 = vector.bitcast %gather3A_661 : vector<16xf32> to vector<16xi32>
    %add3A_663 = arith.constant 32767 : i32
    %add3A_664 = vector.broadcast %add3A_663 : i32 to vector<16xi32>
    %add3A_665 = arith.addi %bitcast3A_662, %add3A_664 : vector<16xi32>
    %shift_right_logical3A_666 = arith.constant 16 : i32
    %shift_right_logical3A_667 = vector.broadcast %shift_right_logical3A_666 : i32 to vector<16xi32>
    %shift_right_logical3A_668 = arith.shrui %bitcast3A_662, %shift_right_logical3A_667 : vector<16xi32>
    %and3A_669 = arith.constant 1 : i32
    %and3A_670 = vector.broadcast %and3A_669 : i32 to vector<16xi32>
    %and3A_671 = arith.andi %shift_right_logical3A_668, %and3A_670 : vector<16xi32>
    %add3A_672 = arith.addi %add3A_665, %and3A_671 : vector<16xi32>
    %and3A_673 = arith.constant -65536 : i32
    %and3A_674 = vector.broadcast %and3A_673 : i32 to vector<16xi32>
    %and3A_675 = arith.andi %add3A_672, %and3A_674 : vector<16xi32>
    %bitcast3A_676 = vector.bitcast %and3A_675 : vector<16xi32> to vector<16xf32>
    %broadcast_in_dim3A_677 = arith.constant 35 : i32
    %broadcast_in_dim3A_678 = vector.broadcast %broadcast_in_dim3A_677 : i32 to vector<16xi32>
    %gather3A_679 = tpu.vector_load_idx %arg11[%broadcast_in_dim3A_678] : memref<48xf32, #tpu.memory_space<vmem>>[vector<16xi32>], vector<16xf32>,
    %bitcast3A_680 = vector.bitcast %gather3A_679 : vector<16xf32> to vector<16xi32>
    %add3A_681 = arith.constant 32767 : i32
    %add3A_682 = vector.broadcast %add3A_681 : i32 to vector<16xi32>
    %add3A_683 = arith.addi %bitcast3A_680, %add3A_682 : vector<16xi32>
    %shift_right_logical3A_684 = arith.constant 16 : i32
    %shift_right_logical3A_685 = vector.broadcast %shift_right_logical3A_684 : i32 to vector<16xi32>
    %shift_right_logical3A_686 = arith.shrui %bitcast3A_680, %shift_right_logical3A_685 : vector<16xi32>
    %and3A_687 = arith.constant 1 : i32
    %and3A_688 = vector.broadcast %and3A_687 : i32 to vector<16xi32>
    %and3A_689 = arith.andi %shift_right_logical3A_686, %and3A_688 : vector<16xi32>
    %add3A_690 = arith.addi %add3A_683, %and3A_689 : vector<16xi32>
    %and3A_691 = arith.constant -65536 : i32
    %and3A_692 = vector.broadcast %and3A_691 : i32 to vector<16xi32>
    %and3A_693 = arith.andi %add3A_690, %and3A_692 : vector<16xi32>
    %bitcast3A_694 = vector.bitcast %and3A_693 : vector<16xi32> to vector<16xf32>
    %broadcast_in_dim3A_695 = arith.constant 36 : i32
    %broadcast_in_dim3A_696 = vector.broadcast %broadcast_in_dim3A_695 : i32 to vector<16xi32>
    %gather3A_697 = tpu.vector_load_idx %arg11[%broadcast_in_dim3A_696] : memref<48xf32, #tpu.memory_space<vmem>>[vector<16xi32>], vector<16xf32>,
    %bitcast3A_698 = vector.bitcast %gather3A_697 : vector<16xf32> to vector<16xi32>
    %add3A_699 = arith.constant 32767 : i32
    %add3A_700 = vector.broadcast %add3A_699 : i32 to vector<16xi32>
    %add3A_701 = arith.addi %bitcast3A_698, %add3A_700 : vector<16xi32>
    %shift_right_logical3A_702 = arith.constant 16 : i32
    %shift_right_logical3A_703 = vector.broadcast %shift_right_logical3A_702 : i32 to vector<16xi32>
    %shift_right_logical3A_704 = arith.shrui %bitcast3A_698, %shift_right_logical3A_703 : vector<16xi32>
    %and3A_705 = arith.constant 1 : i32
    %and3A_706 = vector.broadcast %and3A_705 : i32 to vector<16xi32>
    %and3A_707 = arith.andi %shift_right_logical3A_704, %and3A_706 : vector<16xi32>
    %add3A_708 = arith.addi %add3A_701, %and3A_707 : vector<16xi32>
    %and3A_709 = arith.constant -65536 : i32
    %and3A_710 = vector.broadcast %and3A_709 : i32 to vector<16xi32>
    %and3A_711 = arith.andi %add3A_708, %and3A_710 : vector<16xi32>
    %bitcast3A_712 = vector.bitcast %and3A_711 : vector<16xi32> to vector<16xf32>
    %broadcast_in_dim3A_713 = arith.constant 37 : i32
    %broadcast_in_dim3A_714 = vector.broadcast %broadcast_in_dim3A_713 : i32 to vector<16xi32>
    %gather3A_715 = tpu.vector_load_idx %arg11[%broadcast_in_dim3A_714] : memref<48xf32, #tpu.memory_space<vmem>>[vector<16xi32>], vector<16xf32>,
    %bitcast3A_716 = vector.bitcast %gather3A_715 : vector<16xf32> to vector<16xi32>
    %add3A_717 = arith.constant 32767 : i32
    %add3A_718 = vector.broadcast %add3A_717 : i32 to vector<16xi32>
    %add3A_719 = arith.addi %bitcast3A_716, %add3A_718 : vector<16xi32>
    %shift_right_logical3A_720 = arith.constant 16 : i32
    %shift_right_logical3A_721 = vector.broadcast %shift_right_logical3A_720 : i32 to vector<16xi32>
    %shift_right_logical3A_722 = arith.shrui %bitcast3A_716, %shift_right_logical3A_721 : vector<16xi32>
    %and3A_723 = arith.constant 1 : i32
    %and3A_724 = vector.broadcast %and3A_723 : i32 to vector<16xi32>
    %and3A_725 = arith.andi %shift_right_logical3A_722, %and3A_724 : vector<16xi32>
    %add3A_726 = arith.addi %add3A_719, %and3A_725 : vector<16xi32>
    %and3A_727 = arith.constant -65536 : i32
    %and3A_728 = vector.broadcast %and3A_727 : i32 to vector<16xi32>
    %and3A_729 = arith.andi %add3A_726, %and3A_728 : vector<16xi32>
    %bitcast3A_730 = vector.bitcast %and3A_729 : vector<16xi32> to vector<16xf32>
    %broadcast_in_dim3A_731 = arith.constant 38 : i32
    %broadcast_in_dim3A_732 = vector.broadcast %broadcast_in_dim3A_731 : i32 to vector<16xi32>
    %gather3A_733 = tpu.vector_load_idx %arg11[%broadcast_in_dim3A_732] : memref<48xf32, #tpu.memory_space<vmem>>[vector<16xi32>], vector<16xf32>,
    %bitcast3A_734 = vector.bitcast %gather3A_733 : vector<16xf32> to vector<16xi32>
    %add3A_735 = arith.constant 32767 : i32
    %add3A_736 = vector.broadcast %add3A_735 : i32 to vector<16xi32>
    %add3A_737 = arith.addi %bitcast3A_734, %add3A_736 : vector<16xi32>
    %shift_right_logical3A_738 = arith.constant 16 : i32
    %shift_right_logical3A_739 = vector.broadcast %shift_right_logical3A_738 : i32 to vector<16xi32>
    %shift_right_logical3A_740 = arith.shrui %bitcast3A_734, %shift_right_logical3A_739 : vector<16xi32>
    %and3A_741 = arith.constant 1 : i32
    %and3A_742 = vector.broadcast %and3A_741 : i32 to vector<16xi32>
    %and3A_743 = arith.andi %shift_right_logical3A_740, %and3A_742 : vector<16xi32>
    %add3A_744 = arith.addi %add3A_737, %and3A_743 : vector<16xi32>
    %and3A_745 = arith.constant -65536 : i32
    %and3A_746 = vector.broadcast %and3A_745 : i32 to vector<16xi32>
    %and3A_747 = arith.andi %add3A_744, %and3A_746 : vector<16xi32>
    %bitcast3A_748 = vector.bitcast %and3A_747 : vector<16xi32> to vector<16xf32>
    %scan3A_749 = arith.constant 0 : i32
    %scan3A_750 = arith.constant 0 : i32
    %scan3A_751 = arith.constant 32 : i32
    %scan3A_752 = arith.addi %scan3A_750, %scan3A_751 : i32
    %scan3A_753 = arith.constant 1 : i32
    %scan3A_754 = scf.for %scan3A_843 = %scan3A_750 to %scan3A_752 step %scan3A_753 iter_args(%scan3A_844 = %scan3A_749) -> (i32)  : i32 {
      %mul3A_845 = arith.constant 16 : i32
      %mul3A_846 = arith.muli %scan3A_843, %mul3A_845 : i32
      %get3A = arith.constant 0 : i32
      %get3A_847 = arith.index_cast %get3A : i32 to index
      %get3A_848 = arith.index_cast %mul3A_846 : i32 to index
      %get3A_849 = tpu.vector_load %arg10[%get3A_847, %get3A_848] {strides = array<i32>} : memref<13x512xf32, #tpu.memory_space<vmem>>, vector<16xf32>,
      %bitcast3A_850 = vector.bitcast %get3A_849 : vector<16xf32> to vector<16xi32>
      %add3A_851 = arith.constant 32767 : i32
      %add3A_852 = vector.broadcast %add3A_851 : i32 to vector<16xi32>
      %add3A_853 = arith.addi %bitcast3A_850, %add3A_852 : vector<16xi32>
      %shift_right_logical3A_854 = arith.constant 16 : i32
      %shift_right_logical3A_855 = vector.broadcast %shift_right_logical3A_854 : i32 to vector<16xi32>
      %shift_right_logical3A_856 = arith.shrui %bitcast3A_850, %shift_right_logical3A_855 : vector<16xi32>
      %and3A_857 = arith.constant 1 : i32
      %and3A_858 = vector.broadcast %and3A_857 : i32 to vector<16xi32>
      %and3A_859 = arith.andi %shift_right_logical3A_856, %and3A_858 : vector<16xi32>
      %add3A_860 = arith.addi %add3A_853, %and3A_859 : vector<16xi32>
      %and3A_861 = arith.constant -65536 : i32
      %and3A_862 = vector.broadcast %and3A_861 : i32 to vector<16xi32>
      %and3A_863 = arith.andi %add3A_860, %and3A_862 : vector<16xi32>
      %bitcast3A_864 = vector.bitcast %and3A_863 : vector<16xi32> to vector<16xf32>
      %mul3A_865 = arith.mulf %bitcast3A_864, %bitcast3A_532 : vector<16xf32>
      %add3A_866 = arith.addf %gather3A, %mul3A_865 : vector<16xf32>
      %mul3A_867 = arith.constant 16 : i32
      %mul3A_868 = arith.muli %scan3A_843, %mul3A_867 : i32
      %get3A_869 = arith.constant 1 : i32
      %get3A_870 = arith.index_cast %get3A_869 : i32 to index
      %get3A_871 = arith.index_cast %mul3A_868 : i32 to index
      %get3A_872 = tpu.vector_load %arg10[%get3A_870, %get3A_871] {strides = array<i32>} : memref<13x512xf32, #tpu.memory_space<vmem>>, vector<16xf32>,
      %bitcast3A_873 = vector.bitcast %get3A_872 : vector<16xf32> to vector<16xi32>
      %add3A_874 = arith.constant 32767 : i32
      %add3A_875 = vector.broadcast %add3A_874 : i32 to vector<16xi32>
      %add3A_876 = arith.addi %bitcast3A_873, %add3A_875 : vector<16xi32>
      %shift_right_logical3A_877 = arith.constant 16 : i32
      %shift_right_logical3A_878 = vector.broadcast %shift_right_logical3A_877 : i32 to vector<16xi32>
      %shift_right_logical3A_879 = arith.shrui %bitcast3A_873, %shift_right_logical3A_878 : vector<16xi32>
      %and3A_880 = arith.constant 1 : i32
      %and3A_881 = vector.broadcast %and3A_880 : i32 to vector<16xi32>
      %and3A_882 = arith.andi %shift_right_logical3A_879, %and3A_881 : vector<16xi32>
      %add3A_883 = arith.addi %add3A_876, %and3A_882 : vector<16xi32>
      %and3A_884 = arith.constant -65536 : i32
      %and3A_885 = vector.broadcast %and3A_884 : i32 to vector<16xi32>
      %and3A_886 = arith.andi %add3A_883, %and3A_885 : vector<16xi32>
      %bitcast3A_887 = vector.bitcast %and3A_886 : vector<16xi32> to vector<16xf32>
      %mul3A_888 = arith.mulf %bitcast3A_887, %bitcast3A_550 : vector<16xf32>
      %add3A_889 = arith.addf %add3A_866, %mul3A_888 : vector<16xf32>
      %mul3A_890 = arith.constant 16 : i32
      %mul3A_891 = arith.muli %scan3A_843, %mul3A_890 : i32
      %get3A_892 = arith.constant 2 : i32
      %get3A_893 = arith.index_cast %get3A_892 : i32 to index
      %get3A_894 = arith.index_cast %mul3A_891 : i32 to index
      %get3A_895 = tpu.vector_load %arg10[%get3A_893, %get3A_894] {strides = array<i32>} : memref<13x512xf32, #tpu.memory_space<vmem>>, vector<16xf32>,
      %bitcast3A_896 = vector.bitcast %get3A_895 : vector<16xf32> to vector<16xi32>
      %add3A_897 = arith.constant 32767 : i32
      %add3A_898 = vector.broadcast %add3A_897 : i32 to vector<16xi32>
      %add3A_899 = arith.addi %bitcast3A_896, %add3A_898 : vector<16xi32>
      %shift_right_logical3A_900 = arith.constant 16 : i32
      %shift_right_logical3A_901 = vector.broadcast %shift_right_logical3A_900 : i32 to vector<16xi32>
      %shift_right_logical3A_902 = arith.shrui %bitcast3A_896, %shift_right_logical3A_901 : vector<16xi32>
      %and3A_903 = arith.constant 1 : i32
      %and3A_904 = vector.broadcast %and3A_903 : i32 to vector<16xi32>
      %and3A_905 = arith.andi %shift_right_logical3A_902, %and3A_904 : vector<16xi32>
      %add3A_906 = arith.addi %add3A_899, %and3A_905 : vector<16xi32>
      %and3A_907 = arith.constant -65536 : i32
      %and3A_908 = vector.broadcast %and3A_907 : i32 to vector<16xi32>
      %and3A_909 = arith.andi %add3A_906, %and3A_908 : vector<16xi32>
      %bitcast3A_910 = vector.bitcast %and3A_909 : vector<16xi32> to vector<16xf32>
      %mul3A_911 = arith.mulf %bitcast3A_910, %bitcast3A_568 : vector<16xf32>
      %add3A_912 = arith.addf %add3A_889, %mul3A_911 : vector<16xf32>
      %mul3A_913 = arith.constant 16 : i32
      %mul3A_914 = arith.muli %scan3A_843, %mul3A_913 : i32
      %get3A_915 = arith.constant 3 : i32
      %get3A_916 = arith.index_cast %get3A_915 : i32 to index
      %get3A_917 = arith.index_cast %mul3A_914 : i32 to index
      %get3A_918 = tpu.vector_load %arg10[%get3A_916, %get3A_917] {strides = array<i32>} : memref<13x512xf32, #tpu.memory_space<vmem>>, vector<16xf32>,
      %bitcast3A_919 = vector.bitcast %get3A_918 : vector<16xf32> to vector<16xi32>
      %add3A_920 = arith.constant 32767 : i32
      %add3A_921 = vector.broadcast %add3A_920 : i32 to vector<16xi32>
      %add3A_922 = arith.addi %bitcast3A_919, %add3A_921 : vector<16xi32>
      %shift_right_logical3A_923 = arith.constant 16 : i32
      %shift_right_logical3A_924 = vector.broadcast %shift_right_logical3A_923 : i32 to vector<16xi32>
      %shift_right_logical3A_925 = arith.shrui %bitcast3A_919, %shift_right_logical3A_924 : vector<16xi32>
      %and3A_926 = arith.constant 1 : i32
      %and3A_927 = vector.broadcast %and3A_926 : i32 to vector<16xi32>
      %and3A_928 = arith.andi %shift_right_logical3A_925, %and3A_927 : vector<16xi32>
      %add3A_929 = arith.addi %add3A_922, %and3A_928 : vector<16xi32>
      %and3A_930 = arith.constant -65536 : i32
      %and3A_931 = vector.broadcast %and3A_930 : i32 to vector<16xi32>
      %and3A_932 = arith.andi %add3A_929, %and3A_931 : vector<16xi32>
      %bitcast3A_933 = vector.bitcast %and3A_932 : vector<16xi32> to vector<16xf32>
      %mul3A_934 = arith.mulf %bitcast3A_933, %bitcast3A_586 : vector<16xf32>
      %add3A_935 = arith.addf %add3A_912, %mul3A_934 : vector<16xf32>
      %mul3A_936 = arith.constant 16 : i32
      %mul3A_937 = arith.muli %scan3A_843, %mul3A_936 : i32
      %get3A_938 = arith.constant 4 : i32
      %get3A_939 = arith.index_cast %get3A_938 : i32 to index
      %get3A_940 = arith.index_cast %mul3A_937 : i32 to index
      %get3A_941 = tpu.vector_load %arg10[%get3A_939, %get3A_940] {strides = array<i32>} : memref<13x512xf32, #tpu.memory_space<vmem>>, vector<16xf32>,
      %bitcast3A_942 = vector.bitcast %get3A_941 : vector<16xf32> to vector<16xi32>
      %add3A_943 = arith.constant 32767 : i32
      %add3A_944 = vector.broadcast %add3A_943 : i32 to vector<16xi32>
      %add3A_945 = arith.addi %bitcast3A_942, %add3A_944 : vector<16xi32>
      %shift_right_logical3A_946 = arith.constant 16 : i32
      %shift_right_logical3A_947 = vector.broadcast %shift_right_logical3A_946 : i32 to vector<16xi32>
      %shift_right_logical3A_948 = arith.shrui %bitcast3A_942, %shift_right_logical3A_947 : vector<16xi32>
      %and3A_949 = arith.constant 1 : i32
      %and3A_950 = vector.broadcast %and3A_949 : i32 to vector<16xi32>
      %and3A_951 = arith.andi %shift_right_logical3A_948, %and3A_950 : vector<16xi32>
      %add3A_952 = arith.addi %add3A_945, %and3A_951 : vector<16xi32>
      %and3A_953 = arith.constant -65536 : i32
      %and3A_954 = vector.broadcast %and3A_953 : i32 to vector<16xi32>
      %and3A_955 = arith.andi %add3A_952, %and3A_954 : vector<16xi32>
      %bitcast3A_956 = vector.bitcast %and3A_955 : vector<16xi32> to vector<16xf32>
      %mul3A_957 = arith.mulf %bitcast3A_956, %bitcast3A_604 : vector<16xf32>
      %add3A_958 = arith.addf %add3A_935, %mul3A_957 : vector<16xf32>
      %mul3A_959 = arith.constant 16 : i32
      %mul3A_960 = arith.muli %scan3A_843, %mul3A_959 : i32
      %get3A_961 = arith.constant 5 : i32
      %get3A_962 = arith.index_cast %get3A_961 : i32 to index
      %get3A_963 = arith.index_cast %mul3A_960 : i32 to index
      %get3A_964 = tpu.vector_load %arg10[%get3A_962, %get3A_963] {strides = array<i32>} : memref<13x512xf32, #tpu.memory_space<vmem>>, vector<16xf32>,
      %bitcast3A_965 = vector.bitcast %get3A_964 : vector<16xf32> to vector<16xi32>
      %add3A_966 = arith.constant 32767 : i32
      %add3A_967 = vector.broadcast %add3A_966 : i32 to vector<16xi32>
      %add3A_968 = arith.addi %bitcast3A_965, %add3A_967 : vector<16xi32>
      %shift_right_logical3A_969 = arith.constant 16 : i32
      %shift_right_logical3A_970 = vector.broadcast %shift_right_logical3A_969 : i32 to vector<16xi32>
      %shift_right_logical3A_971 = arith.shrui %bitcast3A_965, %shift_right_logical3A_970 : vector<16xi32>
      %and3A_972 = arith.constant 1 : i32
      %and3A_973 = vector.broadcast %and3A_972 : i32 to vector<16xi32>
      %and3A_974 = arith.andi %shift_right_logical3A_971, %and3A_973 : vector<16xi32>
      %add3A_975 = arith.addi %add3A_968, %and3A_974 : vector<16xi32>
      %and3A_976 = arith.constant -65536 : i32
      %and3A_977 = vector.broadcast %and3A_976 : i32 to vector<16xi32>
      %and3A_978 = arith.andi %add3A_975, %and3A_977 : vector<16xi32>
      %bitcast3A_979 = vector.bitcast %and3A_978 : vector<16xi32> to vector<16xf32>
      %mul3A_980 = arith.mulf %bitcast3A_979, %bitcast3A_622 : vector<16xf32>
      %add3A_981 = arith.addf %add3A_958, %mul3A_980 : vector<16xf32>
      %mul3A_982 = arith.constant 16 : i32
      %mul3A_983 = arith.muli %scan3A_843, %mul3A_982 : i32
      %get3A_984 = arith.constant 6 : i32
      %get3A_985 = arith.index_cast %get3A_984 : i32 to index
      %get3A_986 = arith.index_cast %mul3A_983 : i32 to index
      %get3A_987 = tpu.vector_load %arg10[%get3A_985, %get3A_986] {strides = array<i32>} : memref<13x512xf32, #tpu.memory_space<vmem>>, vector<16xf32>,
      %bitcast3A_988 = vector.bitcast %get3A_987 : vector<16xf32> to vector<16xi32>
      %add3A_989 = arith.constant 32767 : i32
      %add3A_990 = vector.broadcast %add3A_989 : i32 to vector<16xi32>
      %add3A_991 = arith.addi %bitcast3A_988, %add3A_990 : vector<16xi32>
      %shift_right_logical3A_992 = arith.constant 16 : i32
      %shift_right_logical3A_993 = vector.broadcast %shift_right_logical3A_992 : i32 to vector<16xi32>
      %shift_right_logical3A_994 = arith.shrui %bitcast3A_988, %shift_right_logical3A_993 : vector<16xi32>
      %and3A_995 = arith.constant 1 : i32
      %and3A_996 = vector.broadcast %and3A_995 : i32 to vector<16xi32>
      %and3A_997 = arith.andi %shift_right_logical3A_994, %and3A_996 : vector<16xi32>
      %add3A_998 = arith.addi %add3A_991, %and3A_997 : vector<16xi32>
      %and3A_999 = arith.constant -65536 : i32
      %and3A_1000 = vector.broadcast %and3A_999 : i32 to vector<16xi32>
      %and3A_1001 = arith.andi %add3A_998, %and3A_1000 : vector<16xi32>
      %bitcast3A_1002 = vector.bitcast %and3A_1001 : vector<16xi32> to vector<16xf32>
      %mul3A_1003 = arith.mulf %bitcast3A_1002, %bitcast3A_640 : vector<16xf32>
      %add3A_1004 = arith.addf %add3A_981, %mul3A_1003 : vector<16xf32>
      %mul3A_1005 = arith.constant 16 : i32
      %mul3A_1006 = arith.muli %scan3A_843, %mul3A_1005 : i32
      %get3A_1007 = arith.constant 7 : i32
      %get3A_1008 = arith.index_cast %get3A_1007 : i32 to index
      %get3A_1009 = arith.index_cast %mul3A_1006 : i32 to index
      %get3A_1010 = tpu.vector_load %arg10[%get3A_1008, %get3A_1009] {strides = array<i32>} : memref<13x512xf32, #tpu.memory_space<vmem>>, vector<16xf32>,
      %bitcast3A_1011 = vector.bitcast %get3A_1010 : vector<16xf32> to vector<16xi32>
      %add3A_1012 = arith.constant 32767 : i32
      %add3A_1013 = vector.broadcast %add3A_1012 : i32 to vector<16xi32>
      %add3A_1014 = arith.addi %bitcast3A_1011, %add3A_1013 : vector<16xi32>
      %shift_right_logical3A_1015 = arith.constant 16 : i32
      %shift_right_logical3A_1016 = vector.broadcast %shift_right_logical3A_1015 : i32 to vector<16xi32>
      %shift_right_logical3A_1017 = arith.shrui %bitcast3A_1011, %shift_right_logical3A_1016 : vector<16xi32>
      %and3A_1018 = arith.constant 1 : i32
      %and3A_1019 = vector.broadcast %and3A_1018 : i32 to vector<16xi32>
      %and3A_1020 = arith.andi %shift_right_logical3A_1017, %and3A_1019 : vector<16xi32>
      %add3A_1021 = arith.addi %add3A_1014, %and3A_1020 : vector<16xi32>
      %and3A_1022 = arith.constant -65536 : i32
      %and3A_1023 = vector.broadcast %and3A_1022 : i32 to vector<16xi32>
      %and3A_1024 = arith.andi %add3A_1021, %and3A_1023 : vector<16xi32>
      %bitcast3A_1025 = vector.bitcast %and3A_1024 : vector<16xi32> to vector<16xf32>
      %mul3A_1026 = arith.mulf %bitcast3A_1025, %bitcast3A_658 : vector<16xf32>
      %add3A_1027 = arith.addf %add3A_1004, %mul3A_1026 : vector<16xf32>
      %mul3A_1028 = arith.constant 16 : i32
      %mul3A_1029 = arith.muli %scan3A_843, %mul3A_1028 : i32
      %get3A_1030 = arith.constant 8 : i32
      %get3A_1031 = arith.index_cast %get3A_1030 : i32 to index
      %get3A_1032 = arith.index_cast %mul3A_1029 : i32 to index
      %get3A_1033 = tpu.vector_load %arg10[%get3A_1031, %get3A_1032] {strides = array<i32>} : memref<13x512xf32, #tpu.memory_space<vmem>>, vector<16xf32>,
      %bitcast3A_1034 = vector.bitcast %get3A_1033 : vector<16xf32> to vector<16xi32>
      %add3A_1035 = arith.constant 32767 : i32
      %add3A_1036 = vector.broadcast %add3A_1035 : i32 to vector<16xi32>
      %add3A_1037 = arith.addi %bitcast3A_1034, %add3A_1036 : vector<16xi32>
      %shift_right_logical3A_1038 = arith.constant 16 : i32
      %shift_right_logical3A_1039 = vector.broadcast %shift_right_logical3A_1038 : i32 to vector<16xi32>
      %shift_right_logical3A_1040 = arith.shrui %bitcast3A_1034, %shift_right_logical3A_1039 : vector<16xi32>
      %and3A_1041 = arith.constant 1 : i32
      %and3A_1042 = vector.broadcast %and3A_1041 : i32 to vector<16xi32>
      %and3A_1043 = arith.andi %shift_right_logical3A_1040, %and3A_1042 : vector<16xi32>
      %add3A_1044 = arith.addi %add3A_1037, %and3A_1043 : vector<16xi32>
      %and3A_1045 = arith.constant -65536 : i32
      %and3A_1046 = vector.broadcast %and3A_1045 : i32 to vector<16xi32>
      %and3A_1047 = arith.andi %add3A_1044, %and3A_1046 : vector<16xi32>
      %bitcast3A_1048 = vector.bitcast %and3A_1047 : vector<16xi32> to vector<16xf32>
      %mul3A_1049 = arith.mulf %bitcast3A_1048, %bitcast3A_676 : vector<16xf32>
      %add3A_1050 = arith.addf %add3A_1027, %mul3A_1049 : vector<16xf32>
      %mul3A_1051 = arith.constant 16 : i32
      %mul3A_1052 = arith.muli %scan3A_843, %mul3A_1051 : i32
      %get3A_1053 = arith.constant 9 : i32
      %get3A_1054 = arith.index_cast %get3A_1053 : i32 to index
      %get3A_1055 = arith.index_cast %mul3A_1052 : i32 to index
      %get3A_1056 = tpu.vector_load %arg10[%get3A_1054, %get3A_1055] {strides = array<i32>} : memref<13x512xf32, #tpu.memory_space<vmem>>, vector<16xf32>,
      %bitcast3A_1057 = vector.bitcast %get3A_1056 : vector<16xf32> to vector<16xi32>
      %add3A_1058 = arith.constant 32767 : i32
      %add3A_1059 = vector.broadcast %add3A_1058 : i32 to vector<16xi32>
      %add3A_1060 = arith.addi %bitcast3A_1057, %add3A_1059 : vector<16xi32>
      %shift_right_logical3A_1061 = arith.constant 16 : i32
      %shift_right_logical3A_1062 = vector.broadcast %shift_right_logical3A_1061 : i32 to vector<16xi32>
      %shift_right_logical3A_1063 = arith.shrui %bitcast3A_1057, %shift_right_logical3A_1062 : vector<16xi32>
      %and3A_1064 = arith.constant 1 : i32
      %and3A_1065 = vector.broadcast %and3A_1064 : i32 to vector<16xi32>
      %and3A_1066 = arith.andi %shift_right_logical3A_1063, %and3A_1065 : vector<16xi32>
      %add3A_1067 = arith.addi %add3A_1060, %and3A_1066 : vector<16xi32>
      %and3A_1068 = arith.constant -65536 : i32
      %and3A_1069 = vector.broadcast %and3A_1068 : i32 to vector<16xi32>
      %and3A_1070 = arith.andi %add3A_1067, %and3A_1069 : vector<16xi32>
      %bitcast3A_1071 = vector.bitcast %and3A_1070 : vector<16xi32> to vector<16xf32>
      %mul3A_1072 = arith.mulf %bitcast3A_1071, %bitcast3A_694 : vector<16xf32>
      %add3A_1073 = arith.addf %add3A_1050, %mul3A_1072 : vector<16xf32>
      %mul3A_1074 = arith.constant 16 : i32
      %mul3A_1075 = arith.muli %scan3A_843, %mul3A_1074 : i32
      %get3A_1076 = arith.constant 10 : i32
      %get3A_1077 = arith.index_cast %get3A_1076 : i32 to index
      %get3A_1078 = arith.index_cast %mul3A_1075 : i32 to index
      %get3A_1079 = tpu.vector_load %arg10[%get3A_1077, %get3A_1078] {strides = array<i32>} : memref<13x512xf32, #tpu.memory_space<vmem>>, vector<16xf32>,
      %bitcast3A_1080 = vector.bitcast %get3A_1079 : vector<16xf32> to vector<16xi32>
      %add3A_1081 = arith.constant 32767 : i32
      %add3A_1082 = vector.broadcast %add3A_1081 : i32 to vector<16xi32>
      %add3A_1083 = arith.addi %bitcast3A_1080, %add3A_1082 : vector<16xi32>
      %shift_right_logical3A_1084 = arith.constant 16 : i32
      %shift_right_logical3A_1085 = vector.broadcast %shift_right_logical3A_1084 : i32 to vector<16xi32>
      %shift_right_logical3A_1086 = arith.shrui %bitcast3A_1080, %shift_right_logical3A_1085 : vector<16xi32>
      %and3A_1087 = arith.constant 1 : i32
      %and3A_1088 = vector.broadcast %and3A_1087 : i32 to vector<16xi32>
      %and3A_1089 = arith.andi %shift_right_logical3A_1086, %and3A_1088 : vector<16xi32>
      %add3A_1090 = arith.addi %add3A_1083, %and3A_1089 : vector<16xi32>
      %and3A_1091 = arith.constant -65536 : i32
      %and3A_1092 = vector.broadcast %and3A_1091 : i32 to vector<16xi32>
      %and3A_1093 = arith.andi %add3A_1090, %and3A_1092 : vector<16xi32>
      %bitcast3A_1094 = vector.bitcast %and3A_1093 : vector<16xi32> to vector<16xf32>
      %mul3A_1095 = arith.mulf %bitcast3A_1094, %bitcast3A_712 : vector<16xf32>
      %add3A_1096 = arith.addf %add3A_1073, %mul3A_1095 : vector<16xf32>
      %mul3A_1097 = arith.constant 16 : i32
      %mul3A_1098 = arith.muli %scan3A_843, %mul3A_1097 : i32
      %get3A_1099 = arith.constant 11 : i32
      %get3A_1100 = arith.index_cast %get3A_1099 : i32 to index
      %get3A_1101 = arith.index_cast %mul3A_1098 : i32 to index
      %get3A_1102 = tpu.vector_load %arg10[%get3A_1100, %get3A_1101] {strides = array<i32>} : memref<13x512xf32, #tpu.memory_space<vmem>>, vector<16xf32>,
      %bitcast3A_1103 = vector.bitcast %get3A_1102 : vector<16xf32> to vector<16xi32>
      %add3A_1104 = arith.constant 32767 : i32
      %add3A_1105 = vector.broadcast %add3A_1104 : i32 to vector<16xi32>
      %add3A_1106 = arith.addi %bitcast3A_1103, %add3A_1105 : vector<16xi32>
      %shift_right_logical3A_1107 = arith.constant 16 : i32
      %shift_right_logical3A_1108 = vector.broadcast %shift_right_logical3A_1107 : i32 to vector<16xi32>
      %shift_right_logical3A_1109 = arith.shrui %bitcast3A_1103, %shift_right_logical3A_1108 : vector<16xi32>
      %and3A_1110 = arith.constant 1 : i32
      %and3A_1111 = vector.broadcast %and3A_1110 : i32 to vector<16xi32>
      %and3A_1112 = arith.andi %shift_right_logical3A_1109, %and3A_1111 : vector<16xi32>
      %add3A_1113 = arith.addi %add3A_1106, %and3A_1112 : vector<16xi32>
      %and3A_1114 = arith.constant -65536 : i32
      %and3A_1115 = vector.broadcast %and3A_1114 : i32 to vector<16xi32>
      %and3A_1116 = arith.andi %add3A_1113, %and3A_1115 : vector<16xi32>
      %bitcast3A_1117 = vector.bitcast %and3A_1116 : vector<16xi32> to vector<16xf32>
      %mul3A_1118 = arith.mulf %bitcast3A_1117, %bitcast3A_730 : vector<16xf32>
      %add3A_1119 = arith.addf %add3A_1096, %mul3A_1118 : vector<16xf32>
      %mul3A_1120 = arith.constant 16 : i32
      %mul3A_1121 = arith.muli %scan3A_843, %mul3A_1120 : i32
      %get3A_1122 = arith.constant 12 : i32
      %get3A_1123 = arith.index_cast %get3A_1122 : i32 to index
      %get3A_1124 = arith.index_cast %mul3A_1121 : i32 to index
      %get3A_1125 = tpu.vector_load %arg10[%get3A_1123, %get3A_1124] {strides = array<i32>} : memref<13x512xf32, #tpu.memory_space<vmem>>, vector<16xf32>,
      %bitcast3A_1126 = vector.bitcast %get3A_1125 : vector<16xf32> to vector<16xi32>
      %add3A_1127 = arith.constant 32767 : i32
      %add3A_1128 = vector.broadcast %add3A_1127 : i32 to vector<16xi32>
      %add3A_1129 = arith.addi %bitcast3A_1126, %add3A_1128 : vector<16xi32>
      %shift_right_logical3A_1130 = arith.constant 16 : i32
      %shift_right_logical3A_1131 = vector.broadcast %shift_right_logical3A_1130 : i32 to vector<16xi32>
      %shift_right_logical3A_1132 = arith.shrui %bitcast3A_1126, %shift_right_logical3A_1131 : vector<16xi32>
      %and3A_1133 = arith.constant 1 : i32
      %and3A_1134 = vector.broadcast %and3A_1133 : i32 to vector<16xi32>
      %and3A_1135 = arith.andi %shift_right_logical3A_1132, %and3A_1134 : vector<16xi32>
      %add3A_1136 = arith.addi %add3A_1129, %and3A_1135 : vector<16xi32>
      %and3A_1137 = arith.constant -65536 : i32
      %and3A_1138 = vector.broadcast %and3A_1137 : i32 to vector<16xi32>
      %and3A_1139 = arith.andi %add3A_1136, %and3A_1138 : vector<16xi32>
      %bitcast3A_1140 = vector.bitcast %and3A_1139 : vector<16xi32> to vector<16xf32>
      %mul3A_1141 = arith.mulf %bitcast3A_1140, %bitcast3A_748 : vector<16xf32>
      %add3A_1142 = arith.addf %add3A_1119, %mul3A_1141 : vector<16xf32>
      %mul3A_1143 = arith.constant 16 : i32
      %mul3A_1144 = arith.muli %scan3A_843, %mul3A_1143 : i32
      %swap3A = arith.index_cast %mul3A_1144 : i32 to index
      %swap3A_1145 = tpu.vector_load %arg12[%swap3A] {strides = array<i32>} : memref<512xf32, #tpu.memory_space<vmem>>, vector<16xf32>,
      tpu.vector_store %arg12[%swap3A], %add3A_1142 {strides = array<i32>} : memref<512xf32, #tpu.memory_space<vmem>>, vector<16xf32>,
      %scan3A_1146 = arith.constant 0 : i32
      scf.yield %scan3A_1146 : i32
    }
    %scan3A_755 = arith.constant 32 : i32
    %dma_wait3A = arith.constant 0 : i32
    %dma_wait3A_756 = arith.constant 0 : i32
    %dma_wait3A_757 = tpu.memref_slice %arg9[%dma_wait3A_756] : memref<13312xf32, #tpu.memory_space<vmem>> -> memref<3584xf32, #tpu.memory_space<vmem>>
    %dma_wait3A_758 = arith.constant 0 : i32
    %dma_wait3A_759 = tpu.memref_slice %arg8[%dma_wait3A_758] : memref<13312xi32, #tpu.memory_space<vmem>> -> memref<3584xi32, #tpu.memory_space<vmem>>
    %dma_wait3A_760 = arith.constant 0 : i32
    %dma_wait3A_761 = tpu.memref_slice %arg2[%dma_wait3A, %dma_wait3A_760] : memref<1x26000000xf32, #tpu.memory_space<hbm>> -> memref<1x26000000xf32, #tpu.memory_space<hbm>>
    %dma_wait3A_762 = tpu.memref_squeeze %dma_wait3A_761 : memref<1x26000000xf32, #tpu.memory_space<hbm>> -> memref<26000000xf32, #tpu.memory_space<hbm>>
    %dma_wait3A_763 = arith.constant 0 : i32
    %dma_wait3A_764 = tpu.memref_slice %dma_wait3A_762[%dma_wait3A_763] : memref<26000000xf32, #tpu.memory_space<hbm>> -> memref<26000000xf32, #tpu.memory_space<hbm>>
    tpu.wait_indirect_dma semaphore(%arg13 : memref<!tpu.dma_semaphore, #tpu.memory_space<semaphore_mem>>) src(%dma_wait3A_764 : memref<26000000xf32, #tpu.memory_space<hbm>>) dst(%dma_wait3A_757 : memref<3584xf32, #tpu.memory_space<vmem>>)
    %scan3A_765 = arith.constant 0 : i32
    %scan3A_766 = arith.constant 0 : i32
    %scan3A_767 = arith.constant 32 : i32
    %scan3A_768 = arith.addi %scan3A_766, %scan3A_767 : i32
    %scan3A_769 = arith.constant 1 : i32
    %scan3A_770 = scf.for %scan3A_843 = %scan3A_766 to %scan3A_768 step %scan3A_769 iter_args(%scan3A_844 = %scan3A_765) -> (i32)  : i32 {
      %mul3A_845 = arith.constant 16 : i32
      %mul3A_846 = arith.muli %scan3A_843, %mul3A_845 : i32
      %get3A = arith.index_cast %mul3A_846 : i32 to index
      %get3A_847 = tpu.vector_load %arg12[%get3A] {strides = array<i32>} : memref<512xf32, #tpu.memory_space<vmem>>, vector<16xf32>,
      %mul3A_848 = arith.constant 16 : i32
      %mul3A_849 = arith.muli %scan3A_843, %mul3A_848 : i32
      %add3A_850 = arith.constant 0 : i32
      %add3A_851 = arith.addi %add3A_850, %mul3A_849 : i32
      %get3A_852 = arith.index_cast %add3A_851 : i32 to index
      %get3A_853 = tpu.vector_load %arg9[%get3A_852] {strides = array<i32>} : memref<13312xf32, #tpu.memory_space<vmem>>, vector<16xf32>,
      %bitcast3A_854 = vector.bitcast %get3A_853 : vector<16xf32> to vector<16xi32>
      %add3A_855 = arith.constant 32767 : i32
      %add3A_856 = vector.broadcast %add3A_855 : i32 to vector<16xi32>
      %add3A_857 = arith.addi %bitcast3A_854, %add3A_856 : vector<16xi32>
      %shift_right_logical3A_858 = arith.constant 16 : i32
      %shift_right_logical3A_859 = vector.broadcast %shift_right_logical3A_858 : i32 to vector<16xi32>
      %shift_right_logical3A_860 = arith.shrui %bitcast3A_854, %shift_right_logical3A_859 : vector<16xi32>
      %and3A_861 = arith.constant 1 : i32
      %and3A_862 = vector.broadcast %and3A_861 : i32 to vector<16xi32>
      %and3A_863 = arith.andi %shift_right_logical3A_860, %and3A_862 : vector<16xi32>
      %add3A_864 = arith.addi %add3A_857, %and3A_863 : vector<16xi32>
      %and3A_865 = arith.constant -65536 : i32
      %and3A_866 = vector.broadcast %and3A_865 : i32 to vector<16xi32>
      %and3A_867 = arith.andi %add3A_864, %and3A_866 : vector<16xi32>
      %bitcast3A_868 = vector.bitcast %and3A_867 : vector<16xi32> to vector<16xf32>
      %mul3A_869 = arith.mulf %bitcast3A_868, %bitcast3A_64 : vector<16xf32>
      %add3A_870 = arith.addf %get3A_847, %mul3A_869 : vector<16xf32>
      %mul3A_871 = arith.constant 16 : i32
      %mul3A_872 = arith.muli %scan3A_843, %mul3A_871 : i32
      %add3A_873 = arith.constant 512 : i32
      %add3A_874 = arith.addi %add3A_873, %mul3A_872 : i32
      %get3A_875 = arith.index_cast %add3A_874 : i32 to index
      %get3A_876 = tpu.vector_load %arg9[%get3A_875] {strides = array<i32>} : memref<13312xf32, #tpu.memory_space<vmem>>, vector<16xf32>,
      %bitcast3A_877 = vector.bitcast %get3A_876 : vector<16xf32> to vector<16xi32>
      %add3A_878 = arith.constant 32767 : i32
      %add3A_879 = vector.broadcast %add3A_878 : i32 to vector<16xi32>
      %add3A_880 = arith.addi %bitcast3A_877, %add3A_879 : vector<16xi32>
      %shift_right_logical3A_881 = arith.constant 16 : i32
      %shift_right_logical3A_882 = vector.broadcast %shift_right_logical3A_881 : i32 to vector<16xi32>
      %shift_right_logical3A_883 = arith.shrui %bitcast3A_877, %shift_right_logical3A_882 : vector<16xi32>
      %and3A_884 = arith.constant 1 : i32
      %and3A_885 = vector.broadcast %and3A_884 : i32 to vector<16xi32>
      %and3A_886 = arith.andi %shift_right_logical3A_883, %and3A_885 : vector<16xi32>
      %add3A_887 = arith.addi %add3A_880, %and3A_886 : vector<16xi32>
      %and3A_888 = arith.constant -65536 : i32
      %and3A_889 = vector.broadcast %and3A_888 : i32 to vector<16xi32>
      %and3A_890 = arith.andi %add3A_887, %and3A_889 : vector<16xi32>
      %bitcast3A_891 = vector.bitcast %and3A_890 : vector<16xi32> to vector<16xf32>
      %mul3A_892 = arith.mulf %bitcast3A_891, %bitcast3A_82 : vector<16xf32>
      %add3A_893 = arith.addf %add3A_870, %mul3A_892 : vector<16xf32>
      %mul3A_894 = arith.constant 16 : i32
      %mul3A_895 = arith.muli %scan3A_843, %mul3A_894 : i32
      %add3A_896 = arith.constant 1024 : i32
      %add3A_897 = arith.addi %add3A_896, %mul3A_895 : i32
      %get3A_898 = arith.index_cast %add3A_897 : i32 to index
      %get3A_899 = tpu.vector_load %arg9[%get3A_898] {strides = array<i32>} : memref<13312xf32, #tpu.memory_space<vmem>>, vector<16xf32>,
      %bitcast3A_900 = vector.bitcast %get3A_899 : vector<16xf32> to vector<16xi32>
      %add3A_901 = arith.constant 32767 : i32
      %add3A_902 = vector.broadcast %add3A_901 : i32 to vector<16xi32>
      %add3A_903 = arith.addi %bitcast3A_900, %add3A_902 : vector<16xi32>
      %shift_right_logical3A_904 = arith.constant 16 : i32
      %shift_right_logical3A_905 = vector.broadcast %shift_right_logical3A_904 : i32 to vector<16xi32>
      %shift_right_logical3A_906 = arith.shrui %bitcast3A_900, %shift_right_logical3A_905 : vector<16xi32>
      %and3A_907 = arith.constant 1 : i32
      %and3A_908 = vector.broadcast %and3A_907 : i32 to vector<16xi32>
      %and3A_909 = arith.andi %shift_right_logical3A_906, %and3A_908 : vector<16xi32>
      %add3A_910 = arith.addi %add3A_903, %and3A_909 : vector<16xi32>
      %and3A_911 = arith.constant -65536 : i32
      %and3A_912 = vector.broadcast %and3A_911 : i32 to vector<16xi32>
      %and3A_913 = arith.andi %add3A_910, %and3A_912 : vector<16xi32>
      %bitcast3A_914 = vector.bitcast %and3A_913 : vector<16xi32> to vector<16xf32>
      %mul3A_915 = arith.mulf %bitcast3A_914, %bitcast3A_100 : vector<16xf32>
      %add3A_916 = arith.addf %add3A_893, %mul3A_915 : vector<16xf32>
      %mul3A_917 = arith.constant 16 : i32
      %mul3A_918 = arith.muli %scan3A_843, %mul3A_917 : i32
      %add3A_919 = arith.constant 1536 : i32
      %add3A_920 = arith.addi %add3A_919, %mul3A_918 : i32
      %get3A_921 = arith.index_cast %add3A_920 : i32 to index
      %get3A_922 = tpu.vector_load %arg9[%get3A_921] {strides = array<i32>} : memref<13312xf32, #tpu.memory_space<vmem>>, vector<16xf32>,
      %bitcast3A_923 = vector.bitcast %get3A_922 : vector<16xf32> to vector<16xi32>
      %add3A_924 = arith.constant 32767 : i32
      %add3A_925 = vector.broadcast %add3A_924 : i32 to vector<16xi32>
      %add3A_926 = arith.addi %bitcast3A_923, %add3A_925 : vector<16xi32>
      %shift_right_logical3A_927 = arith.constant 16 : i32
      %shift_right_logical3A_928 = vector.broadcast %shift_right_logical3A_927 : i32 to vector<16xi32>
      %shift_right_logical3A_929 = arith.shrui %bitcast3A_923, %shift_right_logical3A_928 : vector<16xi32>
      %and3A_930 = arith.constant 1 : i32
      %and3A_931 = vector.broadcast %and3A_930 : i32 to vector<16xi32>
      %and3A_932 = arith.andi %shift_right_logical3A_929, %and3A_931 : vector<16xi32>
      %add3A_933 = arith.addi %add3A_926, %and3A_932 : vector<16xi32>
      %and3A_934 = arith.constant -65536 : i32
      %and3A_935 = vector.broadcast %and3A_934 : i32 to vector<16xi32>
      %and3A_936 = arith.andi %add3A_933, %and3A_935 : vector<16xi32>
      %bitcast3A_937 = vector.bitcast %and3A_936 : vector<16xi32> to vector<16xf32>
      %mul3A_938 = arith.mulf %bitcast3A_937, %bitcast3A_118 : vector<16xf32>
      %add3A_939 = arith.addf %add3A_916, %mul3A_938 : vector<16xf32>
      %mul3A_940 = arith.constant 16 : i32
      %mul3A_941 = arith.muli %scan3A_843, %mul3A_940 : i32
      %add3A_942 = arith.constant 2048 : i32
      %add3A_943 = arith.addi %add3A_942, %mul3A_941 : i32
      %get3A_944 = arith.index_cast %add3A_943 : i32 to index
      %get3A_945 = tpu.vector_load %arg9[%get3A_944] {strides = array<i32>} : memref<13312xf32, #tpu.memory_space<vmem>>, vector<16xf32>,
      %bitcast3A_946 = vector.bitcast %get3A_945 : vector<16xf32> to vector<16xi32>
      %add3A_947 = arith.constant 32767 : i32
      %add3A_948 = vector.broadcast %add3A_947 : i32 to vector<16xi32>
      %add3A_949 = arith.addi %bitcast3A_946, %add3A_948 : vector<16xi32>
      %shift_right_logical3A_950 = arith.constant 16 : i32
      %shift_right_logical3A_951 = vector.broadcast %shift_right_logical3A_950 : i32 to vector<16xi32>
      %shift_right_logical3A_952 = arith.shrui %bitcast3A_946, %shift_right_logical3A_951 : vector<16xi32>
      %and3A_953 = arith.constant 1 : i32
      %and3A_954 = vector.broadcast %and3A_953 : i32 to vector<16xi32>
      %and3A_955 = arith.andi %shift_right_logical3A_952, %and3A_954 : vector<16xi32>
      %add3A_956 = arith.addi %add3A_949, %and3A_955 : vector<16xi32>
      %and3A_957 = arith.constant -65536 : i32
      %and3A_958 = vector.broadcast %and3A_957 : i32 to vector<16xi32>
      %and3A_959 = arith.andi %add3A_956, %and3A_958 : vector<16xi32>
      %bitcast3A_960 = vector.bitcast %and3A_959 : vector<16xi32> to vector<16xf32>
      %mul3A_961 = arith.mulf %bitcast3A_960, %bitcast3A_136 : vector<16xf32>
      %add3A_962 = arith.addf %add3A_939, %mul3A_961 : vector<16xf32>
      %mul3A_963 = arith.constant 16 : i32
      %mul3A_964 = arith.muli %scan3A_843, %mul3A_963 : i32
      %add3A_965 = arith.constant 2560 : i32
      %add3A_966 = arith.addi %add3A_965, %mul3A_964 : i32
      %get3A_967 = arith.index_cast %add3A_966 : i32 to index
      %get3A_968 = tpu.vector_load %arg9[%get3A_967] {strides = array<i32>} : memref<13312xf32, #tpu.memory_space<vmem>>, vector<16xf32>,
      %bitcast3A_969 = vector.bitcast %get3A_968 : vector<16xf32> to vector<16xi32>
      %add3A_970 = arith.constant 32767 : i32
      %add3A_971 = vector.broadcast %add3A_970 : i32 to vector<16xi32>
      %add3A_972 = arith.addi %bitcast3A_969, %add3A_971 : vector<16xi32>
      %shift_right_logical3A_973 = arith.constant 16 : i32
      %shift_right_logical3A_974 = vector.broadcast %shift_right_logical3A_973 : i32 to vector<16xi32>
      %shift_right_logical3A_975 = arith.shrui %bitcast3A_969, %shift_right_logical3A_974 : vector<16xi32>
      %and3A_976 = arith.constant 1 : i32
      %and3A_977 = vector.broadcast %and3A_976 : i32 to vector<16xi32>
      %and3A_978 = arith.andi %shift_right_logical3A_975, %and3A_977 : vector<16xi32>
      %add3A_979 = arith.addi %add3A_972, %and3A_978 : vector<16xi32>
      %and3A_980 = arith.constant -65536 : i32
      %and3A_981 = vector.broadcast %and3A_980 : i32 to vector<16xi32>
      %and3A_982 = arith.andi %add3A_979, %and3A_981 : vector<16xi32>
      %bitcast3A_983 = vector.bitcast %and3A_982 : vector<16xi32> to vector<16xf32>
      %mul3A_984 = arith.mulf %bitcast3A_983, %bitcast3A_154 : vector<16xf32>
      %add3A_985 = arith.addf %add3A_962, %mul3A_984 : vector<16xf32>
      %mul3A_986 = arith.constant 16 : i32
      %mul3A_987 = arith.muli %scan3A_843, %mul3A_986 : i32
      %add3A_988 = arith.constant 3072 : i32
      %add3A_989 = arith.addi %add3A_988, %mul3A_987 : i32
      %get3A_990 = arith.index_cast %add3A_989 : i32 to index
      %get3A_991 = tpu.vector_load %arg9[%get3A_990] {strides = array<i32>} : memref<13312xf32, #tpu.memory_space<vmem>>, vector<16xf32>,
      %bitcast3A_992 = vector.bitcast %get3A_991 : vector<16xf32> to vector<16xi32>
      %add3A_993 = arith.constant 32767 : i32
      %add3A_994 = vector.broadcast %add3A_993 : i32 to vector<16xi32>
      %add3A_995 = arith.addi %bitcast3A_992, %add3A_994 : vector<16xi32>
      %shift_right_logical3A_996 = arith.constant 16 : i32
      %shift_right_logical3A_997 = vector.broadcast %shift_right_logical3A_996 : i32 to vector<16xi32>
      %shift_right_logical3A_998 = arith.shrui %bitcast3A_992, %shift_right_logical3A_997 : vector<16xi32>
      %and3A_999 = arith.constant 1 : i32
      %and3A_1000 = vector.broadcast %and3A_999 : i32 to vector<16xi32>
      %and3A_1001 = arith.andi %shift_right_logical3A_998, %and3A_1000 : vector<16xi32>
      %add3A_1002 = arith.addi %add3A_995, %and3A_1001 : vector<16xi32>
      %and3A_1003 = arith.constant -65536 : i32
      %and3A_1004 = vector.broadcast %and3A_1003 : i32 to vector<16xi32>
      %and3A_1005 = arith.andi %add3A_1002, %and3A_1004 : vector<16xi32>
      %bitcast3A_1006 = vector.bitcast %and3A_1005 : vector<16xi32> to vector<16xf32>
      %mul3A_1007 = arith.mulf %bitcast3A_1006, %bitcast3A_172 : vector<16xf32>
      %add3A_1008 = arith.addf %add3A_985, %mul3A_1007 : vector<16xf32>
      %mul3A_1009 = arith.constant 16 : i32
      %mul3A_1010 = arith.muli %scan3A_843, %mul3A_1009 : i32
      %swap3A = arith.index_cast %mul3A_1010 : i32 to index
      %swap3A_1011 = tpu.vector_load %arg12[%swap3A] {strides = array<i32>} : memref<512xf32, #tpu.memory_space<vmem>>, vector<16xf32>,
      tpu.vector_store %arg12[%swap3A], %add3A_1008 {strides = array<i32>} : memref<512xf32, #tpu.memory_space<vmem>>, vector<16xf32>,
      %scan3A_1012 = arith.constant 0 : i32
      scf.yield %scan3A_1012 : i32
    }
    %scan3A_771 = arith.constant 32 : i32
    %dma_start3A_772 = arith.constant 0 : i32
    %dma_start3A_773 = arith.constant 7168 : i32
    %dma_start3A_774 = tpu.memref_slice %arg9[%dma_start3A_773] : memref<13312xf32, #tpu.memory_space<vmem>> -> memref<3072xf32, #tpu.memory_space<vmem>>
    %dma_start3A_775 = arith.constant 7168 : i32
    %dma_start3A_776 = tpu.memref_slice %arg8[%dma_start3A_775] : memref<13312xi32, #tpu.memory_space<vmem>> -> memref<3072xi32, #tpu.memory_space<vmem>>
    %dma_start3A_777 = arith.constant 0 : i32
    %dma_start3A_778 = tpu.memref_slice %arg2[%dma_start3A_772, %dma_start3A_777] : memref<1x26000000xf32, #tpu.memory_space<hbm>> -> memref<1x26000000xf32, #tpu.memory_space<hbm>>
    %dma_start3A_779 = tpu.memref_squeeze %dma_start3A_778 : memref<1x26000000xf32, #tpu.memory_space<hbm>> -> memref<26000000xf32, #tpu.memory_space<hbm>>
    %dma_start3A_780 = arith.constant 0 : i32
    %dma_start3A_781 = tpu.memref_slice %dma_start3A_779[%dma_start3A_780] : memref<26000000xf32, #tpu.memory_space<hbm>> -> memref<26000000xf32, #tpu.memory_space<hbm>>
    tpu.enqueue_indirect_dma source(%dma_start3A_781 : memref<26000000xf32, #tpu.memory_space<hbm>>) target(%dma_start3A_774 : memref<3072xf32, #tpu.memory_space<vmem>>) offsets(%dma_start3A_776 : memref<3072xi32, #tpu.memory_space<vmem>>) semaphore(%arg13 : memref<!tpu.dma_semaphore, #tpu.memory_space<semaphore_mem>>)
    %dma_wait3A_782 = arith.constant 0 : i32
    %dma_wait3A_783 = arith.constant 3584 : i32
    %dma_wait3A_784 = tpu.memref_slice %arg9[%dma_wait3A_783] : memref<13312xf32, #tpu.memory_space<vmem>> -> memref<3584xf32, #tpu.memory_space<vmem>>
    %dma_wait3A_785 = arith.constant 3584 : i32
    %dma_wait3A_786 = tpu.memref_slice %arg8[%dma_wait3A_785] : memref<13312xi32, #tpu.memory_space<vmem>> -> memref<3584xi32, #tpu.memory_space<vmem>>
    %dma_wait3A_787 = arith.constant 0 : i32
    %dma_wait3A_788 = tpu.memref_slice %arg2[%dma_wait3A_782, %dma_wait3A_787] : memref<1x26000000xf32, #tpu.memory_space<hbm>> -> memref<1x26000000xf32, #tpu.memory_space<hbm>>
    %dma_wait3A_789 = tpu.memref_squeeze %dma_wait3A_788 : memref<1x26000000xf32, #tpu.memory_space<hbm>> -> memref<26000000xf32, #tpu.memory_space<hbm>>
    %dma_wait3A_790 = arith.constant 0 : i32
    %dma_wait3A_791 = tpu.memref_slice %dma_wait3A_789[%dma_wait3A_790] : memref<26000000xf32, #tpu.memory_space<hbm>> -> memref<26000000xf32, #tpu.memory_space<hbm>>
    tpu.wait_indirect_dma semaphore(%arg14 : memref<!tpu.dma_semaphore, #tpu.memory_space<semaphore_mem>>) src(%dma_wait3A_791 : memref<26000000xf32, #tpu.memory_space<hbm>>) dst(%dma_wait3A_784 : memref<3584xf32, #tpu.memory_space<vmem>>)
    %scan3A_792 = arith.constant 0 : i32
    %scan3A_793 = arith.constant 0 : i32
    %scan3A_794 = arith.constant 32 : i32
    %scan3A_795 = arith.addi %scan3A_793, %scan3A_794 : i32
    %scan3A_796 = arith.constant 1 : i32
    %scan3A_797 = scf.for %scan3A_843 = %scan3A_793 to %scan3A_795 step %scan3A_796 iter_args(%scan3A_844 = %scan3A_792) -> (i32)  : i32 {
      %mul3A_845 = arith.constant 16 : i32
      %mul3A_846 = arith.muli %scan3A_843, %mul3A_845 : i32
      %get3A = arith.index_cast %mul3A_846 : i32 to index
      %get3A_847 = tpu.vector_load %arg12[%get3A] {strides = array<i32>} : memref<512xf32, #tpu.memory_space<vmem>>, vector<16xf32>,
      %mul3A_848 = arith.constant 16 : i32
      %mul3A_849 = arith.muli %scan3A_843, %mul3A_848 : i32
      %add3A_850 = arith.constant 3584 : i32
      %add3A_851 = arith.addi %add3A_850, %mul3A_849 : i32
      %get3A_852 = arith.index_cast %add3A_851 : i32 to index
      %get3A_853 = tpu.vector_load %arg9[%get3A_852] {strides = array<i32>} : memref<13312xf32, #tpu.memory_space<vmem>>, vector<16xf32>,
      %bitcast3A_854 = vector.bitcast %get3A_853 : vector<16xf32> to vector<16xi32>
      %add3A_855 = arith.constant 32767 : i32
      %add3A_856 = vector.broadcast %add3A_855 : i32 to vector<16xi32>
      %add3A_857 = arith.addi %bitcast3A_854, %add3A_856 : vector<16xi32>
      %shift_right_logical3A_858 = arith.constant 16 : i32
      %shift_right_logical3A_859 = vector.broadcast %shift_right_logical3A_858 : i32 to vector<16xi32>
      %shift_right_logical3A_860 = arith.shrui %bitcast3A_854, %shift_right_logical3A_859 : vector<16xi32>
      %and3A_861 = arith.constant 1 : i32
      %and3A_862 = vector.broadcast %and3A_861 : i32 to vector<16xi32>
      %and3A_863 = arith.andi %shift_right_logical3A_860, %and3A_862 : vector<16xi32>
      %add3A_864 = arith.addi %add3A_857, %and3A_863 : vector<16xi32>
      %and3A_865 = arith.constant -65536 : i32
      %and3A_866 = vector.broadcast %and3A_865 : i32 to vector<16xi32>
      %and3A_867 = arith.andi %add3A_864, %and3A_866 : vector<16xi32>
      %bitcast3A_868 = vector.bitcast %and3A_867 : vector<16xi32> to vector<16xf32>
      %mul3A_869 = arith.mulf %bitcast3A_868, %bitcast3A_190 : vector<16xf32>
      %add3A_870 = arith.addf %get3A_847, %mul3A_869 : vector<16xf32>
      %mul3A_871 = arith.constant 16 : i32
      %mul3A_872 = arith.muli %scan3A_843, %mul3A_871 : i32
      %add3A_873 = arith.constant 4096 : i32
      %add3A_874 = arith.addi %add3A_873, %mul3A_872 : i32
      %get3A_875 = arith.index_cast %add3A_874 : i32 to index
      %get3A_876 = tpu.vector_load %arg9[%get3A_875] {strides = array<i32>} : memref<13312xf32, #tpu.memory_space<vmem>>, vector<16xf32>,
      %bitcast3A_877 = vector.bitcast %get3A_876 : vector<16xf32> to vector<16xi32>
      %add3A_878 = arith.constant 32767 : i32
      %add3A_879 = vector.broadcast %add3A_878 : i32 to vector<16xi32>
      %add3A_880 = arith.addi %bitcast3A_877, %add3A_879 : vector<16xi32>
      %shift_right_logical3A_881 = arith.constant 16 : i32
      %shift_right_logical3A_882 = vector.broadcast %shift_right_logical3A_881 : i32 to vector<16xi32>
      %shift_right_logical3A_883 = arith.shrui %bitcast3A_877, %shift_right_logical3A_882 : vector<16xi32>
      %and3A_884 = arith.constant 1 : i32
      %and3A_885 = vector.broadcast %and3A_884 : i32 to vector<16xi32>
      %and3A_886 = arith.andi %shift_right_logical3A_883, %and3A_885 : vector<16xi32>
      %add3A_887 = arith.addi %add3A_880, %and3A_886 : vector<16xi32>
      %and3A_888 = arith.constant -65536 : i32
      %and3A_889 = vector.broadcast %and3A_888 : i32 to vector<16xi32>
      %and3A_890 = arith.andi %add3A_887, %and3A_889 : vector<16xi32>
      %bitcast3A_891 = vector.bitcast %and3A_890 : vector<16xi32> to vector<16xf32>
      %mul3A_892 = arith.mulf %bitcast3A_891, %bitcast3A_208 : vector<16xf32>
      %add3A_893 = arith.addf %add3A_870, %mul3A_892 : vector<16xf32>
      %mul3A_894 = arith.constant 16 : i32
      %mul3A_895 = arith.muli %scan3A_843, %mul3A_894 : i32
      %add3A_896 = arith.constant 4608 : i32
      %add3A_897 = arith.addi %add3A_896, %mul3A_895 : i32
      %get3A_898 = arith.index_cast %add3A_897 : i32 to index
      %get3A_899 = tpu.vector_load %arg9[%get3A_898] {strides = array<i32>} : memref<13312xf32, #tpu.memory_space<vmem>>, vector<16xf32>,
      %bitcast3A_900 = vector.bitcast %get3A_899 : vector<16xf32> to vector<16xi32>
      %add3A_901 = arith.constant 32767 : i32
      %add3A_902 = vector.broadcast %add3A_901 : i32 to vector<16xi32>
      %add3A_903 = arith.addi %bitcast3A_900, %add3A_902 : vector<16xi32>
      %shift_right_logical3A_904 = arith.constant 16 : i32
      %shift_right_logical3A_905 = vector.broadcast %shift_right_logical3A_904 : i32 to vector<16xi32>
      %shift_right_logical3A_906 = arith.shrui %bitcast3A_900, %shift_right_logical3A_905 : vector<16xi32>
      %and3A_907 = arith.constant 1 : i32
      %and3A_908 = vector.broadcast %and3A_907 : i32 to vector<16xi32>
      %and3A_909 = arith.andi %shift_right_logical3A_906, %and3A_908 : vector<16xi32>
      %add3A_910 = arith.addi %add3A_903, %and3A_909 : vector<16xi32>
      %and3A_911 = arith.constant -65536 : i32
      %and3A_912 = vector.broadcast %and3A_911 : i32 to vector<16xi32>
      %and3A_913 = arith.andi %add3A_910, %and3A_912 : vector<16xi32>
      %bitcast3A_914 = vector.bitcast %and3A_913 : vector<16xi32> to vector<16xf32>
      %mul3A_915 = arith.mulf %bitcast3A_914, %bitcast3A_226 : vector<16xf32>
      %add3A_916 = arith.addf %add3A_893, %mul3A_915 : vector<16xf32>
      %mul3A_917 = arith.constant 16 : i32
      %mul3A_918 = arith.muli %scan3A_843, %mul3A_917 : i32
      %add3A_919 = arith.constant 5120 : i32
      %add3A_920 = arith.addi %add3A_919, %mul3A_918 : i32
      %get3A_921 = arith.index_cast %add3A_920 : i32 to index
      %get3A_922 = tpu.vector_load %arg9[%get3A_921] {strides = array<i32>} : memref<13312xf32, #tpu.memory_space<vmem>>, vector<16xf32>,
      %bitcast3A_923 = vector.bitcast %get3A_922 : vector<16xf32> to vector<16xi32>
      %add3A_924 = arith.constant 32767 : i32
      %add3A_925 = vector.broadcast %add3A_924 : i32 to vector<16xi32>
      %add3A_926 = arith.addi %bitcast3A_923, %add3A_925 : vector<16xi32>
      %shift_right_logical3A_927 = arith.constant 16 : i32
      %shift_right_logical3A_928 = vector.broadcast %shift_right_logical3A_927 : i32 to vector<16xi32>
      %shift_right_logical3A_929 = arith.shrui %bitcast3A_923, %shift_right_logical3A_928 : vector<16xi32>
      %and3A_930 = arith.constant 1 : i32
      %and3A_931 = vector.broadcast %and3A_930 : i32 to vector<16xi32>
      %and3A_932 = arith.andi %shift_right_logical3A_929, %and3A_931 : vector<16xi32>
      %add3A_933 = arith.addi %add3A_926, %and3A_932 : vector<16xi32>
      %and3A_934 = arith.constant -65536 : i32
      %and3A_935 = vector.broadcast %and3A_934 : i32 to vector<16xi32>
      %and3A_936 = arith.andi %add3A_933, %and3A_935 : vector<16xi32>
      %bitcast3A_937 = vector.bitcast %and3A_936 : vector<16xi32> to vector<16xf32>
      %mul3A_938 = arith.mulf %bitcast3A_937, %bitcast3A_244 : vector<16xf32>
      %add3A_939 = arith.addf %add3A_916, %mul3A_938 : vector<16xf32>
      %mul3A_940 = arith.constant 16 : i32
      %mul3A_941 = arith.muli %scan3A_843, %mul3A_940 : i32
      %add3A_942 = arith.constant 5632 : i32
      %add3A_943 = arith.addi %add3A_942, %mul3A_941 : i32
      %get3A_944 = arith.index_cast %add3A_943 : i32 to index
      %get3A_945 = tpu.vector_load %arg9[%get3A_944] {strides = array<i32>} : memref<13312xf32, #tpu.memory_space<vmem>>, vector<16xf32>,
      %bitcast3A_946 = vector.bitcast %get3A_945 : vector<16xf32> to vector<16xi32>
      %add3A_947 = arith.constant 32767 : i32
      %add3A_948 = vector.broadcast %add3A_947 : i32 to vector<16xi32>
      %add3A_949 = arith.addi %bitcast3A_946, %add3A_948 : vector<16xi32>
      %shift_right_logical3A_950 = arith.constant 16 : i32
      %shift_right_logical3A_951 = vector.broadcast %shift_right_logical3A_950 : i32 to vector<16xi32>
      %shift_right_logical3A_952 = arith.shrui %bitcast3A_946, %shift_right_logical3A_951 : vector<16xi32>
      %and3A_953 = arith.constant 1 : i32
      %and3A_954 = vector.broadcast %and3A_953 : i32 to vector<16xi32>
      %and3A_955 = arith.andi %shift_right_logical3A_952, %and3A_954 : vector<16xi32>
      %add3A_956 = arith.addi %add3A_949, %and3A_955 : vector<16xi32>
      %and3A_957 = arith.constant -65536 : i32
      %and3A_958 = vector.broadcast %and3A_957 : i32 to vector<16xi32>
      %and3A_959 = arith.andi %add3A_956, %and3A_958 : vector<16xi32>
      %bitcast3A_960 = vector.bitcast %and3A_959 : vector<16xi32> to vector<16xf32>
      %mul3A_961 = arith.mulf %bitcast3A_960, %bitcast3A_262 : vector<16xf32>
      %add3A_962 = arith.addf %add3A_939, %mul3A_961 : vector<16xf32>
      %mul3A_963 = arith.constant 16 : i32
      %mul3A_964 = arith.muli %scan3A_843, %mul3A_963 : i32
      %add3A_965 = arith.constant 6144 : i32
      %add3A_966 = arith.addi %add3A_965, %mul3A_964 : i32
      %get3A_967 = arith.index_cast %add3A_966 : i32 to index
      %get3A_968 = tpu.vector_load %arg9[%get3A_967] {strides = array<i32>} : memref<13312xf32, #tpu.memory_space<vmem>>, vector<16xf32>,
      %bitcast3A_969 = vector.bitcast %get3A_968 : vector<16xf32> to vector<16xi32>
      %add3A_970 = arith.constant 32767 : i32
      %add3A_971 = vector.broadcast %add3A_970 : i32 to vector<16xi32>
      %add3A_972 = arith.addi %bitcast3A_969, %add3A_971 : vector<16xi32>
      %shift_right_logical3A_973 = arith.constant 16 : i32
      %shift_right_logical3A_974 = vector.broadcast %shift_right_logical3A_973 : i32 to vector<16xi32>
      %shift_right_logical3A_975 = arith.shrui %bitcast3A_969, %shift_right_logical3A_974 : vector<16xi32>
      %and3A_976 = arith.constant 1 : i32
      %and3A_977 = vector.broadcast %and3A_976 : i32 to vector<16xi32>
      %and3A_978 = arith.andi %shift_right_logical3A_975, %and3A_977 : vector<16xi32>
      %add3A_979 = arith.addi %add3A_972, %and3A_978 : vector<16xi32>
      %and3A_980 = arith.constant -65536 : i32
      %and3A_981 = vector.broadcast %and3A_980 : i32 to vector<16xi32>
      %and3A_982 = arith.andi %add3A_979, %and3A_981 : vector<16xi32>
      %bitcast3A_983 = vector.bitcast %and3A_982 : vector<16xi32> to vector<16xf32>
      %mul3A_984 = arith.mulf %bitcast3A_983, %bitcast3A_280 : vector<16xf32>
      %add3A_985 = arith.addf %add3A_962, %mul3A_984 : vector<16xf32>
      %mul3A_986 = arith.constant 16 : i32
      %mul3A_987 = arith.muli %scan3A_843, %mul3A_986 : i32
      %add3A_988 = arith.constant 6656 : i32
      %add3A_989 = arith.addi %add3A_988, %mul3A_987 : i32
      %get3A_990 = arith.index_cast %add3A_989 : i32 to index
      %get3A_991 = tpu.vector_load %arg9[%get3A_990] {strides = array<i32>} : memref<13312xf32, #tpu.memory_space<vmem>>, vector<16xf32>,
      %bitcast3A_992 = vector.bitcast %get3A_991 : vector<16xf32> to vector<16xi32>
      %add3A_993 = arith.constant 32767 : i32
      %add3A_994 = vector.broadcast %add3A_993 : i32 to vector<16xi32>
      %add3A_995 = arith.addi %bitcast3A_992, %add3A_994 : vector<16xi32>
      %shift_right_logical3A_996 = arith.constant 16 : i32
      %shift_right_logical3A_997 = vector.broadcast %shift_right_logical3A_996 : i32 to vector<16xi32>
      %shift_right_logical3A_998 = arith.shrui %bitcast3A_992, %shift_right_logical3A_997 : vector<16xi32>
      %and3A_999 = arith.constant 1 : i32
      %and3A_1000 = vector.broadcast %and3A_999 : i32 to vector<16xi32>
      %and3A_1001 = arith.andi %shift_right_logical3A_998, %and3A_1000 : vector<16xi32>
      %add3A_1002 = arith.addi %add3A_995, %and3A_1001 : vector<16xi32>
      %and3A_1003 = arith.constant -65536 : i32
      %and3A_1004 = vector.broadcast %and3A_1003 : i32 to vector<16xi32>
      %and3A_1005 = arith.andi %add3A_1002, %and3A_1004 : vector<16xi32>
      %bitcast3A_1006 = vector.bitcast %and3A_1005 : vector<16xi32> to vector<16xf32>
      %mul3A_1007 = arith.mulf %bitcast3A_1006, %bitcast3A_298 : vector<16xf32>
      %add3A_1008 = arith.addf %add3A_985, %mul3A_1007 : vector<16xf32>
      %mul3A_1009 = arith.constant 16 : i32
      %mul3A_1010 = arith.muli %scan3A_843, %mul3A_1009 : i32
      %swap3A = arith.index_cast %mul3A_1010 : i32 to index
      %swap3A_1011 = tpu.vector_load %arg12[%swap3A] {strides = array<i32>} : memref<512xf32, #tpu.memory_space<vmem>>, vector<16xf32>,
      tpu.vector_store %arg12[%swap3A], %add3A_1008 {strides = array<i32>} : memref<512xf32, #tpu.memory_space<vmem>>, vector<16xf32>,
      %scan3A_1012 = arith.constant 0 : i32
      scf.yield %scan3A_1012 : i32
    }
    %scan3A_798 = arith.constant 32 : i32
    %dma_start3A_799 = arith.constant 0 : i32
    %dma_start3A_800 = arith.constant 10240 : i32
    %dma_start3A_801 = tpu.memref_slice %arg9[%dma_start3A_800] : memref<13312xf32, #tpu.memory_space<vmem>> -> memref<3072xf32, #tpu.memory_space<vmem>>
    %dma_start3A_802 = arith.constant 10240 : i32
    %dma_start3A_803 = tpu.memref_slice %arg8[%dma_start3A_802] : memref<13312xi32, #tpu.memory_space<vmem>> -> memref<3072xi32, #tpu.memory_space<vmem>>
    %dma_start3A_804 = arith.constant 0 : i32
    %dma_start3A_805 = tpu.memref_slice %arg2[%dma_start3A_799, %dma_start3A_804] : memref<1x26000000xf32, #tpu.memory_space<hbm>> -> memref<1x26000000xf32, #tpu.memory_space<hbm>>
    %dma_start3A_806 = tpu.memref_squeeze %dma_start3A_805 : memref<1x26000000xf32, #tpu.memory_space<hbm>> -> memref<26000000xf32, #tpu.memory_space<hbm>>
    %dma_start3A_807 = arith.constant 0 : i32
    %dma_start3A_808 = tpu.memref_slice %dma_start3A_806[%dma_start3A_807] : memref<26000000xf32, #tpu.memory_space<hbm>> -> memref<26000000xf32, #tpu.memory_space<hbm>>
    tpu.enqueue_indirect_dma source(%dma_start3A_808 : memref<26000000xf32, #tpu.memory_space<hbm>>) target(%dma_start3A_801 : memref<3072xf32, #tpu.memory_space<vmem>>) offsets(%dma_start3A_803 : memref<3072xi32, #tpu.memory_space<vmem>>) semaphore(%arg14 : memref<!tpu.dma_semaphore, #tpu.memory_space<semaphore_mem>>)
    %dma_wait3A_809 = arith.constant 0 : i32
    %dma_wait3A_810 = arith.constant 7168 : i32
    %dma_wait3A_811 = tpu.memref_slice %arg9[%dma_wait3A_810] : memref<13312xf32, #tpu.memory_space<vmem>> -> memref<3072xf32, #tpu.memory_space<vmem>>
    %dma_wait3A_812 = arith.constant 7168 : i32
    %dma_wait3A_813 = tpu.memref_slice %arg8[%dma_wait3A_812] : memref<13312xi32, #tpu.memory_space<vmem>> -> memref<3072xi32, #tpu.memory_space<vmem>>
    %dma_wait3A_814 = arith.constant 0 : i32
    %dma_wait3A_815 = tpu.memref_slice %arg2[%dma_wait3A_809, %dma_wait3A_814] : memref<1x26000000xf32, #tpu.memory_space<hbm>> -> memref<1x26000000xf32, #tpu.memory_space<hbm>>
    %dma_wait3A_816 = tpu.memref_squeeze %dma_wait3A_815 : memref<1x26000000xf32, #tpu.memory_space<hbm>> -> memref<26000000xf32, #tpu.memory_space<hbm>>
    %dma_wait3A_817 = arith.constant 0 : i32
    %dma_wait3A_818 = tpu.memref_slice %dma_wait3A_816[%dma_wait3A_817] : memref<26000000xf32, #tpu.memory_space<hbm>> -> memref<26000000xf32, #tpu.memory_space<hbm>>
    tpu.wait_indirect_dma semaphore(%arg13 : memref<!tpu.dma_semaphore, #tpu.memory_space<semaphore_mem>>) src(%dma_wait3A_818 : memref<26000000xf32, #tpu.memory_space<hbm>>) dst(%dma_wait3A_811 : memref<3072xf32, #tpu.memory_space<vmem>>)
    %scan3A_819 = arith.constant 0 : i32
    %scan3A_820 = arith.constant 0 : i32
    %scan3A_821 = arith.constant 32 : i32
    %scan3A_822 = arith.addi %scan3A_820, %scan3A_821 : i32
    %scan3A_823 = arith.constant 1 : i32
    %scan3A_824 = scf.for %scan3A_843 = %scan3A_820 to %scan3A_822 step %scan3A_823 iter_args(%scan3A_844 = %scan3A_819) -> (i32)  : i32 {
      %mul3A_845 = arith.constant 16 : i32
      %mul3A_846 = arith.muli %scan3A_843, %mul3A_845 : i32
      %get3A = arith.index_cast %mul3A_846 : i32 to index
      %get3A_847 = tpu.vector_load %arg12[%get3A] {strides = array<i32>} : memref<512xf32, #tpu.memory_space<vmem>>, vector<16xf32>,
      %mul3A_848 = arith.constant 16 : i32
      %mul3A_849 = arith.muli %scan3A_843, %mul3A_848 : i32
      %add3A_850 = arith.constant 7168 : i32
      %add3A_851 = arith.addi %add3A_850, %mul3A_849 : i32
      %get3A_852 = arith.index_cast %add3A_851 : i32 to index
      %get3A_853 = tpu.vector_load %arg9[%get3A_852] {strides = array<i32>} : memref<13312xf32, #tpu.memory_space<vmem>>, vector<16xf32>,
      %bitcast3A_854 = vector.bitcast %get3A_853 : vector<16xf32> to vector<16xi32>
      %add3A_855 = arith.constant 32767 : i32
      %add3A_856 = vector.broadcast %add3A_855 : i32 to vector<16xi32>
      %add3A_857 = arith.addi %bitcast3A_854, %add3A_856 : vector<16xi32>
      %shift_right_logical3A_858 = arith.constant 16 : i32
      %shift_right_logical3A_859 = vector.broadcast %shift_right_logical3A_858 : i32 to vector<16xi32>
      %shift_right_logical3A_860 = arith.shrui %bitcast3A_854, %shift_right_logical3A_859 : vector<16xi32>
      %and3A_861 = arith.constant 1 : i32
      %and3A_862 = vector.broadcast %and3A_861 : i32 to vector<16xi32>
      %and3A_863 = arith.andi %shift_right_logical3A_860, %and3A_862 : vector<16xi32>
      %add3A_864 = arith.addi %add3A_857, %and3A_863 : vector<16xi32>
      %and3A_865 = arith.constant -65536 : i32
      %and3A_866 = vector.broadcast %and3A_865 : i32 to vector<16xi32>
      %and3A_867 = arith.andi %add3A_864, %and3A_866 : vector<16xi32>
      %bitcast3A_868 = vector.bitcast %and3A_867 : vector<16xi32> to vector<16xf32>
      %mul3A_869 = arith.mulf %bitcast3A_868, %bitcast3A_316 : vector<16xf32>
      %add3A_870 = arith.addf %get3A_847, %mul3A_869 : vector<16xf32>
      %mul3A_871 = arith.constant 16 : i32
      %mul3A_872 = arith.muli %scan3A_843, %mul3A_871 : i32
      %add3A_873 = arith.constant 7680 : i32
      %add3A_874 = arith.addi %add3A_873, %mul3A_872 : i32
      %get3A_875 = arith.index_cast %add3A_874 : i32 to index
      %get3A_876 = tpu.vector_load %arg9[%get3A_875] {strides = array<i32>} : memref<13312xf32, #tpu.memory_space<vmem>>, vector<16xf32>,
      %bitcast3A_877 = vector.bitcast %get3A_876 : vector<16xf32> to vector<16xi32>
      %add3A_878 = arith.constant 32767 : i32
      %add3A_879 = vector.broadcast %add3A_878 : i32 to vector<16xi32>
      %add3A_880 = arith.addi %bitcast3A_877, %add3A_879 : vector<16xi32>
      %shift_right_logical3A_881 = arith.constant 16 : i32
      %shift_right_logical3A_882 = vector.broadcast %shift_right_logical3A_881 : i32 to vector<16xi32>
      %shift_right_logical3A_883 = arith.shrui %bitcast3A_877, %shift_right_logical3A_882 : vector<16xi32>
      %and3A_884 = arith.constant 1 : i32
      %and3A_885 = vector.broadcast %and3A_884 : i32 to vector<16xi32>
      %and3A_886 = arith.andi %shift_right_logical3A_883, %and3A_885 : vector<16xi32>
      %add3A_887 = arith.addi %add3A_880, %and3A_886 : vector<16xi32>
      %and3A_888 = arith.constant -65536 : i32
      %and3A_889 = vector.broadcast %and3A_888 : i32 to vector<16xi32>
      %and3A_890 = arith.andi %add3A_887, %and3A_889 : vector<16xi32>
      %bitcast3A_891 = vector.bitcast %and3A_890 : vector<16xi32> to vector<16xf32>
      %mul3A_892 = arith.mulf %bitcast3A_891, %bitcast3A_334 : vector<16xf32>
      %add3A_893 = arith.addf %add3A_870, %mul3A_892 : vector<16xf32>
      %mul3A_894 = arith.constant 16 : i32
      %mul3A_895 = arith.muli %scan3A_843, %mul3A_894 : i32
      %add3A_896 = arith.constant 8192 : i32
      %add3A_897 = arith.addi %add3A_896, %mul3A_895 : i32
      %get3A_898 = arith.index_cast %add3A_897 : i32 to index
      %get3A_899 = tpu.vector_load %arg9[%get3A_898] {strides = array<i32>} : memref<13312xf32, #tpu.memory_space<vmem>>, vector<16xf32>,
      %bitcast3A_900 = vector.bitcast %get3A_899 : vector<16xf32> to vector<16xi32>
      %add3A_901 = arith.constant 32767 : i32
      %add3A_902 = vector.broadcast %add3A_901 : i32 to vector<16xi32>
      %add3A_903 = arith.addi %bitcast3A_900, %add3A_902 : vector<16xi32>
      %shift_right_logical3A_904 = arith.constant 16 : i32
      %shift_right_logical3A_905 = vector.broadcast %shift_right_logical3A_904 : i32 to vector<16xi32>
      %shift_right_logical3A_906 = arith.shrui %bitcast3A_900, %shift_right_logical3A_905 : vector<16xi32>
      %and3A_907 = arith.constant 1 : i32
      %and3A_908 = vector.broadcast %and3A_907 : i32 to vector<16xi32>
      %and3A_909 = arith.andi %shift_right_logical3A_906, %and3A_908 : vector<16xi32>
      %add3A_910 = arith.addi %add3A_903, %and3A_909 : vector<16xi32>
      %and3A_911 = arith.constant -65536 : i32
      %and3A_912 = vector.broadcast %and3A_911 : i32 to vector<16xi32>
      %and3A_913 = arith.andi %add3A_910, %and3A_912 : vector<16xi32>
      %bitcast3A_914 = vector.bitcast %and3A_913 : vector<16xi32> to vector<16xf32>
      %mul3A_915 = arith.mulf %bitcast3A_914, %bitcast3A_352 : vector<16xf32>
      %add3A_916 = arith.addf %add3A_893, %mul3A_915 : vector<16xf32>
      %mul3A_917 = arith.constant 16 : i32
      %mul3A_918 = arith.muli %scan3A_843, %mul3A_917 : i32
      %add3A_919 = arith.constant 8704 : i32
      %add3A_920 = arith.addi %add3A_919, %mul3A_918 : i32
      %get3A_921 = arith.index_cast %add3A_920 : i32 to index
      %get3A_922 = tpu.vector_load %arg9[%get3A_921] {strides = array<i32>} : memref<13312xf32, #tpu.memory_space<vmem>>, vector<16xf32>,
      %bitcast3A_923 = vector.bitcast %get3A_922 : vector<16xf32> to vector<16xi32>
      %add3A_924 = arith.constant 32767 : i32
      %add3A_925 = vector.broadcast %add3A_924 : i32 to vector<16xi32>
      %add3A_926 = arith.addi %bitcast3A_923, %add3A_925 : vector<16xi32>
      %shift_right_logical3A_927 = arith.constant 16 : i32
      %shift_right_logical3A_928 = vector.broadcast %shift_right_logical3A_927 : i32 to vector<16xi32>
      %shift_right_logical3A_929 = arith.shrui %bitcast3A_923, %shift_right_logical3A_928 : vector<16xi32>
      %and3A_930 = arith.constant 1 : i32
      %and3A_931 = vector.broadcast %and3A_930 : i32 to vector<16xi32>
      %and3A_932 = arith.andi %shift_right_logical3A_929, %and3A_931 : vector<16xi32>
      %add3A_933 = arith.addi %add3A_926, %and3A_932 : vector<16xi32>
      %and3A_934 = arith.constant -65536 : i32
      %and3A_935 = vector.broadcast %and3A_934 : i32 to vector<16xi32>
      %and3A_936 = arith.andi %add3A_933, %and3A_935 : vector<16xi32>
      %bitcast3A_937 = vector.bitcast %and3A_936 : vector<16xi32> to vector<16xf32>
      %mul3A_938 = arith.mulf %bitcast3A_937, %bitcast3A_370 : vector<16xf32>
      %add3A_939 = arith.addf %add3A_916, %mul3A_938 : vector<16xf32>
      %mul3A_940 = arith.constant 16 : i32
      %mul3A_941 = arith.muli %scan3A_843, %mul3A_940 : i32
      %add3A_942 = arith.constant 9216 : i32
      %add3A_943 = arith.addi %add3A_942, %mul3A_941 : i32
      %get3A_944 = arith.index_cast %add3A_943 : i32 to index
      %get3A_945 = tpu.vector_load %arg9[%get3A_944] {strides = array<i32>} : memref<13312xf32, #tpu.memory_space<vmem>>, vector<16xf32>,
      %bitcast3A_946 = vector.bitcast %get3A_945 : vector<16xf32> to vector<16xi32>
      %add3A_947 = arith.constant 32767 : i32
      %add3A_948 = vector.broadcast %add3A_947 : i32 to vector<16xi32>
      %add3A_949 = arith.addi %bitcast3A_946, %add3A_948 : vector<16xi32>
      %shift_right_logical3A_950 = arith.constant 16 : i32
      %shift_right_logical3A_951 = vector.broadcast %shift_right_logical3A_950 : i32 to vector<16xi32>
      %shift_right_logical3A_952 = arith.shrui %bitcast3A_946, %shift_right_logical3A_951 : vector<16xi32>
      %and3A_953 = arith.constant 1 : i32
      %and3A_954 = vector.broadcast %and3A_953 : i32 to vector<16xi32>
      %and3A_955 = arith.andi %shift_right_logical3A_952, %and3A_954 : vector<16xi32>
      %add3A_956 = arith.addi %add3A_949, %and3A_955 : vector<16xi32>
      %and3A_957 = arith.constant -65536 : i32
      %and3A_958 = vector.broadcast %and3A_957 : i32 to vector<16xi32>
      %and3A_959 = arith.andi %add3A_956, %and3A_958 : vector<16xi32>
      %bitcast3A_960 = vector.bitcast %and3A_959 : vector<16xi32> to vector<16xf32>
      %mul3A_961 = arith.mulf %bitcast3A_960, %bitcast3A_388 : vector<16xf32>
      %add3A_962 = arith.addf %add3A_939, %mul3A_961 : vector<16xf32>
      %mul3A_963 = arith.constant 16 : i32
      %mul3A_964 = arith.muli %scan3A_843, %mul3A_963 : i32
      %add3A_965 = arith.constant 9728 : i32
      %add3A_966 = arith.addi %add3A_965, %mul3A_964 : i32
      %get3A_967 = arith.index_cast %add3A_966 : i32 to index
      %get3A_968 = tpu.vector_load %arg9[%get3A_967] {strides = array<i32>} : memref<13312xf32, #tpu.memory_space<vmem>>, vector<16xf32>,
      %bitcast3A_969 = vector.bitcast %get3A_968 : vector<16xf32> to vector<16xi32>
      %add3A_970 = arith.constant 32767 : i32
      %add3A_971 = vector.broadcast %add3A_970 : i32 to vector<16xi32>
      %add3A_972 = arith.addi %bitcast3A_969, %add3A_971 : vector<16xi32>
      %shift_right_logical3A_973 = arith.constant 16 : i32
      %shift_right_logical3A_974 = vector.broadcast %shift_right_logical3A_973 : i32 to vector<16xi32>
      %shift_right_logical3A_975 = arith.shrui %bitcast3A_969, %shift_right_logical3A_974 : vector<16xi32>
      %and3A_976 = arith.constant 1 : i32
      %and3A_977 = vector.broadcast %and3A_976 : i32 to vector<16xi32>
      %and3A_978 = arith.andi %shift_right_logical3A_975, %and3A_977 : vector<16xi32>
      %add3A_979 = arith.addi %add3A_972, %and3A_978 : vector<16xi32>
      %and3A_980 = arith.constant -65536 : i32
      %and3A_981 = vector.broadcast %and3A_980 : i32 to vector<16xi32>
      %and3A_982 = arith.andi %add3A_979, %and3A_981 : vector<16xi32>
      %bitcast3A_983 = vector.bitcast %and3A_982 : vector<16xi32> to vector<16xf32>
      %mul3A_984 = arith.mulf %bitcast3A_983, %bitcast3A_406 : vector<16xf32>
      %add3A_985 = arith.addf %add3A_962, %mul3A_984 : vector<16xf32>
      %mul3A_986 = arith.constant 16 : i32
      %mul3A_987 = arith.muli %scan3A_843, %mul3A_986 : i32
      %swap3A = arith.index_cast %mul3A_987 : i32 to index
      %swap3A_988 = tpu.vector_load %arg12[%swap3A] {strides = array<i32>} : memref<512xf32, #tpu.memory_space<vmem>>, vector<16xf32>,
      tpu.vector_store %arg12[%swap3A], %add3A_985 {strides = array<i32>} : memref<512xf32, #tpu.memory_space<vmem>>, vector<16xf32>,
      %scan3A_989 = arith.constant 0 : i32
      scf.yield %scan3A_989 : i32
    }
    %scan3A_825 = arith.constant 32 : i32
    %dma_wait3A_826 = arith.constant 0 : i32
    %dma_wait3A_827 = arith.constant 10240 : i32
    %dma_wait3A_828 = tpu.memref_slice %arg9[%dma_wait3A_827] : memref<13312xf32, #tpu.memory_space<vmem>> -> memref<3072xf32, #tpu.memory_space<vmem>>
    %dma_wait3A_829 = arith.constant 10240 : i32
    %dma_wait3A_830 = tpu.memref_slice %arg8[%dma_wait3A_829] : memref<13312xi32, #tpu.memory_space<vmem>> -> memref<3072xi32, #tpu.memory_space<vmem>>
    %dma_wait3A_831 = arith.constant 0 : i32
    %dma_wait3A_832 = tpu.memref_slice %arg2[%dma_wait3A_826, %dma_wait3A_831] : memref<1x26000000xf32, #tpu.memory_space<hbm>> -> memref<1x26000000xf32, #tpu.memory_space<hbm>>
    %dma_wait3A_833 = tpu.memref_squeeze %dma_wait3A_832 : memref<1x26000000xf32, #tpu.memory_space<hbm>> -> memref<26000000xf32, #tpu.memory_space<hbm>>
    %dma_wait3A_834 = arith.constant 0 : i32
    %dma_wait3A_835 = tpu.memref_slice %dma_wait3A_833[%dma_wait3A_834] : memref<26000000xf32, #tpu.memory_space<hbm>> -> memref<26000000xf32, #tpu.memory_space<hbm>>
    tpu.wait_indirect_dma semaphore(%arg14 : memref<!tpu.dma_semaphore, #tpu.memory_space<semaphore_mem>>) src(%dma_wait3A_835 : memref<26000000xf32, #tpu.memory_space<hbm>>) dst(%dma_wait3A_828 : memref<3072xf32, #tpu.memory_space<vmem>>)
    %scan3A_836 = arith.constant 0 : i32
    %scan3A_837 = arith.constant 0 : i32
    %scan3A_838 = arith.constant 32 : i32
    %scan3A_839 = arith.addi %scan3A_837, %scan3A_838 : i32
    %scan3A_840 = arith.constant 1 : i32
    %scan3A_841 = scf.for %scan3A_843 = %scan3A_837 to %scan3A_839 step %scan3A_840 iter_args(%scan3A_844 = %scan3A_836) -> (i32)  : i32 {
      %mul3A_845 = arith.constant 16 : i32
      %mul3A_846 = arith.muli %scan3A_843, %mul3A_845 : i32
      %get3A = arith.index_cast %mul3A_846 : i32 to index
      %get3A_847 = tpu.vector_load %arg12[%get3A] {strides = array<i32>} : memref<512xf32, #tpu.memory_space<vmem>>, vector<16xf32>,
      %mul3A_848 = arith.constant 16 : i32
      %mul3A_849 = arith.muli %scan3A_843, %mul3A_848 : i32
      %add3A_850 = arith.constant 10240 : i32
      %add3A_851 = arith.addi %add3A_850, %mul3A_849 : i32
      %get3A_852 = arith.index_cast %add3A_851 : i32 to index
      %get3A_853 = tpu.vector_load %arg9[%get3A_852] {strides = array<i32>} : memref<13312xf32, #tpu.memory_space<vmem>>, vector<16xf32>,
      %bitcast3A_854 = vector.bitcast %get3A_853 : vector<16xf32> to vector<16xi32>
      %add3A_855 = arith.constant 32767 : i32
      %add3A_856 = vector.broadcast %add3A_855 : i32 to vector<16xi32>
      %add3A_857 = arith.addi %bitcast3A_854, %add3A_856 : vector<16xi32>
      %shift_right_logical3A_858 = arith.constant 16 : i32
      %shift_right_logical3A_859 = vector.broadcast %shift_right_logical3A_858 : i32 to vector<16xi32>
      %shift_right_logical3A_860 = arith.shrui %bitcast3A_854, %shift_right_logical3A_859 : vector<16xi32>
      %and3A_861 = arith.constant 1 : i32
      %and3A_862 = vector.broadcast %and3A_861 : i32 to vector<16xi32>
      %and3A_863 = arith.andi %shift_right_logical3A_860, %and3A_862 : vector<16xi32>
      %add3A_864 = arith.addi %add3A_857, %and3A_863 : vector<16xi32>
      %and3A_865 = arith.constant -65536 : i32
      %and3A_866 = vector.broadcast %and3A_865 : i32 to vector<16xi32>
      %and3A_867 = arith.andi %add3A_864, %and3A_866 : vector<16xi32>
      %bitcast3A_868 = vector.bitcast %and3A_867 : vector<16xi32> to vector<16xf32>
      %mul3A_869 = arith.mulf %bitcast3A_868, %bitcast3A_424 : vector<16xf32>
      %add3A_870 = arith.addf %get3A_847, %mul3A_869 : vector<16xf32>
      %mul3A_871 = arith.constant 16 : i32
      %mul3A_872 = arith.muli %scan3A_843, %mul3A_871 : i32
      %add3A_873 = arith.constant 10752 : i32
      %add3A_874 = arith.addi %add3A_873, %mul3A_872 : i32
      %get3A_875 = arith.index_cast %add3A_874 : i32 to index
      %get3A_876 = tpu.vector_load %arg9[%get3A_875] {strides = array<i32>} : memref<13312xf32, #tpu.memory_space<vmem>>, vector<16xf32>,
      %bitcast3A_877 = vector.bitcast %get3A_876 : vector<16xf32> to vector<16xi32>
      %add3A_878 = arith.constant 32767 : i32
      %add3A_879 = vector.broadcast %add3A_878 : i32 to vector<16xi32>
      %add3A_880 = arith.addi %bitcast3A_877, %add3A_879 : vector<16xi32>
      %shift_right_logical3A_881 = arith.constant 16 : i32
      %shift_right_logical3A_882 = vector.broadcast %shift_right_logical3A_881 : i32 to vector<16xi32>
      %shift_right_logical3A_883 = arith.shrui %bitcast3A_877, %shift_right_logical3A_882 : vector<16xi32>
      %and3A_884 = arith.constant 1 : i32
      %and3A_885 = vector.broadcast %and3A_884 : i32 to vector<16xi32>
      %and3A_886 = arith.andi %shift_right_logical3A_883, %and3A_885 : vector<16xi32>
      %add3A_887 = arith.addi %add3A_880, %and3A_886 : vector<16xi32>
      %and3A_888 = arith.constant -65536 : i32
      %and3A_889 = vector.broadcast %and3A_888 : i32 to vector<16xi32>
      %and3A_890 = arith.andi %add3A_887, %and3A_889 : vector<16xi32>
      %bitcast3A_891 = vector.bitcast %and3A_890 : vector<16xi32> to vector<16xf32>
      %mul3A_892 = arith.mulf %bitcast3A_891, %bitcast3A_442 : vector<16xf32>
      %add3A_893 = arith.addf %add3A_870, %mul3A_892 : vector<16xf32>
      %mul3A_894 = arith.constant 16 : i32
      %mul3A_895 = arith.muli %scan3A_843, %mul3A_894 : i32
      %add3A_896 = arith.constant 11264 : i32
      %add3A_897 = arith.addi %add3A_896, %mul3A_895 : i32
      %get3A_898 = arith.index_cast %add3A_897 : i32 to index
      %get3A_899 = tpu.vector_load %arg9[%get3A_898] {strides = array<i32>} : memref<13312xf32, #tpu.memory_space<vmem>>, vector<16xf32>,
      %bitcast3A_900 = vector.bitcast %get3A_899 : vector<16xf32> to vector<16xi32>
      %add3A_901 = arith.constant 32767 : i32
      %add3A_902 = vector.broadcast %add3A_901 : i32 to vector<16xi32>
      %add3A_903 = arith.addi %bitcast3A_900, %add3A_902 : vector<16xi32>
      %shift_right_logical3A_904 = arith.constant 16 : i32
      %shift_right_logical3A_905 = vector.broadcast %shift_right_logical3A_904 : i32 to vector<16xi32>
      %shift_right_logical3A_906 = arith.shrui %bitcast3A_900, %shift_right_logical3A_905 : vector<16xi32>
      %and3A_907 = arith.constant 1 : i32
      %and3A_908 = vector.broadcast %and3A_907 : i32 to vector<16xi32>
      %and3A_909 = arith.andi %shift_right_logical3A_906, %and3A_908 : vector<16xi32>
      %add3A_910 = arith.addi %add3A_903, %and3A_909 : vector<16xi32>
      %and3A_911 = arith.constant -65536 : i32
      %and3A_912 = vector.broadcast %and3A_911 : i32 to vector<16xi32>
      %and3A_913 = arith.andi %add3A_910, %and3A_912 : vector<16xi32>
      %bitcast3A_914 = vector.bitcast %and3A_913 : vector<16xi32> to vector<16xf32>
      %mul3A_915 = arith.mulf %bitcast3A_914, %bitcast3A_460 : vector<16xf32>
      %add3A_916 = arith.addf %add3A_893, %mul3A_915 : vector<16xf32>
      %mul3A_917 = arith.constant 16 : i32
      %mul3A_918 = arith.muli %scan3A_843, %mul3A_917 : i32
      %add3A_919 = arith.constant 11776 : i32
      %add3A_920 = arith.addi %add3A_919, %mul3A_918 : i32
      %get3A_921 = arith.index_cast %add3A_920 : i32 to index
      %get3A_922 = tpu.vector_load %arg9[%get3A_921] {strides = array<i32>} : memref<13312xf32, #tpu.memory_space<vmem>>, vector<16xf32>,
      %bitcast3A_923 = vector.bitcast %get3A_922 : vector<16xf32> to vector<16xi32>
      %add3A_924 = arith.constant 32767 : i32
      %add3A_925 = vector.broadcast %add3A_924 : i32 to vector<16xi32>
      %add3A_926 = arith.addi %bitcast3A_923, %add3A_925 : vector<16xi32>
      %shift_right_logical3A_927 = arith.constant 16 : i32
      %shift_right_logical3A_928 = vector.broadcast %shift_right_logical3A_927 : i32 to vector<16xi32>
      %shift_right_logical3A_929 = arith.shrui %bitcast3A_923, %shift_right_logical3A_928 : vector<16xi32>
      %and3A_930 = arith.constant 1 : i32
      %and3A_931 = vector.broadcast %and3A_930 : i32 to vector<16xi32>
      %and3A_932 = arith.andi %shift_right_logical3A_929, %and3A_931 : vector<16xi32>
      %add3A_933 = arith.addi %add3A_926, %and3A_932 : vector<16xi32>
      %and3A_934 = arith.constant -65536 : i32
      %and3A_935 = vector.broadcast %and3A_934 : i32 to vector<16xi32>
      %and3A_936 = arith.andi %add3A_933, %and3A_935 : vector<16xi32>
      %bitcast3A_937 = vector.bitcast %and3A_936 : vector<16xi32> to vector<16xf32>
      %mul3A_938 = arith.mulf %bitcast3A_937, %bitcast3A_478 : vector<16xf32>
      %add3A_939 = arith.addf %add3A_916, %mul3A_938 : vector<16xf32>
      %mul3A_940 = arith.constant 16 : i32
      %mul3A_941 = arith.muli %scan3A_843, %mul3A_940 : i32
      %add3A_942 = arith.constant 12288 : i32
      %add3A_943 = arith.addi %add3A_942, %mul3A_941 : i32
      %get3A_944 = arith.index_cast %add3A_943 : i32 to index
      %get3A_945 = tpu.vector_load %arg9[%get3A_944] {strides = array<i32>} : memref<13312xf32, #tpu.memory_space<vmem>>, vector<16xf32>,
      %bitcast3A_946 = vector.bitcast %get3A_945 : vector<16xf32> to vector<16xi32>
      %add3A_947 = arith.constant 32767 : i32
      %add3A_948 = vector.broadcast %add3A_947 : i32 to vector<16xi32>
      %add3A_949 = arith.addi %bitcast3A_946, %add3A_948 : vector<16xi32>
      %shift_right_logical3A_950 = arith.constant 16 : i32
      %shift_right_logical3A_951 = vector.broadcast %shift_right_logical3A_950 : i32 to vector<16xi32>
      %shift_right_logical3A_952 = arith.shrui %bitcast3A_946, %shift_right_logical3A_951 : vector<16xi32>
      %and3A_953 = arith.constant 1 : i32
      %and3A_954 = vector.broadcast %and3A_953 : i32 to vector<16xi32>
      %and3A_955 = arith.andi %shift_right_logical3A_952, %and3A_954 : vector<16xi32>
      %add3A_956 = arith.addi %add3A_949, %and3A_955 : vector<16xi32>
      %and3A_957 = arith.constant -65536 : i32
      %and3A_958 = vector.broadcast %and3A_957 : i32 to vector<16xi32>
      %and3A_959 = arith.andi %add3A_956, %and3A_958 : vector<16xi32>
      %bitcast3A_960 = vector.bitcast %and3A_959 : vector<16xi32> to vector<16xf32>
      %mul3A_961 = arith.mulf %bitcast3A_960, %bitcast3A_496 : vector<16xf32>
      %add3A_962 = arith.addf %add3A_939, %mul3A_961 : vector<16xf32>
      %mul3A_963 = arith.constant 16 : i32
      %mul3A_964 = arith.muli %scan3A_843, %mul3A_963 : i32
      %add3A_965 = arith.constant 12800 : i32
      %add3A_966 = arith.addi %add3A_965, %mul3A_964 : i32
      %get3A_967 = arith.index_cast %add3A_966 : i32 to index
      %get3A_968 = tpu.vector_load %arg9[%get3A_967] {strides = array<i32>} : memref<13312xf32, #tpu.memory_space<vmem>>, vector<16xf32>,
      %bitcast3A_969 = vector.bitcast %get3A_968 : vector<16xf32> to vector<16xi32>
      %add3A_970 = arith.constant 32767 : i32
      %add3A_971 = vector.broadcast %add3A_970 : i32 to vector<16xi32>
      %add3A_972 = arith.addi %bitcast3A_969, %add3A_971 : vector<16xi32>
      %shift_right_logical3A_973 = arith.constant 16 : i32
      %shift_right_logical3A_974 = vector.broadcast %shift_right_logical3A_973 : i32 to vector<16xi32>
      %shift_right_logical3A_975 = arith.shrui %bitcast3A_969, %shift_right_logical3A_974 : vector<16xi32>
      %and3A_976 = arith.constant 1 : i32
      %and3A_977 = vector.broadcast %and3A_976 : i32 to vector<16xi32>
      %and3A_978 = arith.andi %shift_right_logical3A_975, %and3A_977 : vector<16xi32>
      %add3A_979 = arith.addi %add3A_972, %and3A_978 : vector<16xi32>
      %and3A_980 = arith.constant -65536 : i32
      %and3A_981 = vector.broadcast %and3A_980 : i32 to vector<16xi32>
      %and3A_982 = arith.andi %add3A_979, %and3A_981 : vector<16xi32>
      %bitcast3A_983 = vector.bitcast %and3A_982 : vector<16xi32> to vector<16xf32>
      %mul3A_984 = arith.mulf %bitcast3A_983, %bitcast3A_514 : vector<16xf32>
      %add3A_985 = arith.addf %add3A_962, %mul3A_984 : vector<16xf32>
      %mul3A_986 = arith.constant 16 : i32
      %mul3A_987 = arith.muli %scan3A_843, %mul3A_986 : i32
      %swap3A = arith.index_cast %mul3A_987 : i32 to index
      %swap3A_988 = tpu.vector_load %arg12[%swap3A] {strides = array<i32>} : memref<512xf32, #tpu.memory_space<vmem>>, vector<16xf32>,
      tpu.vector_store %arg12[%swap3A], %add3A_985 {strides = array<i32>} : memref<512xf32, #tpu.memory_space<vmem>>, vector<16xf32>,
      %scan3A_989 = arith.constant 0 : i32
      scf.yield %scan3A_989 : i32
    }
    %scan3A_842 = arith.constant 32 : i32
    "tpu.region"() ({
      %run_scoped3A = tpu.sem_alloc : memref<!tpu.dma_semaphore, #tpu.memory_space<semaphore_mem>>
      %dma_start3A_843 = tpu.memref_slice %arg6[%mul3A_2] : memref<16384xf32, #tpu.memory_space<hbm>> -> memref<512xf32, #tpu.memory_space<hbm>>
      %dma_start3A_844 = tpu.memref_slice %arg6[%mul3A_2] : memref<16384xf32, #tpu.memory_space<hbm>> -> memref<512xf32, #tpu.memory_space<hbm>>
      tpu.enqueue_dma source(%arg12 : memref<512xf32, #tpu.memory_space<vmem>>) target(%dma_start3A_844 : memref<512xf32, #tpu.memory_space<hbm>>) target_semaphore(%run_scoped3A : memref<!tpu.dma_semaphore, #tpu.memory_space<semaphore_mem>>)
      %dma_wait3A_845 = tpu.memref_slice %arg6[%mul3A_2] : memref<16384xf32, #tpu.memory_space<hbm>> -> memref<512xf32, #tpu.memory_space<hbm>>
      %dma_wait3A_846 = tpu.memref_slice %arg6[%mul3A_2] : memref<16384xf32, #tpu.memory_space<hbm>> -> memref<512xf32, #tpu.memory_space<hbm>>
      tpu.wait_dma2 semaphore(%run_scoped3A : memref<!tpu.dma_semaphore, #tpu.memory_space<semaphore_mem>>) src(%arg12 : memref<512xf32, #tpu.memory_space<vmem>>) dst(%dma_wait3A_846 : memref<512xf32, #tpu.memory_space<hbm>>)
      tpu.yield
    }) : () -> ()
    return
  }
}

</mosaic_0001>

<sc_bundles>
// kernel: kernel.3.cloned.1.call-start
scs
__scs_entry_jumppad:
0x0: {  	(pc) =	sbr.rel $0x88, $3  }
0x1: {  	(tag) =	ssettag $0x0;
	lr =	simm.s32 $0x1  }
0x2: {  	[smem:$0x3F9C] =	sst lr;
	_ =	strace $0xD0000000  }
0x3: {  	_ = 	snop  }
0x4: {  	_ = 	snop  }
0x5: {  	_ = 	snop  }
0x6: {  	_ = 	snop  }
0x7: {  	_ = 	snop  }
__scs_overlays_trampoline_lowered:
0x8: {  	[smem:$0x3FAB] =	sst s0  }
0x9: {  	[smem:$0x3FAC] =	sst s1  }
0xa: {  	[smem:$0x3FAD] =	sst s2  }
0xb: {  	[smem:$0x3FAE] =	sst s3  }
0xc: {  	[smem:$0x3FAF] =	sst s4  }
0xd: {  	[smem:$0x3FB0] =	sst s5  }
0xe: {  	[smem:$0x3FB1] =	sst s6  }
0xf: {  	[smem:$0x3FB2] =	sst s7  }
0x10: {  	[smem:$0x3FB3] =	sst s8  }
0x11: {  	[smem:$0x3FB4] =	sst s9;
	s0 =	simm.s32 @!p0 $0x0  }
0x12: {  	s1 =	sld [smem:$0x3F9A];
	s0 =	simm.s32 @p0 $0x1  }
0x13: {  	[smem:$0x3FB5] =	sst s0;
	s0 =	simm.s32 @!p1 $0x0  }
0x14: {  	s2 =	sld [smem:$0x3F99];
	s0 =	simm.s32 @p1 $0x1  }
0x15: {  	[smem:$0x3FB6] =	sst s0;
	s0 =	simm.s32 @!p2 $0x0  }
0x16: {  	s3 =	sld [smem:$0x3FDB];
	s0 =	simm.s32 @p2 $0x1  }
0x17: {  	s4 =	simm.s32 $0x1BF5;
	[smem:$0x3FB8] =	sst s0  }
0x18: {  	s0 =	sld [smem:$0x3F9B];
	_ =	swait.ge [sflag:s4], $0x0  }
0x19: {  	s7 =	sld [smem:$0x3F9C]  }
0x1a: {  	s8 =	sadd.s32 $0xFFFFE003, lr  }
0x1b: {  	s9 =	sadd.s32 $0xFFFFFEF7, lr;
	s5 =	simm.s32 $0xFFFFFFFF;
	p2 =	slt.u32 s8, $0xFFFFF086  }
0x1c: {  	p1 =	slt.u32 s9, $0xF7A;
	s5 =	simm.s32 @!p2 $0x0  }
0x1d: {  	s5 =	simm.s32 @p1 $0x1;
	p0 =	seq.s32 s7, s2  }
0x1e: {  	s7 =	smul.u32 @!p0 $0xF7A, s2;
	p2 =	seq.s32 @!p0 s5, $0x0  }
0x1f: {  	s9 =	smul.u32 $0xF7A, s1;
	s8 =	simm.s32 @!p0 $0x1BF5;
	p2 =	por !p2, p0  }
0x20: {  	[sflag:s8] =	ssyncset.s32 @!p0 $0xFFFFF086;
	s6 =	sadd.s32 @!p0 s3, s7;
	s7 =	simm.s32 @!p0 $0x108  }
0x21: {  	s3 =	sadd.s32 s3, s9;
	s6 =	sadd.s32 @!p0 $0x88, s6;
	s7 =	simm.s32 @p2 $0x1082  }
0x22: {  	[simem:s7], [sflag:s8] =	dma.local @!p0 [hbm:s6], $0xF7A  }
0x23: {  	s9 =	sor.u32 $0xD0000000, s2;
	s6 =	simm.s32 $0x108;
	_ =	swait.ge @!p0 [sflag:s8], $0x0  }
0x24: {  	s3 =	sadd.s32 $0x88, s3;
	s6 =	simm.s32 @!p1 $0x1082;
	[sflag:s4] =	ssyncset.s32 $0xFFFFF086  }
0x25: {  	[simem:s6], [sflag:s4] =	dma.local [hbm:s3], $0xF7A  }
0x26: {  	[smem:$0x3F9C] =	sst s1;
	(tag) =	ssettag s2;
	_ =	strace s9  }
0x27: {  	s1 =	sld [smem:$0x3FAC]  }
0x28: {  	s2 =	sld [smem:$0x3FAD]  }
0x29: {  	s4 =	sld [smem:$0x3FAF]  }
0x2a: {  	p0 =	seq.s32 s5, $0x0;
	s5 =	sld [smem:$0x3FB0]  }
0x2b: {  	s6 =	sld [smem:$0x3FB1]  }
0x2c: {  	s7 =	sld [smem:$0x3FB2]  }
0x2d: {  	s3 =	simm.s32 $0x108;
	s8 =	sld [smem:$0x3FB3]  }
0x2e: {  	s3 =	simm.s32 @!p0 $0x1082;
	s9 =	sld [smem:$0x3FB4]  }
0x2f: {  	lr =	sadd.s32 s0, s3;
	s0 =	sld [smem:$0x3FAB]  }
0x30: {  	s3 =	sld [smem:$0x3FAE]  }
0x31: {  	[smem:$0x3FB7] =	sst s10  }
0x32: {  	s10 =	sld [smem:$0x3FB5];
	_ =	sdelay $0x3  }
0x33: {  	p0 =	seq.s32 s10, $0x1;
	s10 =	sld [smem:$0x3FB7];
	_ =	sdelay $0x3  }
0x34: {  	[smem:$0x3FB7] =	sst s10  }
0x35: {  	s10 =	sld [smem:$0x3FB6];
	_ =	sdelay $0x3  }
0x36: {  	p1 =	seq.s32 s10, $0x1;
	s10 =	sld [smem:$0x3FB7];
	_ =	sdelay $0x3  }
0x37: {  	[smem:$0x3FB7] =	sst s10  }
0x38: {  	s10 =	sld [smem:$0x3FB8]  }
0x39: {  	_ = 	snop;
	(pc) =	sbr.ind lr, $3  }
0x3a: {  	_ = 	snop  }
0x3b: {  	_ = 	snop  }
0x3c: {  	p2 =	seq.s32 s10, $0x1;
	s10 =	sld [smem:$0x3FB7]  }
0x3d: {  	_ =	shalt  }
0x3e: {  	_ =	shalt  }
0x3f: {  	_ =	shalt  }
0x40: {  	_ =	shalt  }
0x41: {  	_ =	shalt  }
0x42: {  	_ =	shalt  }
0x43: {  	_ =	shalt  }
0x44: {  	_ =	shalt  }
0x45: {  	_ =	shalt  }
0x46: {  	_ =	shalt  }
0x47: {  	_ =	shalt  }
0x48: {  	_ =	shalt  }
0x49: {  	_ =	shalt  }
0x4a: {  	_ =	shalt  }
0x4b: {  	_ =	shalt  }
0x4c: {  	_ =	shalt  }
0x4d: {  	_ =	shalt  }
0x4e: {  	_ =	shalt  }
0x4f: {  	_ =	shalt  }
0x50: {  	_ =	shalt  }
0x51: {  	_ =	shalt  }
0x52: {  	_ =	shalt  }
0x53: {  	_ =	shalt  }
0x54: {  	_ =	shalt  }
0x55: {  	_ =	shalt  }
0x56: {  	_ =	shalt  }
0x57: {  	_ =	shalt  }
0x58: {  	_ =	shalt  }
0x59: {  	_ =	shalt  }
0x5a: {  	_ =	shalt  }
0x5b: {  	_ =	shalt  }
0x5c: {  	_ =	shalt  }
0x5d: {  	_ =	shalt  }
0x5e: {  	_ =	shalt  }
0x5f: {  	_ =	shalt  }
0x60: {  	_ =	shalt  }
0x61: {  	_ =	shalt  }
0x62: {  	_ =	shalt  }
0x63: {  	_ =	shalt  }
0x64: {  	_ =	shalt  }
0x65: {  	_ =	shalt  }
0x66: {  	_ =	shalt  }
0x67: {  	_ =	shalt  }
0x68: {  	_ =	shalt  }
0x69: {  	_ =	shalt  }
0x6a: {  	_ =	shalt  }
0x6b: {  	_ =	shalt  }
0x6c: {  	_ =	shalt  }
0x6d: {  	_ =	shalt  }
0x6e: {  	_ =	shalt  }
0x6f: {  	_ =	shalt  }
0x70: {  	_ =	shalt  }
0x71: {  	_ =	shalt  }
0x72: {  	_ =	shalt  }
0x73: {  	_ =	shalt  }
0x74: {  	_ =	shalt  }
0x75: {  	_ =	shalt  }
0x76: {  	_ =	shalt  }
0x77: {  	_ =	shalt  }
0x78: {  	_ =	shalt  }
0x79: {  	_ =	shalt  }
0x7a: {  	_ =	shalt  }
0x7b: {  	_ =	shalt  }
0x7c: {  	_ =	shalt  }
0x7d: {  	_ =	shalt  }
0x7e: {  	_ =	shalt  }
0x7f: {  	_ =	shalt  }
0x80: {  	_ =	shalt  }
0x81: {  	_ =	shalt  }
0x82: {  	_ =	shalt  }
0x83: {  	_ =	shalt  }
0x84: {  	_ =	shalt  }
0x85: {  	_ =	shalt  }
0x86: {  	_ =	shalt  }
0x87: {  	_ =	shalt  }
.Lfunc_end0:
.L_simem_size_0:
called_computation_lowered:
.L_overlay_start_0:
0x88: {  	s2 =	sld [smem:$0x3FD9]  }
0x89: {  	s3 =	sld [smem:$0x3FFE];
	_ =	sdelay $0x1  }
0x8a: {  	s1 =	srdreg.scid  }
0x8b: {  	s0 =	sand.u32 $0x1, s1  }
0x8c: {  	s17 =	sshll.u32 s0, $0xA;
	s2 =	sadd.s32 s3, s2  }
0x8d: {  	s2 =	sadd.s32 s2, s17  }
0x8e: {  	[smem:$0x3FC3] =	sst s2  }
0x8f: {  	_ = 	snop  }
0x90: {  	s2 =	sld [smem:$0x3FC9]  }
0x91: {  	s18 =	sld [smem:$0x3FC8]  }
0x92: {  	s4 =	sld [smem:$0x3FC7]  }
0x93: {  	s5 =	sld [smem:$0x3FD0];
	(tm) =	ssettm $0x1  }
0x94: {  	s6 =	sld [smem:$0x3FFB];
	_ =	sdelay $0x3  }
0x95: {  	_ =	strace s6  }
0x96: {  	s6 =	sld [smem:$0x3FFC];
	_ =	sdelay $0x3  }
0x97: {  	_ =	strace s6  }
0x98: {  	s6 =	sld [smem:$0x3FFD];
	_ =	sdelay $0x3  }
0x99: {  	_ =	strace s6  }
0x9a: {  	_ =	strace $0x8FFFFFFF  }
0x9b: {  	s19 =	sld [smem:$0x3FDB];
	_ =	sdelay $0x1  }
0x9c: {  	s7 =	simm.s32 $_scs_section_size  }
0x9d: {  	s8 =	simm.s32 $_size__tile_overlayer_lowered;
	s9 =	simm.s32 $_tile_overlayer_lowered  }
0x9e: {  	s22 =	simm.s32 $0x1BFF;
	s21 =	sshll.u32 s9, $0x1;
	s6 =	sadd.s32 s7, s19  }
0x9f: {  	s10 =	simm.s32 $0x0;
	s20 =	sshll.u32 s8, $0x1;
	s8 =	sadd.s32 s21, s6  }
0xa0: {  	[timem:s10], [sflag:s22] =	dma.local [hbm:s8], s20  }
0xa1: {  	_ =	swait.ge [sflag:s22], s20  }
0xa2: {  	s7 =	ssub.s32 $0x0, s20;
	[sflag:s22] =	ssyncset.done $0x0  }
0xa3: {  	[sflag:s22] =	ssyncadd.s32 s7;
	_ =	sdelay $0x1  }
0xa4: {  	s23 =	simm.s32 $0x1B8B  }
0xa5: {  	_ =	swait.ge [sflag:s23], $0x1  }
0xa6: {  	[sflag:s23] =	ssyncset.done $0x0  }
0xa7: {  	s25 =	simm.s32 $0x1B8E;
	s24 =	sld [smem:$0x3FFE];
	[sflag:s23] =	ssyncadd.s32 $0xFFFFFFFF  }
0xa8: {  	s26 =	simm.s32 $execute0_lowered;
	[smem:$0x3FD2] =	sst s25  }
0xa9: {  	s8 =	sshll.u32 s26, $0x1;
	_ =	strace $0x80000046;
	[dreg:$0x1] =	wrdreg $0xFFFFFFFF  }
0xaa: {  	s28 =	simm.s32 $_size_execute0_lowered;
	s6 =	sadd.s32 s6, s8;
	[dreg:$0x0] =	wrdreg $0x0  }
0xab: {  	s8 =	sshll.u32 s28, $0x1;
	[dreg:$0x2] =	wrdreg s6  }
0xac: {  	[dreg:$0x3] =	wrdreg s8  }
0xad: {  	[dreg:$0x4] =	wrdreg $0xC0  }
0xae: {  	_ =	task [dreg:s10], $0x5FFFF  }
0xaf: {  	[dreg:$0x1] =	wrdreg $0xFFFFFFFF  }
0xb0: {  	[dreg:$0x0] =	wrdreg $0x60  }
0xb1: {  	[dreg:$0x2] =	wrdreg s4  }
0xb2: {  	[dreg:$0x3] =	wrdreg s2  }
0xb3: {  	[dreg:$0x4] =	wrdreg s18  }
0xb4: {  	[dreg:$0x5] =	wrdreg s24  }
0xb5: {  	[dreg:$0x6] =	wrdreg s5  }
0xb6: {  	[dreg:$0x7] =	wrdreg $0x9  }
0xb7: {  	_ =	task.clear_ibuf [dreg:s10], $0x8FFFF;
	_ =	strace $0x90000046  }
0xb8: {  	s29 =	simm.s32 $0x9;
	_ =	strace $0x80000048  }
0xb9: {  	_ =	swait.ge [sflag:s29], $0x1  }
0xba: {  	[sflag:s29] =	ssyncadd.s32 $0xFFFFFFFF  }
0xbb: {  	_ =	strace $0x90000048  }
0xbc: {  	_ =	sfence  }
0xbd: {  	s30 =	sld [smem:$0x0];
	_ =	sdelay $0x2  }
0xbe: {  	s31 =	sshll.u32 s1, $0xD;
	s1 =	sshrl.u32 s1, $0x2  }
0xbf: {  	s3 =	sand.u32 $0x4000, s31;
	s1 =	sadd.s32 s1, s30  }
0xc0: {  	s0 =	sor.u32 s3, s0;
	s1 =	sshll.u32 s1, $0x11  }
0xc1: {  	s0 =	sor.u32 s1, s0  }
0xc2: {  	s0 =	sadd.s32 $0x8F2B, s0  }
0xc3: {  	[sflag:s0] =	ssyncadd.remote.s32 $0x1  }
0xc4: {  	_ =	sfence.sel $0xFFFF  }
0xc5: {  	[dreg:$0x0] =	wrdreg $0xFFFFFFFF;
	(pc) =	sbr.abs _section_cstart, $3  }
0xc6: {  	[dreg:$0x1] =	wrdreg $0xFFFFFFFF  }
0xc7: {  	_ =	task.clear_ibuf [dreg:s10], $0x2FFFF;
	_ =	strace $0x9FFFFFFF  }
0xc8: {  	(tm) =	ssettm $0x7FFFFFFF  }
0xc9: {  	_ =	shalt  }
tec
execute0_lowered:
.L_overlay_start_1:
0x0: {  	(tag) =	ssettag $0x1  }
0x1: {  	s1 =	rddreg [dreg:$0x0]  }
0x2: {  	s0 =	rddreg [dreg:$0x1]  }
0x3: {  	s3 =	rddreg [dreg:$0x2]  }
0x4: {  	s4 =	rddreg [dreg:$0x3]  }
0x5: {  	s7 =	rddreg [dreg:$0x4]  }
0x6: {  	s2 =	simm.s32 $0x0;
	s5 =	srdreg.scid;
	s9 =	stileid.u32  }
0x7: {  	s10 =	simm.s32 $0x20000;
	s11 =	simm.s32 $0x3;
	s13 =	simm.s32 $0xC800  }
0x8: {  	s14 =	simm.s32 $0xE00;
	s15 =	simm.s32 $0x4000;
	s19 =	simm.s32 $0x1  }
0x9: {  	s20 =	simm.s32 $0xC00;
	s21 =	simm.s32 $0x5C00;
	s22 =	simm.s32 $0x9000  }
0xa: {  	s23 =	simm.s32 $0x2;
	s24 =	simm.s32 $0x6800;
	s25 =	simm.s32 $0x9C00  }
0xb: {  	s26 =	simm.s32 $0xC880;
	s28 =	simm.s32 $0x0;
	s5 =	sand.u32 $0x1, s5  }
0xc: {  	[smem:$0x7FF] =	sst s2;
	s9 =	sshll.u32 s9, $0xA;
	s6 =	ssub.s32 $0x2, s5  }
0xd: {  	v28 =	vimm.s32 $0x1C;
	v29 =	vimm.s32 $0x1D;
	s4 =	sadd.s32 $0x400, s4;
	s5 =	sshll.u32 s5, $0x9;
	s8 =	sshrl.u32 s6, $0x1  }
0xe: {  	v30 =	vimm.s32 $0x1E;
	v31 =	vimm.s32 $0x1F;
	v32 =	vimm.s32 $0x20;
	_ =	strace $0x80000047;
	s9 =	sor.u32 s5, s9;
	s8 =	ssub.s32 s6, s8  }
0xf: {  	v33 =	vimm.s32 $0x21;
	v34 =	vimm.s32 $0x22;
	v35 =	vimm.s32 $0x23;
	s5 =	sadd.s32 s0, s9;
	s6 =	sadd.s32 s3, s9;
	s31 =	sshrl.u32 s9, $0x3  }
0x10: {  	v36 =	vimm.s32 $0x24;
	v37 =	vimm.s32 $0x25;
	v38 =	vimm.s32 $0x26;
	s9 =	simm.s32 $0x1000;
	s7 =	sadd.s32 s7, s31;
	s8 =	smax.u32 s8, $0x1  }
.LBB2_1:
0x11: {  	[tilespmem:s2], [sflag:$0x3] =	stream.strided.gather [hbm4b:s5+s9], $0x4000, s10, s9, $0x38;
	[tilespmem:$0xCA80] =	vst v63  }
0x12: {  	_ =	swait.ge [sflag:s11], $0x4000  }
0x13: {  	[sflag:s11] =	ssyncset.done $0x0  }
0x14: {  	s0 =	simm.s32 $0xA800;
	[sflag:s11] =	ssyncadd.s32 $0xFFFFC000  }
0x15: {  	[tilespmem:s0], [sflag:$0x3] =	stream.strided.gather [hbm4b:s6+s9], $0x2000, s10, s9, $0x38;
	[tilespmem:$0xCA80] =	vst v63  }
0x16: {  	_ =	swait.ge [sflag:s11], $0x2000  }
0x17: {  	[sflag:s11] =	ssyncset.done $0x0  }
0x18: {  	[sflag:s11] =	ssyncadd.s32 $0xFFFFE000  }
0x19: {  	[tilespmem:s13], [sflag:$0x3] =	stream.linear.gather [hbm4b:s4+s2], $0x80, $0x38;
	[tilespmem:$0xCA80] =	vst v63  }
0x1a: {  	_ =	swait.ge [sflag:s11], $0x80  }
0x1b: {  	s18 =	sand.u32 $0x70, s2;
	s3 =	sand.u32 $0xC00, s2;
	[sflag:s11] =	ssyncset.done $0x0  }
0x1c: {  	s0 =	sor.u32 s18, s3;
	[sflag:s11] =	ssyncadd.s32 $0xFFFFFF80  }
0x1d: {  	v0 =	vld [tilespmem:s0+$0x0];
	_ =	sdelay $0x4  }
0x1e: {  	[tilespmem:s15+$0x0] =	vst v0  }
0x1f: {  	v0 =	vld [tilespmem:s0+$0x80];
	_ =	sdelay $0x4  }
0x20: {  	s3 =	sand.u32 $0x1F0, s2;
	v0 =	vadd.s32 $0xF4240, v0  }
0x21: {  	[tilespmem:s3+$0x4200] =	vst v0  }
0x22: {  	v0 =	vld [tilespmem:s0+$0x100];
	_ =	sdelay $0x4  }
0x23: {  	v0 =	vadd.s32 $0x1E8480, v0  }
0x24: {  	[tilespmem:s3+$0x4400] =	vst v0  }
0x25: {  	v0 =	vld [tilespmem:s0+$0x180];
	_ =	sdelay $0x4  }
0x26: {  	v0 =	vadd.s32 $0x2DC6C0, v0  }
0x27: {  	[tilespmem:s3+$0x4600] =	vst v0  }
0x28: {  	v0 =	vld [tilespmem:s0+$0x200];
	_ =	sdelay $0x4  }
0x29: {  	v0 =	vadd.s32 $0x3D0900, v0  }
0x2a: {  	[tilespmem:s3+$0x4800] =	vst v0  }
0x2b: {  	v0 =	vld [tilespmem:s0+$0x280];
	_ =	sdelay $0x4  }
0x2c: {  	v0 =	vadd.s32 $0x4C4B40, v0  }
0x2d: {  	[tilespmem:s3+$0x4A00] =	vst v0  }
0x2e: {  	v0 =	vld [tilespmem:s0+$0x300];
	_ =	sdelay $0x3  }
0x2f: {  	s29 =	simm.s32 $0x80;
	s31 =	simm.s32 $0x20;
	s0 =	simm.s32 $0x10  }
0x30: {  	s30 =	simm.s32 $0x4000;
	s16 =	sand.u32 $0xC00, s29;
	s12 =	sand.u32 $0x70, s0;
	v0 =	vadd.s32 $0x5B8D80, v0  }
.LBB2_2:
0x31: {  	p0 =	sne.s32 s31, $0x1F0;
	s12 =	sor.u32 s12, s16;
	[tilespmem:s3+$0x4C00] =	vst v0  }
0x32: {  	v0 =	vld [tilespmem:s12+$0x0];
	_ =	sdelay $0x3  }
0x33: {  	s30 =	sadd.s32 $0x10, s30  }
0x34: {  	[tilespmem:s30+$0x0] =	vst v0  }
0x35: {  	v0 =	vld [tilespmem:s12+$0x80];
	_ =	sdelay $0x4  }
0x36: {  	s3 =	sand.u32 $0x1F0, s0;
	s0 =	smov.u32 s31;
	v0 =	vadd.s32 $0xF4240, v0  }
0x37: {  	[tilespmem:s3+$0x4200] =	vst v0  }
0x38: {  	v0 =	vld [tilespmem:s12+$0x100];
	_ =	sdelay $0x4  }
0x39: {  	v0 =	vadd.s32 $0x1E8480, v0  }
0x3a: {  	[tilespmem:s3+$0x4400] =	vst v0  }
0x3b: {  	v0 =	vld [tilespmem:s12+$0x180];
	_ =	sdelay $0x4  }
0x3c: {  	v0 =	vadd.s32 $0x2DC6C0, v0  }
0x3d: {  	[tilespmem:s3+$0x4600] =	vst v0  }
0x3e: {  	v0 =	vld [tilespmem:s12+$0x200];
	_ =	sdelay $0x4  }
0x3f: {  	v0 =	vadd.s32 $0x3D0900, v0  }
0x40: {  	[tilespmem:s3+$0x4800] =	vst v0  }
0x41: {  	v0 =	vld [tilespmem:s12+$0x280];
	_ =	sdelay $0x4  }
0x42: {  	v0 =	vadd.s32 $0x4C4B40, v0  }
0x43: {  	[tilespmem:s3+$0x4A00] =	vst v0  }
0x44: {  	v0 =	vld [tilespmem:s12+$0x300]  }
.Ltmp0:
0x45: {  	(pc) =	sbr.rel @p0 .LBB2_2-.Ltmp0, $3  }
0x46: {  	_ =	sdelay $0x1  }
0x47: {  	s29 =	sadd.s32 $0x80, s29  }
0x48: {  	s31 =	sadd.s32 $0x10, s31;
	s16 =	sand.u32 $0xC00, s29;
	s12 =	sand.u32 $0x70, s0;
	v0 =	vadd.s32 $0x5B8D80, v0  }
0x49: {  	s12 =	sor.u32 s12, s16;
	[tilespmem:s3+$0x4C00] =	vst v0  }
0x4a: {  	v0 =	vld [tilespmem:s12+$0x0];
	_ =	sdelay $0x3  }
0x4b: {  	s31 =	sadd.s32 $0x10, s30  }
0x4c: {  	[tilespmem:s31+$0x0] =	vst v0  }
0x4d: {  	v0 =	vld [tilespmem:s12+$0x80];
	_ =	sdelay $0x4  }
0x4e: {  	s0 =	sand.u32 $0x1F0, s0;
	v0 =	vadd.s32 $0xF4240, v0  }
0x4f: {  	[tilespmem:s0+$0x4200] =	vst v0  }
0x50: {  	v0 =	vld [tilespmem:s12+$0x100];
	_ =	sdelay $0x4  }
0x51: {  	v0 =	vadd.s32 $0x1E8480, v0  }
0x52: {  	[tilespmem:s0+$0x4400] =	vst v0  }
0x53: {  	v0 =	vld [tilespmem:s12+$0x180];
	_ =	sdelay $0x4  }
0x54: {  	v0 =	vadd.s32 $0x2DC6C0, v0  }
0x55: {  	[tilespmem:s0+$0x4600] =	vst v0  }
0x56: {  	v0 =	vld [tilespmem:s12+$0x200];
	_ =	sdelay $0x4  }
0x57: {  	v0 =	vadd.s32 $0x3D0900, v0  }
0x58: {  	[tilespmem:s0+$0x4800] =	vst v0  }
0x59: {  	v0 =	vld [tilespmem:s12+$0x280];
	_ =	sdelay $0x4  }
0x5a: {  	v0 =	vadd.s32 $0x4C4B40, v0  }
0x5b: {  	[tilespmem:s0+$0x4A00] =	vst v0  }
0x5c: {  	v0 =	vld [tilespmem:s12+$0x300];
	_ =	sdelay $0x3  }
0x5d: {  	s16 =	simm.s32 $0x0  }
0x5e: {  	s17 =	sor.u32 s16, s16;
	v0 =	vadd.s32 $0x5B8D80, v0  }
0x5f: {  	s3 =	sor.u32 $0x380, s17;
	s12 =	simm.s32 $0x7400;
	[tilespmem:s0+$0x4C00] =	vst v0  }
0x60: {  	[tilespmem:s12], [sflag:$0x1] =	stream.indirect.gather [hbm4b:s1+s14], $0x1, s15, s14, $0xb8;
	[tilespmem:$0xCA80] =	vst v63  }
0x61: {  	v0 =	vld [tilespmem:s3+$0x0];
	_ =	sdelay $0x4  }
0x62: {  	s18 =	sand.u32 $0x70, s16;
	s31 =	sand.u32 $0xC00, s16;
	s0 =	sand.u32 $0x1F0, s16;
	v0 =	vadd.s32 $0x6ACFC0, v0  }
0x63: {  	s3 =	sor.u32 s18, s31;
	[tilespmem:s0+$0x4E00] =	vst v0  }
0x64: {  	v0 =	vld [tilespmem:s3+$0x1000];
	_ =	sdelay $0x4  }
0x65: {  	v0 =	vadd.s32 $0x7A1200, v0  }
0x66: {  	[tilespmem:s0+$0x5000] =	vst v0  }
0x67: {  	v0 =	vld [tilespmem:s3+$0x1080];
	_ =	sdelay $0x4  }
0x68: {  	v0 =	vadd.s32 $0x895440, v0  }
0x69: {  	[tilespmem:s0+$0x5200] =	vst v0  }
0x6a: {  	v0 =	vld [tilespmem:s3+$0x1100];
	_ =	sdelay $0x4  }
0x6b: {  	v0 =	vadd.s32 $0x989680, v0  }
0x6c: {  	[tilespmem:s0+$0x5400] =	vst v0  }
0x6d: {  	v0 =	vld [tilespmem:s3+$0x1180];
	_ =	sdelay $0x4  }
0x6e: {  	v0 =	vadd.s32 $0xA7D8C0, v0  }
0x6f: {  	[tilespmem:s0+$0x5600] =	vst v0  }
0x70: {  	v0 =	vld [tilespmem:s3+$0x1200];
	_ =	sdelay $0x4  }
0x71: {  	v0 =	vadd.s32 $0xB71B00, v0  }
0x72: {  	[tilespmem:s0+$0x5800] =	vst v0  }
0x73: {  	v0 =	vld [tilespmem:s3+$0x1280];
	_ =	sdelay $0x3  }
0x74: {  	s29 =	simm.s32 $0x10;
	s3 =	simm.s32 $0x80  }
0x75: {  	s30 =	simm.s32 $0x20;
	s12 =	sor.u32 s3, s29;
	v0 =	vadd.s32 $0xC65D40, v0  }
.LBB2_4:
0x76: {  	p0 =	sne.s32 s30, $0x1F0;
	s12 =	sor.u32 $0x380, s12;
	[tilespmem:s0+$0x5A00] =	vst v0  }
0x77: {  	v0 =	vld [tilespmem:s12+$0x0];
	_ =	sdelay $0x4  }
0x78: {  	s16 =	sand.u32 $0xC00, s3;
	s0 =	sand.u32 $0x1F0, s29;
	s12 =	sand.u32 $0x70, s29;
	v0 =	vadd.s32 $0x6ACFC0, v0  }
0x79: {  	s29 =	smov.u32 s30;
	s12 =	sor.u32 s12, s16;
	[tilespmem:s0+$0x4E00] =	vst v0  }
0x7a: {  	v0 =	vld [tilespmem:s12+$0x1000];
	_ =	sdelay $0x4  }
0x7b: {  	v0 =	vadd.s32 $0x7A1200, v0  }
0x7c: {  	[tilespmem:s0+$0x5000] =	vst v0  }
0x7d: {  	v0 =	vld [tilespmem:s12+$0x1080];
	_ =	sdelay $0x4  }
0x7e: {  	v0 =	vadd.s32 $0x895440, v0  }
0x7f: {  	[tilespmem:s0+$0x5200] =	vst v0  }
0x80: {  	v0 =	vld [tilespmem:s12+$0x1100];
	_ =	sdelay $0x4  }
0x81: {  	v0 =	vadd.s32 $0x989680, v0  }
0x82: {  	[tilespmem:s0+$0x5400] =	vst v0  }
0x83: {  	v0 =	vld [tilespmem:s12+$0x1180];
	_ =	sdelay $0x4  }
0x84: {  	v0 =	vadd.s32 $0xA7D8C0, v0  }
0x85: {  	[tilespmem:s0+$0x5600] =	vst v0  }
0x86: {  	v0 =	vld [tilespmem:s12+$0x1200];
	_ =	sdelay $0x4  }
0x87: {  	v0 =	vadd.s32 $0xB71B00, v0  }
0x88: {  	[tilespmem:s0+$0x5800] =	vst v0  }
0x89: {  	v0 =	vld [tilespmem:s12+$0x1280]  }
.Ltmp1:
0x8a: {  	(pc) =	sbr.rel @p0 .LBB2_4-.Ltmp1, $3  }
0x8b: {  	_ =	sdelay $0x1  }
0x8c: {  	s3 =	sadd.s32 $0x80, s3  }
0x8d: {  	s30 =	sadd.s32 $0x10, s30;
	s12 =	sor.u32 s3, s29;
	v0 =	vadd.s32 $0xC65D40, v0  }
0x8e: {  	s12 =	sor.u32 $0x380, s12;
	[tilespmem:s0+$0x5A00] =	vst v0  }
0x8f: {  	v0 =	vld [tilespmem:s12+$0x0];
	_ =	sdelay $0x4  }
0x90: {  	s17 =	sand.u32 $0x70, s29;
	s3 =	sand.u32 $0xC00, s3;
	s18 =	sand.u32 $0x1F0, s29;
	v0 =	vadd.s32 $0x6ACFC0, v0  }
0x91: {  	s0 =	sor.u32 s17, s3;
	[tilespmem:s18+$0x4E00] =	vst v0  }
0x92: {  	v0 =	vld [tilespmem:s0+$0x1000];
	_ =	sdelay $0x4  }
0x93: {  	v0 =	vadd.s32 $0x7A1200, v0  }
0x94: {  	[tilespmem:s18+$0x5000] =	vst v0  }
0x95: {  	v0 =	vld [tilespmem:s0+$0x1080];
	_ =	sdelay $0x4  }
0x96: {  	v0 =	vadd.s32 $0x895440, v0  }
0x97: {  	[tilespmem:s18+$0x5200] =	vst v0  }
0x98: {  	v0 =	vld [tilespmem:s0+$0x1100];
	_ =	sdelay $0x4  }
0x99: {  	v0 =	vadd.s32 $0x989680, v0  }
0x9a: {  	[tilespmem:s18+$0x5400] =	vst v0  }
0x9b: {  	v0 =	vld [tilespmem:s0+$0x1180];
	_ =	sdelay $0x4  }
0x9c: {  	v0 =	vadd.s32 $0xA7D8C0, v0  }
0x9d: {  	[tilespmem:s18+$0x5600] =	vst v0  }
0x9e: {  	v0 =	vld [tilespmem:s0+$0x1200];
	_ =	sdelay $0x4  }
0x9f: {  	v0 =	vadd.s32 $0xB71B00, v0  }
0xa0: {  	[tilespmem:s18+$0x5800] =	vst v0  }
0xa1: {  	v0 =	vld [tilespmem:s0+$0x1280];
	_ =	sdelay $0x4  }
0xa2: {  	s16 =	simm.s32 $0x8200;
	s3 =	simm.s32 $0x0;
	v0 =	vadd.s32 $0xC65D40, v0  }
0xa3: {  	s12 =	simm.s32 $0x4E00;
	s17 =	sand.u32 $0x70, s3;
	[tilespmem:s18+$0x5A00] =	vst v0;
	s18 =	sand.u32 $0xC00, s3  }
0xa4: {  	[tilespmem:s16], [sflag:$0x2] =	stream.indirect.gather [hbm4b:s1+s14], $0x1, s12, s14, $0xb8;
	[tilespmem:$0xCA80] =	vst v63  }
0xa5: {  	s0 =	sor.u32 s17, s18  }
0xa6: {  	v0 =	vld [tilespmem:s0+$0x1300];
	_ =	sdelay $0x4  }
0xa7: {  	s30 =	sand.u32 $0x1F0, s3;
	v0 =	vadd.s32 $0xD59F80, v0  }
0xa8: {  	[tilespmem:s30+$0x5C00] =	vst v0  }
0xa9: {  	v0 =	vld [tilespmem:s0+$0x1380];
	_ =	sdelay $0x4  }
0xaa: {  	v0 =	vadd.s32 $0xE4E1C0, v0  }
0xab: {  	[tilespmem:s30+$0x5E00] =	vst v0  }
0xac: {  	v0 =	vld [tilespmem:s0+$0x2000];
	_ =	sdelay $0x4  }
0xad: {  	v0 =	vadd.s32 $0xF42400, v0  }
0xae: {  	[tilespmem:s30+$0x6000] =	vst v0  }
0xaf: {  	v0 =	vld [tilespmem:s0+$0x2080];
	_ =	sdelay $0x4  }
0xb0: {  	v0 =	vadd.s32 $0x1036640, v0  }
0xb1: {  	[tilespmem:s30+$0x6200] =	vst v0  }
0xb2: {  	v0 =	vld [tilespmem:s0+$0x2100];
	_ =	sdelay $0x4  }
0xb3: {  	v0 =	vadd.s32 $0x112A880, v0  }
0xb4: {  	[tilespmem:s30+$0x6400] =	vst v0  }
0xb5: {  	v0 =	vld [tilespmem:s0+$0x2180];
	_ =	sdelay $0x2  }
0xb6: {  	s29 =	simm.s32 $0x10  }
0xb7: {  	s31 =	simm.s32 $0x80;
	s17 =	sand.u32 $0x70, s29  }
0xb8: {  	s18 =	sand.u32 $0xC00, s31;
	s16 =	simm.s32 $0x20;
	s12 =	simm.s32 $0x10;
	v0 =	vadd.s32 $0x121EAC0, v0  }
.LBB2_6:
0xb9: {  	p0 =	sne.s32 s16, $0x1F0;
	s17 =	sor.u32 s17, s18;
	[tilespmem:s30+$0x6600] =	vst v0  }
0xba: {  	v0 =	vld [tilespmem:s17+$0x1300];
	_ =	sdelay $0x4  }
0xbb: {  	s30 =	sand.u32 $0x1F0, s12;
	s12 =	smov.u32 s16;
	v0 =	vadd.s32 $0xD59F80, v0  }
0xbc: {  	[tilespmem:s30+$0x5C00] =	vst v0  }
0xbd: {  	v0 =	vld [tilespmem:s17+$0x1380];
	_ =	sdelay $0x4  }
0xbe: {  	v0 =	vadd.s32 $0xE4E1C0, v0  }
0xbf: {  	[tilespmem:s30+$0x5E00] =	vst v0  }
0xc0: {  	v0 =	vld [tilespmem:s17+$0x2000];
	_ =	sdelay $0x4  }
0xc1: {  	v0 =	vadd.s32 $0xF42400, v0  }
0xc2: {  	[tilespmem:s30+$0x6000] =	vst v0  }
0xc3: {  	v0 =	vld [tilespmem:s17+$0x2080];
	_ =	sdelay $0x4  }
0xc4: {  	v0 =	vadd.s32 $0x1036640, v0  }
0xc5: {  	[tilespmem:s30+$0x6200] =	vst v0  }
0xc6: {  	v0 =	vld [tilespmem:s17+$0x2100];
	_ =	sdelay $0x4  }
0xc7: {  	v0 =	vadd.s32 $0x112A880, v0  }
0xc8: {  	[tilespmem:s30+$0x6400] =	vst v0  }
0xc9: {  	v0 =	vld [tilespmem:s17+$0x2180]  }
.Ltmp2:
0xca: {  	(pc) =	sbr.rel @p0 .LBB2_6-.Ltmp2, $3  }
0xcb: {  	_ =	sdelay $0x1  }
0xcc: {  	s31 =	sadd.s32 $0x80, s31  }
0xcd: {  	s16 =	sadd.s32 $0x10, s16;
	s18 =	sand.u32 $0xC00, s31;
	s17 =	sand.u32 $0x70, s12;
	v0 =	vadd.s32 $0x121EAC0, v0  }
0xce: {  	s16 =	sor.u32 s17, s18;
	[tilespmem:s30+$0x6600] =	vst v0  }
0xcf: {  	v0 =	vld [tilespmem:s16+$0x1300];
	_ =	sdelay $0x4  }
0xd0: {  	s12 =	sand.u32 $0x1F0, s12;
	v0 =	vadd.s32 $0xD59F80, v0  }
0xd1: {  	[tilespmem:s12+$0x5C00] =	vst v0  }
0xd2: {  	v0 =	vld [tilespmem:s16+$0x1380];
	_ =	sdelay $0x4  }
0xd3: {  	v0 =	vadd.s32 $0xE4E1C0, v0  }
0xd4: {  	[tilespmem:s12+$0x5E00] =	vst v0  }
0xd5: {  	v0 =	vld [tilespmem:s16+$0x2000];
	_ =	sdelay $0x4  }
0xd6: {  	v0 =	vadd.s32 $0xF42400, v0  }
0xd7: {  	[tilespmem:s12+$0x6000] =	vst v0  }
0xd8: {  	v0 =	vld [tilespmem:s16+$0x2080];
	_ =	sdelay $0x4  }
0xd9: {  	v0 =	vadd.s32 $0x1036640, v0  }
0xda: {  	[tilespmem:s12+$0x6200] =	vst v0  }
0xdb: {  	v0 =	vld [tilespmem:s16+$0x2100];
	_ =	sdelay $0x4  }
0xdc: {  	v0 =	vadd.s32 $0x112A880, v0  }
0xdd: {  	[tilespmem:s12+$0x6400] =	vst v0  }
0xde: {  	v0 =	vld [tilespmem:s16+$0x2180];
	_ =	sdelay $0x4  }
0xdf: {  	v0 =	vadd.s32 $0x121EAC0, v0  }
0xe0: {  	[tilespmem:s12+$0x6600] =	vst v0  }
0xe1: {  	v0 =	vld [tilespmem:s0+$0x2200];
	_ =	sdelay $0x4  }
0xe2: {  	s3 =	sand.u32 $0x1F0, s3;
	v0 =	vadd.s32 $0x1312D00, v0  }
0xe3: {  	[tilespmem:s3+$0x6800] =	vst v0  }
0xe4: {  	v0 =	vld [tilespmem:s0+$0x2280];
	_ =	sdelay $0x4  }
0xe5: {  	v0 =	vadd.s32 $0x1406F40, v0  }
0xe6: {  	[tilespmem:s3+$0x6A00] =	vst v0  }
0xe7: {  	v0 =	vld [tilespmem:s0+$0x2300];
	_ =	sdelay $0x4  }
0xe8: {  	v0 =	vadd.s32 $0x14FB180, v0  }
0xe9: {  	[tilespmem:s3+$0x6C00] =	vst v0  }
0xea: {  	v0 =	vld [tilespmem:s0+$0x2380];
	_ =	sdelay $0x4  }
0xeb: {  	v0 =	vadd.s32 $0x15EF3C0, v0  }
0xec: {  	[tilespmem:s3+$0x6E00] =	vst v0  }
0xed: {  	v0 =	vld [tilespmem:s0+$0x3000];
	_ =	sdelay $0x4  }
0xee: {  	v0 =	vadd.s32 $0x16E3600, v0  }
0xef: {  	[tilespmem:s3+$0x7000] =	vst v0  }
0xf0: {  	v0 =	vld [tilespmem:s0+$0x3080];
	_ =	sdelay $0x3  }
0xf1: {  	s0 =	simm.s32 $0x80  }
0xf2: {  	s16 =	sand.u32 $0x70, s29;
	s12 =	simm.s32 $0x20;
	s17 =	sand.u32 $0xC00, s0;
	v0 =	vadd.s32 $0x17D7840, v0  }
.LBB2_8:
0xf3: {  	p0 =	sne.s32 s12, $0x1F0;
	s16 =	sor.u32 s16, s17;
	[tilespmem:s3+$0x7200] =	vst v0  }
0xf4: {  	v0 =	vld [tilespmem:s16+$0x2200];
	_ =	sdelay $0x4  }
0xf5: {  	s3 =	sand.u32 $0x1F0, s29;
	s29 =	smov.u32 s12;
	v0 =	vadd.s32 $0x1312D00, v0  }
0xf6: {  	[tilespmem:s3+$0x6800] =	vst v0  }
0xf7: {  	v0 =	vld [tilespmem:s16+$0x2280];
	_ =	sdelay $0x4  }
0xf8: {  	v0 =	vadd.s32 $0x1406F40, v0  }
0xf9: {  	[tilespmem:s3+$0x6A00] =	vst v0  }
0xfa: {  	v0 =	vld [tilespmem:s16+$0x2300];
	_ =	sdelay $0x4  }
0xfb: {  	v0 =	vadd.s32 $0x14FB180, v0  }
0xfc: {  	[tilespmem:s3+$0x6C00] =	vst v0  }
0xfd: {  	v0 =	vld [tilespmem:s16+$0x2380];
	_ =	sdelay $0x4  }
0xfe: {  	v0 =	vadd.s32 $0x15EF3C0, v0  }
0xff: {  	[tilespmem:s3+$0x6E00] =	vst v0  }
0x100: {  	v0 =	vld [tilespmem:s16+$0x3000];
	_ =	sdelay $0x4  }
0x101: {  	v0 =	vadd.s32 $0x16E3600, v0  }
0x102: {  	[tilespmem:s3+$0x7000] =	vst v0  }
0x103: {  	v0 =	vld [tilespmem:s16+$0x3080]  }
.Ltmp3:
0x104: {  	(pc) =	sbr.rel @p0 .LBB2_8-.Ltmp3, $3  }
0x105: {  	_ =	sdelay $0x1  }
0x106: {  	s0 =	sadd.s32 $0x80, s0  }
0x107: {  	s12 =	sadd.s32 $0x10, s12;
	s17 =	sand.u32 $0xC00, s0;
	s16 =	sand.u32 $0x70, s29;
	v0 =	vadd.s32 $0x17D7840, v0  }
0x108: {  	s0 =	sor.u32 s16, s17;
	[tilespmem:s3+$0x7200] =	vst v0  }
0x109: {  	v0 =	vld [tilespmem:s0+$0x2200];
	_ =	sdelay $0x4  }
0x10a: {  	s16 =	sand.u32 $0x1F0, s29;
	v0 =	vadd.s32 $0x1312D00, v0  }
0x10b: {  	[tilespmem:s16+$0x6800] =	vst v0  }
0x10c: {  	v0 =	vld [tilespmem:s0+$0x2280];
	_ =	sdelay $0x4  }
0x10d: {  	v0 =	vadd.s32 $0x1406F40, v0  }
0x10e: {  	[tilespmem:s16+$0x6A00] =	vst v0  }
0x10f: {  	v0 =	vld [tilespmem:s0+$0x2300];
	_ =	sdelay $0x4  }
0x110: {  	v0 =	vadd.s32 $0x14FB180, v0  }
0x111: {  	[tilespmem:s16+$0x6C00] =	vst v0  }
0x112: {  	v0 =	vld [tilespmem:s0+$0x2380];
	_ =	sdelay $0x4  }
0x113: {  	v0 =	vadd.s32 $0x15EF3C0, v0  }
0x114: {  	[tilespmem:s16+$0x6E00] =	vst v0  }
0x115: {  	v0 =	vld [tilespmem:s0+$0x3000];
	_ =	sdelay $0x4  }
0x116: {  	v0 =	vadd.s32 $0x16E3600, v0  }
0x117: {  	[tilespmem:s16+$0x7000] =	vst v0  }
0x118: {  	v0 =	vld [tilespmem:s0+$0x3080];
	_ =	sdelay $0x1  }
0x119: {  	v2 =	vimm.s32 $0x1;
	_ =	sdelay $0x2  }
0x11a: {  	v0 =	vadd.s32 $0x17D7840, v0  }
0x11b: {  	[tilespmem:s16+$0x7200] =	vst v0  }
0x11c: {  	v62 =	vld.idx.msk [tilespmem:v2+s13+$0x0], $0xffff;
	v2 =	vimm.s32 $0x2;
	_ =	sdelay $0x4  }
0x11d: {  	v63 =	vld.idx.msk [tilespmem:v2+s13+$0x0], $0xffff;
	v2 =	vimm.s32 $0x3;
	_ =	sdelay $0x4  }
0x11e: {  	v61 =	vld.idx.msk [tilespmem:v2+s13+$0x0], $0xffff;
	v2 =	vimm.s32 $0x4;
	_ =	sdelay $0x4  }
0x11f: {  	v59 =	vld.idx.msk [tilespmem:v2+s13+$0x0], $0xffff;
	v2 =	vimm.s32 $0x5;
	_ =	sdelay $0x4  }
0x120: {  	v60 =	vld.idx.msk [tilespmem:v2+s13+$0x0], $0xffff;
	v2 =	vimm.s32 $0x6;
	_ =	sdelay $0x4  }
0x121: {  	v58 =	vld.idx.msk [tilespmem:v2+s13+$0x0], $0xffff;
	v2 =	vimm.s32 $0x7;
	_ =	sdelay $0x2  }
0x122: {  	v3 =	vimm.s32 $0x1B  }
0x123: {  	v5 =	vimm.s32 $0x8  }
0x124: {  	v55 =	vld.idx.msk [tilespmem:v2+s13+$0x0], $0xffff;
	v2 =	vimm.s32 $0x1A;
	_ =	sdelay $0x2  }
0x125: {  	v10 =	vimm.s32 $0xA;
	v3 =	vld.idx.msk [tilespmem:v3+s13+$0x0], $0xffff  }
0x126: {  	v56 =	vld.idx.msk [tilespmem:v5+s13+$0x0], $0xffff  }
0x127: {  	v5 =	vimm.s32 $0x9;
	v2 =	vld.idx.msk [tilespmem:v2+s13+$0x0], $0xffff  }
0x128: {  	v4 =	vld.idx.msk [tilespmem:v28+s13+$0x0], $0xffff  }
0x129: {  	v6 =	vld.idx.msk [tilespmem:v29+s13+$0x0], $0xffff  }
0x12a: {  	v53 =	vld.idx.msk [tilespmem:v10+s13+$0x0], $0xffff;
	v10 =	vimm.s32 $0xB  }
0x12b: {  	v7 =	vld.idx.msk [tilespmem:v30+s13+$0x0], $0xffff  }
0x12c: {  	v52 =	vld.idx.msk [tilespmem:v5+s13+$0x0], $0xffff;
	v5 =	vshrl.u32 v2, $0x10  }
0x12d: {  	v9 =	vld.idx.msk [tilespmem:v31+s13+$0x0], $0xffff;
	v5 =	vand.u32 $0x1, v5  }
0x12e: {  	v13 =	vimm.s32 $0xC;
	v2 =	vadd.s32 v5, v2;
	v5 =	vshrl.u32 v3, $0x10  }
0x12f: {  	v8 =	vshrl.u32 v4, $0x10;
	v54 =	vld.idx.msk [tilespmem:v10+s13+$0x0], $0xffff;
	v5 =	vand.u32 $0x1, v5  }
0x130: {  	v10 =	vld.idx.msk [tilespmem:v32+s13+$0x0], $0xffff;
	v8 =	vand.u32 $0x1, v8;
	v3 =	vadd.s32 v5, v3;
	v5 =	vshrl.u32 v6, $0x10  }
0x131: {  	v16 =	vimm.s32 $0xE;
	v4 =	vadd.s32 v8, v4;
	v5 =	vand.u32 $0x1, v5  }
0x132: {  	v11 =	vld.idx.msk [tilespmem:v33+s13+$0x0], $0xffff;
	v8 =	vshrl.u32 v9, $0x10;
	v5 =	vadd.s32 v5, v6;
	v6 =	vshrl.u32 v7, $0x10  }
0x133: {  	v57 =	vld.idx.msk [tilespmem:v13+s13+$0x0], $0xffff;
	v13 =	vimm.s32 $0xD;
	v8 =	vand.u32 $0x1, v8;
	v6 =	vand.u32 $0x1, v6  }
0x134: {  	v6 =	vadd.s32 v6, v7;
	v7 =	vadd.s32 v8, v9  }
0x135: {  	v9 =	vshrl.u32 v10, $0x10;
	v6 =	vadd.s32 $0x7FFF, v6;
	v7 =	vadd.s32 $0x7FFF, v7  }
0x136: {  	v12 =	vld.idx.msk [tilespmem:v34+s13+$0x0], $0xffff;
	v8 =	vand.u32 $0xFFFF0000, v6;
	v6 =	vand.u32 $0xFFFF0000, v7;
	v7 =	vand.u32 $0x1, v9  }
0x137: {  	v45 =	vld.idx.msk [tilespmem:v16+s13+$0x0], $0xffff;
	v7 =	vadd.s32 v7, v10;
	v10 =	vshrl.u32 v11, $0x10  }
0x138: {  	v51 =	vld.idx.msk [tilespmem:v13+s13+$0x0], $0xffff;
	v16 =	vand.u32 $0x1, v10;
	v10 =	vimm.s32 $0xF  }
0x139: {  	v13 =	vld.idx.msk [tilespmem:v35+s13+$0x0], $0xffff  }
0x13a: {  	v15 =	vld.idx.msk [tilespmem:v37+s13+$0x0], $0xffff  }
0x13b: {  	v14 =	vshrl.u32 v12, $0x10;
	v9 =	vld.idx.msk [tilespmem:v36+s13+$0x0], $0xffff  }
0x13c: {  	v14 =	vand.u32 $0x1, v14;
	v7 =	vadd.s32 $0x7FFF, v7  }
0x13d: {  	v46 =	vld.idx.msk [tilespmem:v10+s13+$0x0], $0xffff;
	v10 =	vand.u32 $0xFFFF0000, v7;
	v7 =	vadd.s32 v16, v11;
	v11 =	vadd.s32 v14, v12  }
0x13e: {  	v14 =	vshrl.u32 v13, $0x10;
	v7 =	vadd.s32 $0x7FFF, v7;
	v12 =	vadd.s32 $0x7FFF, v11  }
0x13f: {  	v11 =	vand.u32 $0xFFFF0000, v7;
	v7 =	vand.u32 $0xFFFF0000, v12;
	v12 =	vand.u32 $0x1, v14  }
0x140: {  	v17 =	vshrl.u32 v15, $0x10;
	v12 =	vadd.s32 v12, v13;
	v13 =	vshrl.u32 v9, $0x10  }
0x141: {  	v17 =	vand.u32 $0x1, v17;
	v13 =	vand.u32 $0x1, v13  }
0x142: {  	v19 =	vimm.s32 $0x10;
	v9 =	vadd.s32 v13, v9;
	v13 =	vadd.s32 v17, v15  }
0x143: {  	v16 =	vld.idx.msk [tilespmem:v38+s13+$0x0], $0xffff;
	v17 =	vadd.s32 $0x7FFF, v13;
	v13 =	vimm.s32 $0x11;
	_ =	sdelay $0x2  }
0x144: {  	s30 =	simm.s32 $0x0  }
0x145: {  	s17 =	sand.u32 $0x70, s30;
	s18 =	sand.u32 $0xC00, s30;
	v50 =	vld.idx.msk [tilespmem:v19+s13+$0x0], $0xffff;
	v9 =	vadd.s32 $0x7FFF, v9  }
0x146: {  	s29 =	sor.u32 s17, s18;
	v19 =	vshrl.u32 v16, $0x10;
	v47 =	vld.idx.msk [tilespmem:v13+s13+$0x0], $0xffff;
	v13 =	vand.u32 $0xFFFF0000, v9  }
0x147: {  	v18 =	vld [tilespmem:s29+$0xA800];
	v9 =	vand.u32 $0xFFFF0000, v17;
	v17 =	vand.u32 $0x1, v19;
	v19 =	vimm.s32 $0x12;
	_ =	sdelay $0x3  }
0x148: {  	v14 =	vld [tilespmem:s29+$0xA980]  }
0x149: {  	v48 =	vld.idx.msk [tilespmem:v19+s13+$0x0], $0xffff;
	v19 =	vshrl.u32 v18, $0x10  }
0x14a: {  	v21 =	vimm.s32 $0x13;
	v15 =	vld [tilespmem:s29+$0xA880];
	v19 =	vand.u32 $0x1, v19  }
0x14b: {  	v20 =	vld [tilespmem:s29+$0xA900];
	v18 =	vadd.s32 v19, v18;
	v19 =	vimm.s32 $0x14;
	_ =	sdelay $0x2  }
0x14c: {  	v22 =	vimm.s32 $0x15;
	v16 =	vadd.s32 v17, v16;
	v17 =	vshrl.u32 v14, $0x10  }
0x14d: {  	v0 =	vimm.s32 $0x27;
	v49 =	vld.idx.msk [tilespmem:v21+s13+$0x0], $0xffff;
	v21 =	vshrl.u32 v15, $0x10;
	v17 =	vand.u32 $0x1, v17  }
0x14e: {  	v14 =	vadd.s32 v17, v14;
	v40 =	vld.idx.msk [tilespmem:v19+s13+$0x0], $0xffff;
	v19 =	vand.u32 $0x1, v21;
	v21 =	vshrl.u32 v20, $0x10  }
0x14f: {  	v17 =	vld [tilespmem:s29+$0xAA00];
	v15 =	vadd.s32 v19, v15;
	v19 =	vand.u32 $0x1, v21;
	v21 =	vimm.s32 $0x16  }
0x150: {  	v4 =	vadd.s32 $0x7FFF, v4  }
0x151: {  	v2 =	vadd.s32 $0x7FFF, v2;
	v3 =	vadd.s32 $0x7FFF, v3;
	v14 =	vadd.s32 $0x7FFF, v14  }
0x152: {  	v41 =	vld.idx.msk [tilespmem:v22+s13+$0x0], $0xffff;
	v24 =	vand.u32 $0xFFFF0000, v14;
	v14 =	vimm.s32 $0x18;
	v15 =	vadd.s32 $0x7FFF, v15  }
0x153: {  	v1 =	vld.idx.msk [tilespmem:v0+s13+$0x0], $0xffff;
	v3 =	vand.u32 $0xFFFF0000, v3;
	v18 =	vadd.s32 $0x7FFF, v18;
	v15 =	vand.u32 $0xFFFF0000, v15  }
0x154: {  	v22 =	vmul.f32 v15, v3;
	v15 =	vimm.s32 $0x17;
	v42 =	vld.idx.msk [tilespmem:v21+s13+$0x0], $0xffff;
	v21 =	vshrl.u32 v17, $0x10  }
0x155: {  	v2 =	vand.u32 $0xFFFF0000, v2;
	v18 =	vand.u32 $0xFFFF0000, v18;
	v21 =	vand.u32 $0x1, v21  }
0x156: {  	v23 =	vld [tilespmem:s29+$0xAA80];
	v16 =	vadd.s32 $0x7FFF, v16;
	v18 =	vmul.f32 v18, v2;
	v17 =	vadd.s32 v21, v17  }
0x157: {  	v43 =	vld.idx.msk [tilespmem:v14+s13+$0x0], $0xffff;
	v14 =	vand.u32 $0xFFFF0000, v16;
	v16 =	vadd.s32 $0x7FFF, v17;
	v17 =	vimm.s32 $0x19  }
0x158: {  	v4 =	vand.u32 $0xFFFF0000, v4;
	v19 =	vadd.s32 v19, v20;
	v20 =	vld [tilespmem:s29+$0xAB00]  }
0x159: {  	v5 =	vadd.s32 $0x7FFF, v5;
	v18 =	vadd.f32 v18, v1;
	v19 =	vadd.s32 $0x7FFF, v19;
	v39 =	vld.idx.msk [tilespmem:v15+s13+$0x0], $0xffff  }
0x15a: {  	v5 =	vand.u32 $0xFFFF0000, v5;
	v19 =	vand.u32 $0xFFFF0000, v19;
	v15 =	vld [tilespmem:s29+$0xB980];
	v16 =	vand.u32 $0xFFFF0000, v16  }
0x15b: {  	v19 =	vmul.f32 v19, v4;
	v18 =	vadd.f32 v22, v18;
	v21 =	vmul.f32 v16, v8;
	v16 =	vld [tilespmem:s29+$0xB900]  }
0x15c: {  	v22 =	vmul.f32 v24, v5;
	v44 =	vld.idx.msk [tilespmem:v17+s13+$0x0], $0xffff  }
0x15d: {  	v24 =	vshrl.u32 v20, $0x10;
	v18 =	vadd.f32 v19, v18;
	v19 =	vshrl.u32 v23, $0x10;
	v17 =	vld [tilespmem:s29+$0xB880]  }
0x15e: {  	v12 =	vadd.s32 $0x7FFF, v12;
	v24 =	vand.u32 $0x1, v24;
	v25 =	vand.u32 $0x1, v19;
	v19 =	vld [tilespmem:s29+$0xAB80]  }
0x15f: {  	v12 =	vand.u32 $0xFFFF0000, v12;
	v20 =	vadd.s32 v24, v20;
	v22 =	vadd.f32 v22, v18  }
0x160: {  	v23 =	vadd.s32 v25, v23;
	v25 =	vadd.s32 $0x7FFF, v20;
	v20 =	vld [tilespmem:s29+$0xB800];
	v18 =	vshrl.u32 v15, $0x10  }
0x161: {  	s3 =	simm.s32 $0x10;
	s31 =	simm.s32 $0xC880;
	s0 =	simm.s32 $0xC880;
	v0 =	vld.msk [tilespmem:s13+$0x0], $0xffff;
	v24 =	vadd.s32 $0x7FFF, v23;
	v23 =	vand.u32 $0xFFFF0000, v25;
	v18 =	vand.u32 $0x1, v18  }
.LBB2_10:
0x162: {  	p0 =	sne.s32 s3, $0x1F0;
	v25 =	vshrl.u32 v17, $0x10;
	v26 =	vshrl.u32 v16, $0x10;
	s30 =	sadd.s32 $0x80, s30;
	s0 =	sadd.s32 $0x10, s0  }
0x163: {  	v24 =	vand.u32 $0xFFFF0000, v24;
	v27 =	vshrl.u32 v19, $0x10;
	s12 =	smov.u32 s3;
	s3 =	sadd.s32 $0x10, s3;
	v25 =	vand.u32 $0x1, v25  }
0x164: {  	v21 =	vadd.f32 v21, v22;
	s12 =	sand.u32 $0x70, s12;
	s16 =	sand.u32 $0xC00, s30;
	v22 =	vmul.f32 v24, v6;
	v24 =	vand.u32 $0x1, v27  }
0x165: {  	v23 =	vmul.f32 v23, v10;
	s12 =	sor.u32 s12, s16;
	v19 =	vadd.s32 v24, v19;
	v24 =	vshrl.u32 v20, $0x10  }
0x166: {  	v21 =	vadd.f32 v22, v21;
	v19 =	vadd.s32 $0x7FFF, v19;
	v22 =	vand.u32 $0x1, v24  }
0x167: {  	v17 =	vadd.s32 v25, v17;
	v19 =	vand.u32 $0xFFFF0000, v19;
	v20 =	vadd.s32 v22, v20  }
0x168: {  	v21 =	vadd.f32 v23, v21;
	v19 =	vmul.f32 v19, v11;
	v20 =	vadd.s32 $0x7FFF, v20;
	v22 =	vld [tilespmem:s29+$0xBA00];
	s29 =	smov.u32 s12  }
0x169: {  	v17 =	vadd.s32 $0x7FFF, v17;
	v23 =	vand.u32 $0x1, v26;
	v20 =	vand.u32 $0xFFFF0000, v20  }
0x16a: {  	v16 =	vadd.s32 v23, v16;
	v19 =	vadd.f32 v19, v21;
	v20 =	vmul.f32 v20, v7  }
0x16b: {  	v17 =	vand.u32 $0xFFFF0000, v17;
	v16 =	vadd.s32 $0x7FFF, v16  }
0x16c: {  	v17 =	vmul.f32 v17, v12;
	v16 =	vand.u32 $0xFFFF0000, v16;
	v19 =	vadd.f32 v20, v19  }
0x16d: {  	v15 =	vadd.s32 v18, v15;
	v16 =	vmul.f32 v16, v13;
	v18 =	vshrl.u32 v22, $0x10  }
0x16e: {  	v15 =	vadd.s32 $0x7FFF, v15;
	v17 =	vadd.f32 v17, v19;
	v18 =	vand.u32 $0x1, v18  }
0x16f: {  	v15 =	vand.u32 $0xFFFF0000, v15;
	v18 =	vadd.s32 v18, v22  }
0x170: {  	v15 =	vmul.f32 v15, v9;
	v16 =	vadd.f32 v16, v17;
	v17 =	vadd.s32 $0x7FFF, v18  }
0x171: {  	v17 =	vand.u32 $0xFFFF0000, v17  }
0x172: {  	v15 =	vadd.f32 v15, v16;
	v16 =	vmul.f32 v17, v14;
	_ =	sdelay $0x1  }
0x173: {  	v15 =	vadd.f32 v16, v15;
	_ =	sdelay $0x1  }
0x174: {  	[tilespmem:s31+$0x0] =	vst v15;
	s31 =	smov.u32 s0  }
0x175: {  	v15 =	vld [tilespmem:s29+$0xA980]  }
0x176: {  	v18 =	vld [tilespmem:s29+$0xA800]  }
0x177: {  	v19 =	vld [tilespmem:s29+$0xA880]  }
0x178: {  	v20 =	vld [tilespmem:s29+$0xA900]  }
0x179: {  	v17 =	vld [tilespmem:s29+$0xB880]  }
0x17a: {  	v16 =	vshrl.u32 v15, $0x10;
	v23 =	vld [tilespmem:s29+$0xAA80]  }
0x17b: {  	v21 =	vshrl.u32 v18, $0x10;
	v22 =	vand.u32 $0x1, v16;
	v16 =	vld [tilespmem:s29+$0xB900]  }
0x17c: {  	v21 =	vand.u32 $0x1, v21;
	v24 =	vshrl.u32 v19, $0x10;
	v22 =	vadd.s32 v22, v15;
	v25 =	vld [tilespmem:s29+$0xAA00]  }
0x17d: {  	v15 =	vadd.s32 v21, v18;
	v18 =	vand.u32 $0x1, v24;
	v21 =	vshrl.u32 v20, $0x10  }
0x17e: {  	v24 =	vadd.s32 $0x7FFF, v15;
	v18 =	vadd.s32 v18, v19;
	v19 =	vand.u32 $0x1, v21;
	v15 =	vld [tilespmem:s29+$0xB980]  }
0x17f: {  	v21 =	vand.u32 $0xFFFF0000, v24;
	v18 =	vadd.s32 $0x7FFF, v18;
	v19 =	vadd.s32 v19, v20;
	v20 =	vld [tilespmem:s29+$0xAB00]  }
0x180: {  	v21 =	vmul.f32 v21, v2;
	v18 =	vand.u32 $0xFFFF0000, v18;
	v19 =	vadd.s32 $0x7FFF, v19  }
0x181: {  	v22 =	vadd.s32 $0x7FFF, v22;
	v19 =	vand.u32 $0xFFFF0000, v19;
	v24 =	vshrl.u32 v25, $0x10  }
0x182: {  	v18 =	vmul.f32 v18, v3;
	v21 =	vadd.f32 v21, v1;
	v24 =	vand.u32 $0x1, v24  }
0x183: {  	v22 =	vand.u32 $0xFFFF0000, v22;
	v24 =	vadd.s32 v24, v25;
	v25 =	vshrl.u32 v23, $0x10  }
0x184: {  	v18 =	vadd.f32 v18, v21;
	v21 =	vmul.f32 v19, v4;
	v19 =	vadd.s32 $0x7FFF, v24  }
.Ltmp4:
0x185: {  	v22 =	vmul.f32 v22, v5;
	v26 =	vshrl.u32 v20, $0x10;
	v24 =	vand.u32 $0xFFFF0000, v19;
	v19 =	vld [tilespmem:s29+$0xAB80];
	(pc) =	sbr.rel @p0 .LBB2_10-.Ltmp4, $4  }
0x186: {  	v18 =	vadd.f32 v21, v18;
	v21 =	vmul.f32 v24, v8;
	v24 =	vand.u32 $0x1, v26  }
0x187: {  	v25 =	vand.u32 $0x1, v25;
	v26 =	vshrl.u32 v15, $0x10;
	v20 =	vadd.s32 v24, v20  }
0x188: {  	v22 =	vadd.f32 v22, v18;
	v18 =	vadd.s32 v25, v23;
	v23 =	vadd.s32 $0x7FFF, v20;
	v20 =	vld [tilespmem:s29+$0xB800]  }
0x189: {  	v24 =	vadd.s32 $0x7FFF, v18;
	v23 =	vand.u32 $0xFFFF0000, v23;
	v18 =	vand.u32 $0x1, v26  }
0x18a: {  	v1 =	vshrl.u32 v17, $0x10;
	v2 =	vshrl.u32 v16, $0x10  }
0x18b: {  	v3 =	vand.u32 $0xFFFF0000, v24;
	v4 =	vshrl.u32 v19, $0x10;
	v5 =	vadd.f32 v21, v22  }
0x18c: {  	v1 =	vand.u32 $0x1, v1;
	v3 =	vmul.f32 v3, v6;
	v4 =	vand.u32 $0x1, v4  }
0x18d: {  	v6 =	vmul.f32 v23, v10;
	v4 =	vadd.s32 v4, v19;
	v8 =	vshrl.u32 v20, $0x10  }
0x18e: {  	v3 =	vadd.f32 v3, v5;
	v4 =	vadd.s32 $0x7FFF, v4;
	v5 =	vand.u32 $0x1, v8  }
0x18f: {  	v2 =	vand.u32 $0x1, v2;
	v4 =	vand.u32 $0xFFFF0000, v4;
	v5 =	vadd.s32 v5, v20  }
0x190: {  	v3 =	vadd.f32 v6, v3;
	v4 =	vmul.f32 v4, v11;
	v6 =	vld [tilespmem:s29+$0xBA00];
	v5 =	vadd.s32 $0x7FFF, v5  }
0x191: {  	v1 =	vadd.s32 v1, v17;
	v2 =	vadd.s32 v2, v16;
	v5 =	vand.u32 $0xFFFF0000, v5  }
0x192: {  	v1 =	vadd.s32 $0x7FFF, v1;
	v3 =	vadd.f32 v4, v3;
	v4 =	vmul.f32 v5, v7  }
0x193: {  	v2 =	vadd.s32 $0x7FFF, v2;
	v1 =	vand.u32 $0xFFFF0000, v1  }
0x194: {  	v2 =	vand.u32 $0xFFFF0000, v2;
	v1 =	vmul.f32 v1, v12;
	v3 =	vadd.f32 v4, v3  }
0x195: {  	v2 =	vmul.f32 v2, v13;
	v4 =	vadd.s32 v18, v15;
	v5 =	vshrl.u32 v6, $0x10  }
0x196: {  	v1 =	vadd.f32 v1, v3;
	v3 =	vadd.s32 $0x7FFF, v4;
	v4 =	vand.u32 $0x1, v5  }
0x197: {  	v3 =	vand.u32 $0xFFFF0000, v3;
	v4 =	vadd.s32 v4, v6  }
0x198: {  	v1 =	vadd.f32 v2, v1;
	v2 =	vmul.f32 v3, v9;
	v3 =	vadd.s32 $0x7FFF, v4  }
0x199: {  	v3 =	vand.u32 $0xFFFF0000, v3  }
0x19a: {  	v1 =	vadd.f32 v2, v1;
	v2 =	vmul.f32 v3, v14;
	_ =	sdelay $0x1  }
0x19b: {  	v1 =	vadd.f32 v2, v1  }
0x19c: {  	v10 =	vshrl.u32 v58, $0x10;
	v5 =	vshrl.u32 v60, $0x10  }
0x19d: {  	v10 =	vand.u32 $0x1, v10;
	v5 =	vand.u32 $0x1, v5;
	[tilespmem:s31+$0x0] =	vst v1  }
0x19e: {  	v10 =	vadd.s32 v10, v58;
	v4 =	vshrl.u32 v59, $0x10;
	v5 =	vadd.s32 v5, v60;
	_ =	swait.ge [sflag:s19], $0xE00  }
0x19f: {  	v10 =	vadd.s32 $0x7FFF, v10;
	v4 =	vand.u32 $0x1, v4;
	v5 =	vadd.s32 $0x7FFF, v5;
	[sflag:s19] =	ssyncset.done $0x0  }
0x1a0: {  	s0 =	simm.s32 $0x0;
	s29 =	simm.s32 $0x7400;
	v3 =	vshrl.u32 v63, $0x10;
	v4 =	vadd.s32 v4, v59;
	v2 =	vshrl.u32 v0, $0x10;
	[sflag:s19] =	ssyncadd.s32 $0xFFFFF200  }
0x1a1: {  	s3 =	sand.u32 $0x1F0, s0;
	v4 =	vadd.s32 $0x7FFF, v4;
	v1 =	vand.u32 $0x1, v2;
	v2 =	vshrl.u32 v62, $0x10;
	v6 =	vld [tilespmem:s29+$0x0]  }
0x1a2: {  	v4 =	vand.u32 $0xFFFF0000, v4;
	v0 =	vadd.s32 v1, v0;
	v1 =	vand.u32 $0x1, v2;
	v7 =	vld [tilespmem:s3+$0x7600]  }
0x1a3: {  	v2 =	vand.u32 $0x1, v3;
	v3 =	vshrl.u32 v61, $0x10;
	v0 =	vadd.s32 $0x7FFF, v0  }
0x1a4: {  	v1 =	vadd.s32 v1, v62;
	v2 =	vadd.s32 v2, v63;
	v3 =	vand.u32 $0x1, v3;
	v8 =	vld [tilespmem:s3+$0x7800]  }
0x1a5: {  	v0 =	vand.u32 $0xFFFF0000, v0;
	v1 =	vadd.s32 $0x7FFF, v1;
	v2 =	vadd.s32 $0x7FFF, v2;
	v11 =	vld [tilespmem:s3+$0x7A00]  }
0x1a6: {  	v3 =	vadd.s32 v3, v61;
	v1 =	vand.u32 $0xFFFF0000, v1;
	v9 =	vshrl.u32 v6, $0x10  }
0x1a7: {  	s0 =	simm.s32 $0xC880;
	v2 =	vand.u32 $0xFFFF0000, v2;
	v23 =	vshrl.u32 v7, $0x10;
	v9 =	vand.u32 $0x1, v9  }
0x1a8: {  	v3 =	vadd.s32 $0x7FFF, v3;
	v24 =	vld [tilespmem:s0+$0x0];
	v6 =	vadd.s32 v9, v6;
	v9 =	vand.u32 $0x1, v23  }
0x1a9: {  	v25 =	vld [tilespmem:s3+$0x7C00];
	v6 =	vadd.s32 $0x7FFF, v6;
	v7 =	vadd.s32 v9, v7;
	v9 =	vshrl.u32 v8, $0x10  }
0x1aa: {  	v26 =	vshrl.u32 v11, $0x10;
	v6 =	vand.u32 $0xFFFF0000, v6;
	v9 =	vand.u32 $0x1, v9  }
0x1ab: {  	v7 =	vadd.s32 $0x7FFF, v7;
	v6 =	vmul.f32 v6, v0;
	v8 =	vadd.s32 v9, v8  }
0x1ac: {  	v59 =	vand.u32 $0x1, v26;
	v7 =	vand.u32 $0xFFFF0000, v7;
	v9 =	vld [tilespmem:s3+$0x7E00];
	v8 =	vadd.s32 $0x7FFF, v8  }
0x1ad: {  	v60 =	vld [tilespmem:s3+$0x8000];
	v7 =	vmul.f32 v7, v1;
	v6 =	vadd.f32 v6, v24;
	v8 =	vand.u32 $0xFFFF0000, v8  }
0x1ae: {  	v61 =	vshrl.u32 v25, $0x10;
	v11 =	vadd.s32 v59, v11;
	v8 =	vmul.f32 v8, v2  }
0x1af: {  	v6 =	vadd.f32 v7, v6;
	v7 =	vadd.s32 $0x7FFF, v11;
	v11 =	vand.u32 $0x1, v61  }
0x1b0: {  	v3 =	vand.u32 $0xFFFF0000, v3;
	v7 =	vand.u32 $0xFFFF0000, v7;
	v11 =	vadd.s32 v11, v25  }
0x1b1: {  	v62 =	vshrl.u32 v9, $0x10;
	v6 =	vadd.f32 v8, v6;
	v7 =	vmul.f32 v7, v3  }
0x1b2: {  	v63 =	vshrl.u32 v60, $0x10;
	v8 =	vadd.s32 $0x7FFF, v11;
	v11 =	vand.u32 $0x1, v62  }
0x1b3: {  	v8 =	vand.u32 $0xFFFF0000, v8;
	v6 =	vadd.f32 v7, v6;
	v7 =	vadd.s32 v11, v9  }
0x1b4: {  	v8 =	vmul.f32 v8, v4;
	v9 =	vand.u32 $0x1, v63;
	v7 =	vadd.s32 $0x7FFF, v7  }
0x1b5: {  	v5 =	vand.u32 $0xFFFF0000, v5;
	v9 =	vadd.s32 v9, v60;
	v7 =	vand.u32 $0xFFFF0000, v7  }
0x1b6: {  	v8 =	vadd.f32 v8, v6;
	v9 =	vadd.s32 $0x7FFF, v9;
	v7 =	vmul.f32 v7, v5  }
0x1b7: {  	v6 =	vand.u32 $0xFFFF0000, v10;
	v9 =	vand.u32 $0xFFFF0000, v9  }
0x1b8: {  	s30 =	simm.s32 $0xC880;
	s3 =	simm.s32 $0x10;
	v7 =	vadd.f32 v7, v8;
	v8 =	vmul.f32 v9, v6  }
.LBB2_12:
0x1b9: {  	_ = 	snop  }
0x1ba: {  	p0 =	sne.s32 s3, $0x1F0;
	s0 =	sadd.s32 $0x10, s0;
	s29 =	sadd.s32 $0x10, s29;
	v7 =	vadd.f32 v8, v7  }
0x1bb: {  	s12 =	smov.u32 s3;
	s3 =	sadd.s32 $0x10, s3  }
0x1bc: {  	[tilespmem:s30+$0x0] =	vst v7;
	s30 =	smov.u32 s0  }
0x1bd: {  	s12 =	sand.u32 $0x1F0, s12;
	v7 =	vld [tilespmem:s29+$0x0]  }
0x1be: {  	v8 =	vld [tilespmem:s12+$0x7600];
	_ =	sdelay $0x1  }
0x1bf: {  	v9 =	vld [tilespmem:s12+$0x7800];
	_ =	sdelay $0x1  }
0x1c0: {  	v10 =	vshrl.u32 v7, $0x10;
	v11 =	vld [tilespmem:s12+$0x7A00]  }
0x1c1: {  	v12 =	vld [tilespmem:s0+$0x0];
	v10 =	vand.u32 $0x1, v10;
	v13 =	vshrl.u32 v8, $0x10  }
0x1c2: {  	v7 =	vadd.s32 v10, v7;
	v10 =	vand.u32 $0x1, v13;
	v13 =	vld [tilespmem:s12+$0x7C00]  }
0x1c3: {  	v7 =	vadd.s32 $0x7FFF, v7;
	v8 =	vadd.s32 v10, v8;
	v10 =	vshrl.u32 v9, $0x10  }
0x1c4: {  	v7 =	vand.u32 $0xFFFF0000, v7;
	v8 =	vadd.s32 $0x7FFF, v8;
	v10 =	vand.u32 $0x1, v10  }
0x1c5: {  	v7 =	vmul.f32 v7, v0;
	v8 =	vand.u32 $0xFFFF0000, v8;
	v9 =	vadd.s32 v10, v9;
	v10 =	vld [tilespmem:s12+$0x7E00]  }
0x1c6: {  	v14 =	vshrl.u32 v11, $0x10;
	v8 =	vmul.f32 v8, v1;
	v9 =	vadd.s32 $0x7FFF, v9  }
0x1c7: {  	v7 =	vadd.f32 v7, v12;
	v9 =	vand.u32 $0xFFFF0000, v9;
	v12 =	vand.u32 $0x1, v14;
	v14 =	vld [tilespmem:s12+$0x8000]  }
0x1c8: {  	v9 =	vmul.f32 v9, v2;
	v11 =	vadd.s32 v12, v11;
	v12 =	vshrl.u32 v13, $0x10  }
0x1c9: {  	v7 =	vadd.f32 v8, v7;
	v8 =	vadd.s32 $0x7FFF, v11;
	v11 =	vand.u32 $0x1, v12  }
0x1ca: {  	v8 =	vand.u32 $0xFFFF0000, v8;
	v11 =	vadd.s32 v11, v13;
	v12 =	vshrl.u32 v10, $0x10  }
0x1cb: {  	v7 =	vadd.f32 v9, v7;
	v8 =	vmul.f32 v8, v3;
	v9 =	vadd.s32 $0x7FFF, v11  }
0x1cc: {  	v11 =	vand.u32 $0x1, v12;
	v9 =	vand.u32 $0xFFFF0000, v9;
	v12 =	vshrl.u32 v14, $0x10  }
0x1cd: {  	v7 =	vadd.f32 v8, v7;
	v8 =	vmul.f32 v9, v4;
	v9 =	vadd.s32 v11, v10  }
.Ltmp5:
0x1ce: {  	v10 =	vand.u32 $0x1, v12;
	v9 =	vadd.s32 $0x7FFF, v9;
	(pc) =	sbr.rel @p0 .LBB2_12-.Ltmp5, $4  }
0x1cf: {  	v7 =	vadd.f32 v8, v7;
	v8 =	vand.u32 $0xFFFF0000, v9;
	v9 =	vadd.s32 v10, v14  }
0x1d0: {  	v8 =	vmul.f32 v8, v5;
	v9 =	vadd.s32 $0x7FFF, v9  }
0x1d1: {  	v9 =	vand.u32 $0xFFFF0000, v9  }
0x1d2: {  	v7 =	vadd.f32 v8, v7;
	v8 =	vmul.f32 v9, v6  }
0x1d3: {  	_ = 	snop  }
0x1d4: {  	v0 =	vadd.f32 v8, v7;
	_ =	sdelay $0x1  }
0x1d5: {  	[tilespmem:s30+$0x0] =	vst v0  }
0x1d6: {  	v1 =	vshrl.u32 v56, $0x10;
	[tilespmem:s22], [sflag:$0x1] =	stream.indirect.gather [hbm4b:s1+s20], $0x1, s21, s20, $0xb8;
	[tilespmem:$0xCA80] =	vst v63  }
0x1d7: {  	v2 =	vshrl.u32 v52, $0x10;
	v3 =	vshrl.u32 v53, $0x10;
	v4 =	vshrl.u32 v54, $0x10;
	_ =	swait.ge [sflag:s23], $0xE00  }
0x1d8: {  	s0 =	simm.s32 $0x0;
	v13 =	vshrl.u32 v51, $0x10;
	v1 =	vand.u32 $0x1, v1;
	v2 =	vand.u32 $0x1, v2;
	[sflag:s23] =	ssyncset.done $0x0  }
0x1d9: {  	s3 =	sand.u32 $0x1F0, s0;
	v3 =	vand.u32 $0x1, v3;
	v4 =	vand.u32 $0x1, v4;
	v7 =	vshrl.u32 v57, $0x10;
	[sflag:s23] =	ssyncadd.s32 $0xFFFFF200  }
0x1da: {  	v13 =	vand.u32 $0x1, v13;
	v1 =	vadd.s32 v1, v56;
	v2 =	vadd.s32 v2, v52;
	v5 =	vld [tilespmem:s3+$0x8200]  }
0x1db: {  	v3 =	vadd.s32 v3, v53;
	v4 =	vadd.s32 v4, v54;
	v7 =	vand.u32 $0x1, v7  }
0x1dc: {  	v0 =	vshrl.u32 v55, $0x10;
	v1 =	vadd.s32 $0x7FFF, v1;
	v2 =	vadd.s32 $0x7FFF, v2;
	v6 =	vld [tilespmem:s3+$0x8400]  }
0x1dd: {  	v3 =	vadd.s32 $0x7FFF, v3;
	v4 =	vadd.s32 $0x7FFF, v4;
	v7 =	vadd.s32 v7, v57  }
0x1de: {  	v0 =	vand.u32 $0x1, v0;
	v1 =	vand.u32 $0xFFFF0000, v1;
	v2 =	vand.u32 $0xFFFF0000, v2;
	v8 =	vld [tilespmem:s3+$0x8600]  }
0x1df: {  	v3 =	vand.u32 $0xFFFF0000, v3;
	v0 =	vadd.s32 v0, v55;
	v9 =	vshrl.u32 v5, $0x10  }
0x1e0: {  	s0 =	simm.s32 $0xC880;
	v7 =	vadd.s32 $0x7FFF, v7;
	v0 =	vadd.s32 $0x7FFF, v0;
	v10 =	vld [tilespmem:s3+$0x8800];
	v9 =	vand.u32 $0x1, v9  }
0x1e1: {  	v0 =	vand.u32 $0xFFFF0000, v0;
	v12 =	vld [tilespmem:s0+$0x0];
	v11 =	vshrl.u32 v6, $0x10;
	v9 =	vadd.s32 v9, v5  }
0x1e2: {  	v11 =	vand.u32 $0x1, v11;
	v5 =	vand.u32 $0xFFFF0000, v7;
	v7 =	vadd.s32 $0x7FFF, v9  }
0x1e3: {  	v6 =	vadd.s32 v11, v6;
	v11 =	vshrl.u32 v8, $0x10;
	v9 =	vld [tilespmem:s3+$0x8A00];
	v7 =	vand.u32 $0xFFFF0000, v7  }
0x1e4: {  	v6 =	vadd.s32 $0x7FFF, v6;
	v11 =	vand.u32 $0x1, v11;
	v7 =	vmul.f32 v7, v0  }
0x1e5: {  	v62 =	vld [tilespmem:s3+$0x8E00];
	v61 =	vshrl.u32 v10, $0x10;
	v6 =	vand.u32 $0xFFFF0000, v6;
	v8 =	vadd.s32 v11, v8  }
0x1e6: {  	v11 =	vld [tilespmem:s3+$0x8C00];
	v6 =	vmul.f32 v6, v1;
	v8 =	vadd.s32 $0x7FFF, v8;
	v7 =	vadd.f32 v7, v12  }
0x1e7: {  	v4 =	vand.u32 $0xFFFF0000, v4;
	v8 =	vand.u32 $0xFFFF0000, v8;
	v12 =	vand.u32 $0x1, v61  }
0x1e8: {  	v10 =	vadd.s32 v12, v10;
	v6 =	vadd.f32 v6, v7;
	v7 =	vshrl.u32 v9, $0x10  }
0x1e9: {  	v8 =	vmul.f32 v8, v2;
	v10 =	vadd.s32 $0x7FFF, v10;
	v7 =	vand.u32 $0x1, v7  }
0x1ea: {  	v63 =	vshrl.u32 v62, $0x10;
	v10 =	vand.u32 $0xFFFF0000, v10;
	v7 =	vadd.s32 v7, v9  }
0x1eb: {  	v9 =	vshrl.u32 v11, $0x10;
	v6 =	vadd.f32 v8, v6;
	v8 =	vmul.f32 v10, v3  }
0x1ec: {  	v10 =	vadd.s32 v13, v51;
	v7 =	vadd.s32 $0x7FFF, v7;
	v9 =	vand.u32 $0x1, v9  }
0x1ed: {  	v7 =	vand.u32 $0xFFFF0000, v7;
	v6 =	vadd.f32 v8, v6;
	v8 =	vadd.s32 v9, v11  }
0x1ee: {  	v9 =	vand.u32 $0x1, v63;
	v7 =	vmul.f32 v7, v4;
	v8 =	vadd.s32 $0x7FFF, v8  }
0x1ef: {  	v10 =	vadd.s32 $0x7FFF, v10;
	v9 =	vadd.s32 v9, v62;
	v8 =	vand.u32 $0xFFFF0000, v8  }
0x1f0: {  	v9 =	vadd.s32 $0x7FFF, v9;
	v7 =	vadd.f32 v7, v6;
	v8 =	vmul.f32 v8, v5  }
0x1f1: {  	v6 =	vand.u32 $0xFFFF0000, v10;
	v9 =	vand.u32 $0xFFFF0000, v9  }
0x1f2: {  	s29 =	simm.s32 $0x10;
	s3 =	simm.s32 $0xC880;
	v7 =	vadd.f32 v8, v7;
	v8 =	vmul.f32 v9, v6  }
.LBB2_14:
0x1f3: {  	p0 =	sne.s32 s29, $0x1F0  }
0x1f4: {  	s0 =	sadd.s32 $0x10, s0;
	s12 =	smov.u32 s29;
	s29 =	sadd.s32 $0x10, s29;
	v7 =	vadd.f32 v8, v7  }
0x1f5: {  	s12 =	sand.u32 $0x1F0, s12  }
0x1f6: {  	[tilespmem:s3+$0x0] =	vst v7;
	s3 =	smov.u32 s0  }
0x1f7: {  	v7 =	vld [tilespmem:s12+$0x8200]  }
0x1f8: {  	v8 =	vld [tilespmem:s12+$0x8400];
	_ =	sdelay $0x1  }
0x1f9: {  	v9 =	vld [tilespmem:s12+$0x8600];
	_ =	sdelay $0x1  }
0x1fa: {  	v10 =	vshrl.u32 v7, $0x10;
	v11 =	vld [tilespmem:s12+$0x8800]  }
0x1fb: {  	v12 =	vld [tilespmem:s0+$0x0];
	v10 =	vand.u32 $0x1, v10;
	v13 =	vshrl.u32 v8, $0x10  }
0x1fc: {  	v7 =	vadd.s32 v10, v7;
	v10 =	vand.u32 $0x1, v13;
	v13 =	vld [tilespmem:s12+$0x8A00]  }
0x1fd: {  	v7 =	vadd.s32 $0x7FFF, v7;
	v8 =	vadd.s32 v10, v8;
	v10 =	vshrl.u32 v9, $0x10  }
0x1fe: {  	v7 =	vand.u32 $0xFFFF0000, v7;
	v8 =	vadd.s32 $0x7FFF, v8;
	v10 =	vand.u32 $0x1, v10  }
0x1ff: {  	v7 =	vmul.f32 v7, v0;
	v8 =	vand.u32 $0xFFFF0000, v8;
	v9 =	vadd.s32 v10, v9;
	v10 =	vld [tilespmem:s12+$0x8C00]  }
0x200: {  	v14 =	vshrl.u32 v11, $0x10;
	v8 =	vmul.f32 v8, v1;
	v9 =	vadd.s32 $0x7FFF, v9  }
0x201: {  	v7 =	vadd.f32 v7, v12;
	v9 =	vand.u32 $0xFFFF0000, v9;
	v12 =	vand.u32 $0x1, v14;
	v14 =	vld [tilespmem:s12+$0x8E00]  }
0x202: {  	v9 =	vmul.f32 v9, v2;
	v11 =	vadd.s32 v12, v11;
	v12 =	vshrl.u32 v13, $0x10  }
0x203: {  	v7 =	vadd.f32 v8, v7;
	v8 =	vadd.s32 $0x7FFF, v11;
	v11 =	vand.u32 $0x1, v12  }
0x204: {  	v8 =	vand.u32 $0xFFFF0000, v8;
	v11 =	vadd.s32 v11, v13;
	v12 =	vshrl.u32 v10, $0x10  }
0x205: {  	v7 =	vadd.f32 v9, v7;
	v8 =	vmul.f32 v8, v3;
	v9 =	vadd.s32 $0x7FFF, v11  }
0x206: {  	v11 =	vand.u32 $0x1, v12;
	v9 =	vand.u32 $0xFFFF0000, v9;
	v12 =	vshrl.u32 v14, $0x10  }
0x207: {  	v7 =	vadd.f32 v8, v7;
	v8 =	vmul.f32 v9, v4;
	v9 =	vadd.s32 v11, v10  }
.Ltmp6:
0x208: {  	v10 =	vand.u32 $0x1, v12;
	v9 =	vadd.s32 $0x7FFF, v9;
	(pc) =	sbr.rel @p0 .LBB2_14-.Ltmp6, $4  }
0x209: {  	v7 =	vadd.f32 v8, v7;
	v8 =	vand.u32 $0xFFFF0000, v9;
	v9 =	vadd.s32 v10, v14  }
0x20a: {  	v8 =	vmul.f32 v8, v5;
	v9 =	vadd.s32 $0x7FFF, v9  }
0x20b: {  	v9 =	vand.u32 $0xFFFF0000, v9  }
0x20c: {  	v7 =	vadd.f32 v8, v7;
	v8 =	vmul.f32 v9, v6  }
0x20d: {  	_ = 	snop  }
0x20e: {  	v0 =	vadd.f32 v8, v7  }
0x20f: {  	v1 =	vshrl.u32 v45, $0x10;
	v2 =	vshrl.u32 v46, $0x10;
	v3 =	vshrl.u32 v50, $0x10  }
0x210: {  	v5 =	vshrl.u32 v49, $0x10;
	[tilespmem:s3+$0x0] =	vst v0;
	v0 =	vand.u32 $0x1, v1;
	v1 =	vand.u32 $0x1, v2  }
0x211: {  	v2 =	vand.u32 $0x1, v3;
	v0 =	vadd.s32 v0, v45;
	v1 =	vadd.s32 v1, v46;
	[tilespmem:s25], [sflag:$0x2] =	stream.indirect.gather [hbm4b:s1+s20], $0x1, s24, s20, $0xb8;
	[tilespmem:$0xCA80] =	vst v63  }
0x212: {  	v2 =	vadd.s32 v2, v50;
	v0 =	vadd.s32 $0x7FFF, v0;
	v1 =	vadd.s32 $0x7FFF, v1;
	_ =	swait.ge [sflag:s19], $0xC00  }
0x213: {  	s0 =	simm.s32 $0x0;
	v3 =	vadd.s32 $0x7FFF, v2;
	v4 =	vand.u32 $0xFFFF0000, v0;
	v2 =	vand.u32 $0xFFFF0000, v1;
	[sflag:s19] =	ssyncset.done $0x0  }
0x214: {  	s30 =	sand.u32 $0x1F0, s0;
	v0 =	vand.u32 $0xFFFF0000, v3;
	v1 =	vshrl.u32 v47, $0x10;
	v3 =	vshrl.u32 v48, $0x10;
	[sflag:s19] =	ssyncadd.s32 $0xFFFFF400  }
0x215: {  	v5 =	vand.u32 $0x1, v5;
	v1 =	vand.u32 $0x1, v1;
	v3 =	vand.u32 $0x1, v3;
	v9 =	vld [tilespmem:s30+$0x9000]  }
0x216: {  	v5 =	vadd.s32 v5, v49;
	v1 =	vadd.s32 v1, v47;
	v3 =	vadd.s32 v3, v48;
	v8 =	vld [tilespmem:s30+$0x9200]  }
0x217: {  	s16 =	simm.s32 $0x20;
	v7 =	vadd.s32 $0x7FFF, v5;
	v6 =	vld [tilespmem:s30+$0x9600];
	v1 =	vadd.s32 $0x7FFF, v1;
	v3 =	vadd.s32 $0x7FFF, v3  }
0x218: {  	s29 =	simm.s32 $0xC880;
	s0 =	simm.s32 $0xC880;
	s3 =	simm.s32 $0x10;
	v5 =	vand.u32 $0xFFFF0000, v1;
	v3 =	vand.u32 $0xFFFF0000, v3;
	v1 =	vand.u32 $0xFFFF0000, v7;
	v7 =	vld [tilespmem:s30+$0x9400]  }
.LBB2_16:
0x219: {  	s17 =	sand.u32 $0x1F0, s3  }
0x21a: {  	s0 =	sadd.s32 $0x10, s0;
	s3 =	smov.u32 s16;
	s12 =	sadd.s32 $0x10, s16;
	v10 =	vshrl.u32 v9, $0x10  }
0x21b: {  	p0 =	sne.s32 s16, $0x1F0;
	v11 =	vld [tilespmem:s29+$0x0];
	v10 =	vand.u32 $0x1, v10;
	v12 =	vshrl.u32 v8, $0x10  }
0x21c: {  	v9 =	vadd.s32 v10, v9;
	v10 =	vand.u32 $0x1, v12;
	v12 =	vshrl.u32 v6, $0x10;
	v13 =	vld [tilespmem:s30+$0x9800]  }
0x21d: {  	v9 =	vadd.s32 $0x7FFF, v9;
	v8 =	vadd.s32 v10, v8;
	v10 =	vshrl.u32 v7, $0x10  }
0x21e: {  	v9 =	vand.u32 $0xFFFF0000, v9;
	v8 =	vadd.s32 $0x7FFF, v8;
	v10 =	vand.u32 $0x1, v10  }
0x21f: {  	v9 =	vmul.f32 v9, v4;
	v8 =	vand.u32 $0xFFFF0000, v8;
	v7 =	vadd.s32 v10, v7;
	v10 =	vld [tilespmem:s30+$0x9A00];
	s30 =	smov.u32 s17  }
0x220: {  	v12 =	vand.u32 $0x1, v12;
	v8 =	vmul.f32 v8, v2;
	v7 =	vadd.s32 $0x7FFF, v7  }
0x221: {  	v6 =	vadd.s32 v12, v6;
	v9 =	vadd.f32 v9, v11;
	v7 =	vand.u32 $0xFFFF0000, v7  }
0x222: {  	v6 =	vadd.s32 $0x7FFF, v6;
	v11 =	vshrl.u32 v13, $0x10;
	v7 =	vmul.f32 v7, v0  }
0x223: {  	v6 =	vand.u32 $0xFFFF0000, v6;
	v8 =	vadd.f32 v8, v9;
	v9 =	vand.u32 $0x1, v11  }
0x224: {  	v6 =	vmul.f32 v6, v5;
	v9 =	vadd.s32 v9, v13;
	v11 =	vshrl.u32 v10, $0x10  }
0x225: {  	v7 =	vadd.f32 v7, v8;
	v8 =	vadd.s32 $0x7FFF, v9;
	v9 =	vand.u32 $0x1, v11  }
0x226: {  	v8 =	vand.u32 $0xFFFF0000, v8;
	v9 =	vadd.s32 v9, v10  }
0x227: {  	v6 =	vadd.f32 v6, v7;
	v7 =	vmul.f32 v8, v3;
	v8 =	vadd.s32 $0x7FFF, v9  }
0x228: {  	v8 =	vand.u32 $0xFFFF0000, v8  }
0x229: {  	v6 =	vadd.f32 v7, v6;
	v7 =	vmul.f32 v8, v1;
	_ =	sdelay $0x1  }
0x22a: {  	v6 =	vadd.f32 v7, v6;
	_ =	sdelay $0x1  }
.Ltmp7:
0x22b: {  	[tilespmem:s29+$0x0] =	vst v6;
	s29 =	smov.u32 s0;
	(pc) =	sbr.rel @p0 .LBB2_16-.Ltmp7, $4  }
0x22c: {  	v9 =	vld [tilespmem:s30+$0x9000]  }
0x22d: {  	v8 =	vld [tilespmem:s30+$0x9200]  }
0x22e: {  	v6 =	vld [tilespmem:s30+$0x9600]  }
0x22f: {  	s16 =	smov.u32 s12;
	v7 =	vld [tilespmem:s30+$0x9400]  }
0x230: {  	_ = 	snop  }
0x231: {  	v10 =	vshrl.u32 v9, $0x10  }
0x232: {  	v10 =	vand.u32 $0x1, v10  }
0x233: {  	v11 =	vshrl.u32 v8, $0x10;
	v9 =	vadd.s32 v10, v9  }
0x234: {  	v12 =	vld [tilespmem:s29+$0x0];
	v10 =	vand.u32 $0x1, v11;
	v11 =	vshrl.u32 v6, $0x10;
	v9 =	vadd.s32 $0x7FFF, v9  }
0x235: {  	v13 =	vld [tilespmem:s30+$0x9800];
	v8 =	vadd.s32 v10, v8;
	v10 =	vshrl.u32 v7, $0x10;
	v11 =	vand.u32 $0x1, v11  }
0x236: {  	v9 =	vand.u32 $0xFFFF0000, v9;
	v8 =	vadd.s32 $0x7FFF, v8;
	v10 =	vand.u32 $0x1, v10  }
0x237: {  	v6 =	vadd.s32 v11, v6;
	v9 =	vmul.f32 v9, v4;
	v7 =	vadd.s32 v10, v7;
	v10 =	vld [tilespmem:s30+$0x9A00]  }
0x238: {  	v8 =	vand.u32 $0xFFFF0000, v8;
	v6 =	vadd.s32 $0x7FFF, v6  }
0x239: {  	v8 =	vmul.f32 v8, v2;
	v7 =	vadd.s32 $0x7FFF, v7;
	v9 =	vadd.f32 v9, v12  }
0x23a: {  	v11 =	vshrl.u32 v13, $0x10;
	v6 =	vand.u32 $0xFFFF0000, v6;
	v7 =	vand.u32 $0xFFFF0000, v7  }
0x23b: {  	v7 =	vmul.f32 v7, v0;
	v8 =	vadd.f32 v8, v9;
	v9 =	vand.u32 $0x1, v11  }
0x23c: {  	v6 =	vmul.f32 v6, v5;
	v9 =	vadd.s32 v9, v13;
	v11 =	vshrl.u32 v10, $0x10  }
0x23d: {  	v7 =	vadd.f32 v7, v8;
	v8 =	vadd.s32 $0x7FFF, v9;
	v9 =	vand.u32 $0x1, v11  }
0x23e: {  	v8 =	vand.u32 $0xFFFF0000, v8;
	v9 =	vadd.s32 v9, v10  }
0x23f: {  	v6 =	vadd.f32 v6, v7;
	v7 =	vmul.f32 v8, v3;
	v8 =	vadd.s32 $0x7FFF, v9  }
0x240: {  	v8 =	vand.u32 $0xFFFF0000, v8  }
0x241: {  	v6 =	vadd.f32 v7, v6;
	v7 =	vmul.f32 v8, v1;
	_ =	sdelay $0x1  }
0x242: {  	v6 =	vadd.f32 v7, v6;
	_ =	sdelay $0x1  }
0x243: {  	s3 =	sand.u32 $0x1F0, s3;
	[tilespmem:s29+$0x0] =	vst v6  }
0x244: {  	v6 =	vld [tilespmem:s3+$0x9000]  }
0x245: {  	v7 =	vld [tilespmem:s3+$0x9200]  }
0x246: {  	v8 =	vld [tilespmem:s3+$0x9600]  }
0x247: {  	v9 =	vld [tilespmem:s3+$0x9400];
	_ =	sdelay $0x1  }
0x248: {  	v10 =	vshrl.u32 v6, $0x10  }
0x249: {  	s0 =	sadd.s32 $0x10, s0;
	v11 =	vshrl.u32 v7, $0x10;
	v10 =	vand.u32 $0x1, v10  }
0x24a: {  	v62 =	vld [tilespmem:s0+$0x0];
	v6 =	vadd.s32 v10, v6;
	v10 =	vand.u32 $0x1, v11;
	v11 =	vshrl.u32 v8, $0x10  }
0x24b: {  	v63 =	vld [tilespmem:s3+$0x9800];
	v6 =	vadd.s32 $0x7FFF, v6;
	v7 =	vadd.s32 v10, v7;
	v10 =	vshrl.u32 v9, $0x10  }
0x24c: {  	v6 =	vand.u32 $0xFFFF0000, v6;
	v7 =	vadd.s32 $0x7FFF, v7;
	v10 =	vand.u32 $0x1, v10  }
0x24d: {  	v4 =	vmul.f32 v6, v4;
	v6 =	vand.u32 $0xFFFF0000, v7;
	v7 =	vadd.s32 v10, v9;
	v9 =	vld [tilespmem:s3+$0x9A00]  }
0x24e: {  	v2 =	vmul.f32 v6, v2;
	v6 =	vadd.s32 $0x7FFF, v7;
	v7 =	vand.u32 $0x1, v11  }
0x24f: {  	v4 =	vadd.f32 v4, v62;
	v6 =	vand.u32 $0xFFFF0000, v6;
	v7 =	vadd.s32 v7, v8  }
0x250: {  	v0 =	vmul.f32 v6, v0;
	v6 =	vadd.s32 $0x7FFF, v7;
	v7 =	vshrl.u32 v63, $0x10  }
0x251: {  	v2 =	vadd.f32 v2, v4;
	v4 =	vand.u32 $0xFFFF0000, v6;
	v6 =	vand.u32 $0x1, v7  }
0x252: {  	v4 =	vmul.f32 v4, v5;
	v5 =	vadd.s32 v6, v63;
	v6 =	vshrl.u32 v9, $0x10  }
0x253: {  	v0 =	vadd.f32 v0, v2;
	v2 =	vadd.s32 $0x7FFF, v5;
	v5 =	vand.u32 $0x1, v6  }
0x254: {  	v2 =	vand.u32 $0xFFFF0000, v2;
	v5 =	vadd.s32 v5, v9  }
0x255: {  	v0 =	vadd.f32 v4, v0;
	v2 =	vmul.f32 v2, v3;
	v3 =	vadd.s32 $0x7FFF, v5  }
0x256: {  	v3 =	vand.u32 $0xFFFF0000, v3  }
0x257: {  	v0 =	vadd.f32 v2, v0;
	v1 =	vmul.f32 v3, v1  }
0x258: {  	v5 =	vshrl.u32 v44, $0x10  }
0x259: {  	v2 =	vshrl.u32 v41, $0x10;
	v0 =	vadd.f32 v1, v0;
	v1 =	vshrl.u32 v40, $0x10  }
0x25a: {  	v3 =	vshrl.u32 v42, $0x10;
	v2 =	vand.u32 $0x1, v2;
	v1 =	vand.u32 $0x1, v1  }
0x25b: {  	v3 =	vand.u32 $0x1, v3;
	[tilespmem:s0+$0x0] =	vst v0;
	v0 =	vadd.s32 v1, v40;
	v1 =	vadd.s32 v2, v41  }
0x25c: {  	v2 =	vadd.s32 v3, v42;
	v0 =	vadd.s32 $0x7FFF, v0;
	v1 =	vadd.s32 $0x7FFF, v1;
	_ =	swait.ge [sflag:s23], $0xC00  }
0x25d: {  	s31 =	simm.s32 $0x0;
	v3 =	vadd.s32 $0x7FFF, v2;
	v4 =	vand.u32 $0xFFFF0000, v0;
	v2 =	vand.u32 $0xFFFF0000, v1;
	[sflag:s23] =	ssyncset.done $0x0  }
0x25e: {  	s30 =	sand.u32 $0x1F0, s31;
	v0 =	vand.u32 $0xFFFF0000, v3;
	v1 =	vshrl.u32 v39, $0x10;
	v3 =	vshrl.u32 v43, $0x10;
	[sflag:s23] =	ssyncadd.s32 $0xFFFFF400  }
0x25f: {  	v5 =	vand.u32 $0x1, v5;
	v1 =	vand.u32 $0x1, v1;
	v3 =	vand.u32 $0x1, v3;
	v9 =	vld [tilespmem:s30+$0x9C00]  }
0x260: {  	v5 =	vadd.s32 v5, v44;
	v1 =	vadd.s32 v1, v39;
	v3 =	vadd.s32 v3, v43;
	v8 =	vld [tilespmem:s30+$0x9E00]  }
0x261: {  	s16 =	simm.s32 $0x20;
	v7 =	vadd.s32 $0x7FFF, v5;
	v6 =	vld [tilespmem:s30+$0xA200];
	v1 =	vadd.s32 $0x7FFF, v1;
	v3 =	vadd.s32 $0x7FFF, v3  }
0x262: {  	s29 =	simm.s32 $0xC880;
	s3 =	simm.s32 $0x10;
	s0 =	simm.s32 $0xC880;
	v5 =	vand.u32 $0xFFFF0000, v1;
	v3 =	vand.u32 $0xFFFF0000, v3;
	v1 =	vand.u32 $0xFFFF0000, v7;
	v7 =	vld [tilespmem:s30+$0xA000]  }
.LBB2_18:
0x263: {  	s17 =	sand.u32 $0x1F0, s3  }
0x264: {  	s0 =	sadd.s32 $0x10, s0;
	s3 =	smov.u32 s16;
	s12 =	sadd.s32 $0x10, s16;
	v10 =	vshrl.u32 v9, $0x10  }
0x265: {  	p0 =	sne.s32 s16, $0x1F0;
	v11 =	vld [tilespmem:s29+$0x0];
	v10 =	vand.u32 $0x1, v10;
	v12 =	vshrl.u32 v8, $0x10  }
0x266: {  	v9 =	vadd.s32 v10, v9;
	v10 =	vand.u32 $0x1, v12;
	v12 =	vshrl.u32 v6, $0x10;
	v13 =	vld [tilespmem:s30+$0xA400]  }
0x267: {  	v9 =	vadd.s32 $0x7FFF, v9;
	v8 =	vadd.s32 v10, v8;
	v10 =	vshrl.u32 v7, $0x10  }
0x268: {  	v9 =	vand.u32 $0xFFFF0000, v9;
	v8 =	vadd.s32 $0x7FFF, v8;
	v10 =	vand.u32 $0x1, v10  }
0x269: {  	v9 =	vmul.f32 v9, v4;
	v8 =	vand.u32 $0xFFFF0000, v8;
	v7 =	vadd.s32 v10, v7;
	v10 =	vld [tilespmem:s30+$0xA600];
	s30 =	smov.u32 s17  }
0x26a: {  	v12 =	vand.u32 $0x1, v12;
	v8 =	vmul.f32 v8, v2;
	v7 =	vadd.s32 $0x7FFF, v7  }
0x26b: {  	v6 =	vadd.s32 v12, v6;
	v9 =	vadd.f32 v9, v11;
	v7 =	vand.u32 $0xFFFF0000, v7  }
0x26c: {  	v6 =	vadd.s32 $0x7FFF, v6;
	v11 =	vshrl.u32 v13, $0x10;
	v7 =	vmul.f32 v7, v0  }
0x26d: {  	v6 =	vand.u32 $0xFFFF0000, v6;
	v8 =	vadd.f32 v8, v9;
	v9 =	vand.u32 $0x1, v11  }
0x26e: {  	v6 =	vmul.f32 v6, v5;
	v9 =	vadd.s32 v9, v13;
	v11 =	vshrl.u32 v10, $0x10  }
0x26f: {  	v7 =	vadd.f32 v7, v8;
	v8 =	vadd.s32 $0x7FFF, v9;
	v9 =	vand.u32 $0x1, v11  }
0x270: {  	v8 =	vand.u32 $0xFFFF0000, v8;
	v9 =	vadd.s32 v9, v10  }
0x271: {  	v6 =	vadd.f32 v6, v7;
	v7 =	vmul.f32 v8, v3;
	v8 =	vadd.s32 $0x7FFF, v9  }
0x272: {  	v8 =	vand.u32 $0xFFFF0000, v8  }
0x273: {  	v6 =	vadd.f32 v7, v6;
	v7 =	vmul.f32 v8, v1;
	_ =	sdelay $0x1  }
0x274: {  	v6 =	vadd.f32 v7, v6;
	_ =	sdelay $0x1  }
.Ltmp8:
0x275: {  	[tilespmem:s29+$0x0] =	vst v6;
	s29 =	smov.u32 s0;
	(pc) =	sbr.rel @p0 .LBB2_18-.Ltmp8, $4  }
0x276: {  	v9 =	vld [tilespmem:s30+$0x9C00]  }
0x277: {  	v8 =	vld [tilespmem:s30+$0x9E00]  }
0x278: {  	v6 =	vld [tilespmem:s30+$0xA200]  }
0x279: {  	s16 =	smov.u32 s12;
	v7 =	vld [tilespmem:s30+$0xA000]  }
0x27a: {  	_ = 	snop  }
0x27b: {  	v10 =	vshrl.u32 v9, $0x10  }
0x27c: {  	v13 =	vld [tilespmem:s30+$0xA400];
	v10 =	vand.u32 $0x1, v10;
	v11 =	vshrl.u32 v8, $0x10  }
0x27d: {  	v12 =	vld [tilespmem:s29+$0x0];
	v58 =	vadd.s32 v10, v9;
	v59 =	vand.u32 $0x1, v11;
	v60 =	vshrl.u32 v6, $0x10  }
0x27e: {  	v14 =	vld [tilespmem:s30+$0xA600];
	v9 =	vadd.s32 $0x7FFF, v58;
	v61 =	vadd.s32 v59, v8;
	v62 =	vshrl.u32 v7, $0x10  }
0x27f: {  	v11 =	vand.u32 $0x1, v60;
	v9 =	vand.u32 $0xFFFF0000, v9;
	v8 =	vadd.s32 $0x7FFF, v61  }
0x280: {  	v10 =	vand.u32 $0x1, v62;
	v15 =	vadd.s32 v11, v6;
	v9 =	vmul.f32 v9, v4  }
0x281: {  	v16 =	vshrl.u32 v13, $0x10;
	v8 =	vand.u32 $0xFFFF0000, v8;
	v63 =	vadd.s32 v10, v7  }
0x282: {  	v8 =	vmul.f32 v8, v2;
	v7 =	vadd.s32 $0x7FFF, v63;
	v9 =	vadd.f32 v9, v12  }
0x283: {  	v18 =	vshrl.u32 v14, $0x10;
	v6 =	vadd.s32 $0x7FFF, v15;
	v7 =	vand.u32 $0xFFFF0000, v7  }
0x284: {  	v17 =	vand.u32 $0x1, v16;
	v7 =	vmul.f32 v7, v0;
	v8 =	vadd.f32 v8, v9  }
0x285: {  	v20 =	vand.u32 $0x1, v18;
	v6 =	vand.u32 $0xFFFF0000, v6;
	v9 =	vadd.s32 v17, v13  }
0x286: {  	v6 =	vmul.f32 v6, v5;
	v19 =	vadd.s32 $0x7FFF, v9;
	v7 =	vadd.f32 v7, v8  }
0x287: {  	v9 =	vadd.s32 v20, v14;
	v8 =	vand.u32 $0xFFFF0000, v19  }
0x288: {  	v22 =	vadd.s32 $0x7FFF, v9;
	v21 =	vmul.f32 v8, v3;
	v6 =	vadd.f32 v6, v7  }
0x289: {  	v8 =	vand.u32 $0xFFFF0000, v22  }
0x28a: {  	v23 =	vmul.f32 v8, v1;
	v6 =	vadd.f32 v21, v6;
	_ =	sdelay $0x1  }
0x28b: {  	v6 =	vadd.f32 v23, v6;
	_ =	sdelay $0x1  }
0x28c: {  	s3 =	sand.u32 $0x1F0, s3;
	[tilespmem:s29+$0x0] =	vst v6  }
0x28d: {  	v6 =	vld [tilespmem:s3+$0x9C00]  }
0x28e: {  	v24 =	vld [tilespmem:s3+$0x9E00]  }
0x28f: {  	v25 =	vld [tilespmem:s3+$0xA200]  }
0x290: {  	v26 =	vld [tilespmem:s3+$0xA000]  }
0x291: {  	v44 =	vld [tilespmem:s3+$0xA400]  }
0x292: {  	v49 =	vld [tilespmem:s3+$0xA600]  }
0x293: {  	v39 =	vshrl.u32 v6, $0x10  }
0x294: {  	s0 =	sadd.s32 $0x10, s0;
	v40 =	vshrl.u32 v24, $0x10;
	v10 =	vand.u32 $0x1, v39  }
0x295: {  	v41 =	vld [tilespmem:s0+$0x0];
	v43 =	vshrl.u32 v25, $0x10;
	v45 =	vshrl.u32 v26, $0x10;
	v6 =	vadd.s32 v10, v6  }
0x296: {  	v55 =	vshrl.u32 v44, $0x10;
	v42 =	vand.u32 $0x1, v40;
	v6 =	vadd.s32 $0x7FFF, v6  }
0x297: {  	v59 =	vshrl.u32 v49, $0x10;
	v7 =	vadd.s32 v42, v24;
	v6 =	vand.u32 $0xFFFF0000, v6  }
0x298: {  	v10 =	vand.u32 $0x1, v45;
	v7 =	vadd.s32 $0x7FFF, v7;
	v46 =	vmul.f32 v6, v4  }
0x299: {  	v52 =	vand.u32 $0x1, v43;
	v48 =	vadd.s32 v10, v26;
	v47 =	vand.u32 $0xFFFF0000, v7  }
0x29a: {  	v51 =	vadd.s32 $0x7FFF, v48;
	v50 =	vmul.f32 v47, v2;
	v4 =	vadd.f32 v46, v41  }
0x29b: {  	v57 =	vand.u32 $0x1, v55;
	v7 =	vadd.s32 v52, v25;
	v6 =	vand.u32 $0xFFFF0000, v51  }
0x29c: {  	v54 =	vadd.s32 $0x7FFF, v7;
	v53 =	vmul.f32 v6, v0;
	v2 =	vadd.f32 v50, v4  }
0x29d: {  	v61 =	vand.u32 $0x1, v59;
	v58 =	vadd.s32 v57, v44;
	v56 =	vand.u32 $0xFFFF0000, v54  }
0x29e: {  	v60 =	vadd.s32 $0x7FFF, v58;
	v4 =	vmul.f32 v56, v5;
	v0 =	vadd.f32 v53, v2  }
0x29f: {  	v5 =	vadd.s32 v61, v49;
	v2 =	vand.u32 $0xFFFF0000, v60  }
0x2a0: {  	v62 =	vadd.s32 $0x7FFF, v5;
	v2 =	vmul.f32 v2, v3;
	v0 =	vadd.f32 v4, v0  }
0x2a1: {  	v3 =	vand.u32 $0xFFFF0000, v62  }
0x2a2: {  	v63 =	vmul.f32 v3, v1;
	v0 =	vadd.f32 v2, v0;
	_ =	sdelay $0x1  }
0x2a3: {  	s28 =	sadd.s32 $0x1, s28;
	v0 =	vadd.f32 v63, v0  }
0x2a4: {  	p0 =	sne.s32 s28, s8  }
.Ltmp9:
0x2a5: {  	[tilespmem:s0+$0x0] =	vst v0;
	(pc) =	sbr.rel @p0 .LBB2_1-.Ltmp9, $4  }
0x2a6: {  	[hbm4b:s7+s2] =	stream.linear.scatter [tilespmem:s26], [sflag:$0x3], $0x200, $0x38;
	[tilespmem:$0xCA80] =	vst v63  }
0x2a7: {  	_ =	swait.ge [sflag:s11], $0x200  }
0x2a8: {  	[sflag:s11] =	ssyncset.done $0x0  }
0x2a9: {  	[sflag:s11] =	ssyncadd.s32 $0xFFFFFE00  }
0x2aa: {  	_ =	sfence.sel $0x180000  }
0x2ab: {  	[bflag:$0x0] =	sbarrier.arrive $0xFFFF  }
0x2ac: {  	_ =	strace $0x90000047  }
0x2ad: {  	s0 =	stileid.u32;
	[bflag:$0x2] =	sbarrier.arrive $0xFFFF  }
0x2ae: {  	p0 =	sne.s32 s0, $0x0;
	s0 =	rddreg [dreg:$0x5]  }
0x2af: {  	s0 =	sadd.s32 @!p0 $0x100000, s0  }
0x2b0: {  	[sflag:s0] =	ssyncadd.tile.s32 @!p0 $0x1;
	_ =	shalt  }
.Lfunc_end2:
_tile_overlayer_lowered:
.L_overlay_start_2:
0x2b1: {  	(tag) =	ssettag $0x2  }
0x2b2: {  	s0 =	rddreg [dreg:$0x0];
	s2 =	stileid.u32  }
0x2b3: {  	s1 =	rddreg [dreg:$0x1];
	p0 =	sne.s32 s2, $0x0  }
0x2b4: {  	s3 =	rddreg [dreg:$0x2];
	[bflag:$0x3] =	sbarrier.arrive $0xFFFF;
	s2 =	simm.s32 @!p0 $0x1C03  }
0x2b5: {  	[timem:s3], [sflag:s2] =	dma.local @!p0 [hbm:s0], s1  }
0x2b6: {  	s0 =	simm.s32 @!p0 $0x3  }
0x2b7: {  	_ =	swait.ge @!p0 [sflag:s0], s1  }
0x2b8: {  	s1 =	ssub.s32 @!p0 $0x0, s1;
	[sflag:s0] =	ssyncset.done @!p0 $0x0  }
0x2b9: {  	[sflag:s0] =	ssyncadd.s32 @!p0 s1  }
0x2ba: {  	[bflag:$0x3] =	sbarrier.arrive $0xFFFF  }
0x2bb: {  	_ =	shalt  }

</sc_bundles>
